<compile_context>
chip_gen: v7x
topology: tpu7x:2x2x1
jax: 0.10.2.dev20260603
libtpu: 0.0.44.dev20260713+nightly
codegen_flags: <defaults>
</compile_context>

<pallas_src>
import functools

import jax
import jax.numpy as jnp
from jax import lax
from jax.experimental import pallas as pl
from jax.experimental.pallas import tpu as pltpu
from jax.experimental.pallas import tpu_sc as plsc

N = 10000
D = 128
E = 320000
NC = 2
NS = 16
B = 128

E_TILE = 10240
E_CORE = E_TILE * NS
E_PAD = E_CORE * NC
CHUNKS = E_TILE // B
PC = CHUNKS // 2
NROW = N + 8

N_CHUNKS = N // B
N_REM = N - N_CHUNKS * B
CHUNKS_PER_TILE = (N_CHUNKS + NS - 1) // NS

SPLIT = 4

_mesh = plsc.VectorSubcoreMesh(
    core_axis_name="c", subcore_axis_name="s", num_cores=NC, num_subcores=NS)


def _each_tile_rows(s, fn):

    def body(i, _):
        k = s * CHUNKS_PER_TILE + i

        @pl.when(k < N_CHUNKS)
        def _():
            fn(k * B, B)

        return 0

    lax.fori_loop(0, CHUNKS_PER_TILE, body, 0)

    @pl.when(s == NS - 1)
    def _():
        fn(N_CHUNKS * B, N_REM)


def _zero_shared(acc_sh, zbuf, s):
    zero = jnp.zeros((16,), jnp.float32)

    def zrow(i, _):
        for j in range(D // 16):
            zbuf[i, pl.ds(16 * j, 16)] = zero
        return 0

    lax.fori_loop(0, B, zrow, 0)

    def zero_rows(off, nr):
        pltpu.sync_copy(zbuf.at[pl.ds(0, nr)], acc_sh.at[pl.ds(off, nr)])

    _each_tile_rows(s, zero_rows)

    @pl.when(s == 0)
    def _():
        pltpu.sync_copy(zbuf.at[pl.ds(0, NROW - N)], acc_sh.at[pl.ds(N, NROW - N)])


@functools.partial(
    pl.kernel,
    out_type=jax.ShapeDtypeStruct((NC, N, D), jnp.float32),
    mesh=_mesh,
    scratch_types=[
        pltpu.VMEM((PC, B), jnp.int32),
        pltpu.VMEM((PC, B), jnp.int32),
        pltpu.VMEM((B, D), jnp.float32),
        pltpu.VMEM((B, D), jnp.float32),
        pltpu.VMEM_SHARED((NROW, D), jnp.float32),
        pltpu.SemaphoreType.DMA,
        pltpu.SemaphoreType.DMA,
    ],
)
def _sc_scatter(g_hbm, src_hbm, dst_hbm, out_hbm, src_v, dst_v, buf0, buf1,
                acc_sh, sem0, sem1):
    c = lax.axis_index("c")
    s = lax.axis_index("s")
    wid = c * NS + s

    _zero_shared(acc_sh, buf0, s)
    plsc.subcore_barrier()

    SB = B // SPLIT

    def fire(k, buf, sem):
        for j in range(SPLIT):
            pltpu.async_copy(g_hbm.at[src_v.at[k, pl.ds(j * SB, SB)]],
                             buf.at[pl.ds(j * SB, SB)], sem)

    def drain(buf, sem):
        pltpu.make_async_copy(g_hbm.at[pl.ds(0, B)], buf, sem).wait()

    def scat(k, buf):
        pltpu.sync_copy(buf, acc_sh.at[dst_v.at[k]], add=True)

    for p in range(CHUNKS // PC):
        pltpu.sync_copy(src_hbm.at[pl.ds(wid * CHUNKS + p * PC, PC)], src_v)
        pltpu.sync_copy(dst_hbm.at[pl.ds(wid * CHUNKS + p * PC, PC)], dst_v)
        fire(0, buf0, sem0)

        def body(i, _):
            k0 = 2 * i
            fire(k0 + 1, buf1, sem1)
            drain(buf0, sem0)
            scat(k0, buf0)

            @pl.when(k0 + 2 < PC)
            def _():
                fire(k0 + 2, buf0, sem0)

            drain(buf1, sem1)
            scat(k0 + 1, buf1)
            return 0

        lax.fori_loop(0, PC // 2, body, 0)

    plsc.subcore_barrier()

    def copy_rows(off, nr):
        pltpu.sync_copy(acc_sh.at[pl.ds(off, nr)],
                        out_hbm.at[c, pl.ds(off, nr)])

    _each_tile_rows(s, copy_rows)


@functools.partial(
    pl.kernel,
    out_type=jax.ShapeDtypeStruct((NC, N, D), jnp.float32),
    mesh=_mesh,
    scratch_types=[
        pltpu.VMEM((CHUNKS, B), jnp.int32),
        pltpu.VMEM((B, D), jnp.float32),
        pltpu.VMEM((B, D), jnp.float32),
        pltpu.VMEM_SHARED((NROW, D), jnp.float32),
    ],
)
def _sc_degree(dst_hbm, out_hbm, dst_v, ones_v, zbuf, acc_sh):
    c = lax.axis_index("c")
    s = lax.axis_index("s")
    wid = c * NS + s

    pltpu.sync_copy(dst_hbm.at[pl.ds(wid * CHUNKS, CHUNKS)], dst_v)

    _zero_shared(acc_sh, zbuf, s)

    one = jnp.ones((16,), jnp.float32)

    def orow(i, _):
        for j in range(D // 16):
            ones_v[i, pl.ds(16 * j, 16)] = one
        return 0

    lax.fori_loop(0, B, orow, 0)
    plsc.subcore_barrier()

    def chunk(k, _):
        pltpu.sync_copy(ones_v, acc_sh.at[dst_v.at[k]], add=True)
        return 0

    lax.fori_loop(0, CHUNKS, chunk, 0)

    plsc.subcore_barrier()

    def copy_rows(off, nr):
        pltpu.sync_copy(acc_sh.at[pl.ds(off, nr)],
                        out_hbm.at[c, pl.ds(off, nr)])

    _each_tile_rows(s, copy_rows)


BLK = 1000


def _dis_from_deg(degp):
    deg = degp[0, :, 0:1] + degp[1, :, 0:1] + 1.0
    return lax.rsqrt(deg)


def _tc_first_body(x_ref, w_ref, degp_ref, g_ref):
    dis = _dis_from_deg(degp_ref[...])
    h = jnp.dot(x_ref[...], w_ref[...], preferred_element_type=jnp.float32)
    g_ref[...] = h * dis


def _tc_mid_body(accp_ref, g_ref, degp_ref, b_ref, w_ref, out_ref):
    dis = _dis_from_deg(degp_ref[...])
    acc = accp_ref[0] + accp_ref[1] + g_ref[...]
    h1 = jnp.maximum(acc * dis + b_ref[...], 0.0)
    out_ref[...] = jnp.dot(h1, w_ref[...],
                           preferred_element_type=jnp.float32) * dis


def _tc_final_body(accp_ref, g_ref, degp_ref, b_ref, out_ref):
    dis = _dis_from_deg(degp_ref[...])
    logits = (accp_ref[0] + accp_ref[1] + g_ref[...]) * dis + b_ref[...]
    m = jnp.max(logits, axis=1, keepdims=True)
    e = jnp.exp(logits - m)
    out_ref[...] = e / jnp.sum(e, axis=1, keepdims=True)


_row_spec = pl.BlockSpec((BLK, D), lambda i: (i, 0))
_accp_spec = pl.BlockSpec((NC, BLK, D), lambda i: (0, i, 0))
_w_spec = pl.BlockSpec((D, D), lambda i: (0, 0))
_b_spec = pl.BlockSpec((1, D), lambda i: (0, 0))
_grid = (N // BLK,)
_out_shape = jax.ShapeDtypeStruct((N, D), jnp.float32)

_tc_first = pl.pallas_call(
    _tc_first_body, grid=_grid,
    in_specs=[_row_spec, _w_spec, _accp_spec],
    out_specs=_row_spec, out_shape=_out_shape)

_tc_mid = pl.pallas_call(
    _tc_mid_body, grid=_grid,
    in_specs=[_accp_spec, _row_spec, _accp_spec, _b_spec, _w_spec],
    out_specs=_row_spec, out_shape=_out_shape)

_tc_final = pl.pallas_call(
    _tc_final_body, grid=_grid,
    in_specs=[_accp_spec, _row_spec, _accp_spec, _b_spec],
    out_specs=_row_spec, out_shape=_out_shape)


@jax.jit
def kernel(x, edge_index, W1, b1, W2, b2):
    ei = edge_index.astype(jnp.int32)
    pad = E_PAD - E
    src = jnp.concatenate([ei[0], jnp.zeros((pad,), jnp.int32)])
    dst = jnp.concatenate([ei[1], jnp.full((pad,), N, jnp.int32)])
    src = src.reshape(E_PAD // B, B)
    dst = dst.reshape(E_PAD // B, B)
    degp = _sc_degree(dst)
    g1 = _tc_first(x, W1, degp)
    acc1 = _sc_scatter(g1, src, dst)
    g2 = _tc_mid(acc1, g1, degp, b1.reshape(1, D), W2)
    acc2 = _sc_scatter(g2, src, dst)
    return _tc_final(acc2, g2, degp, b2.reshape(1, D))

# --- scband reference (transcript-rebuilt; emitter-appended) ---
"""Pipeline reference for scband-gcn-79843442033132 (READ-ONLY COPY).

The authoritative reference and input builder live on the scoring server;
editing this copy changes nothing except your own understanding.
"""

import jax, jax.numpy as jnp
import numpy as np

N_NODES = 10000
D_FEAT = 128
H1 = 128
H2 = 128
N_EDGES = 320000


def gcn_conv(x, edge_index, W, b, num_nodes):
    # PyG GCNConv: add self loops, symmetric normalization, aggregate at dst
    src = edge_index[0]
    dst = edge_index[1]
    loop = jnp.arange(num_nodes, dtype=edge_index.dtype)
    src = jnp.concatenate([src, loop])
    dst = jnp.concatenate([dst, loop])
    ew = jnp.ones(src.shape[0], dtype=x.dtype)
    deg = jnp.zeros((num_nodes,), dtype=x.dtype).at[dst].add(ew)
    deg_inv_sqrt = jnp.where(deg > 0, deg ** -0.5, 0.0)
    norm = deg_inv_sqrt[src] * ew * deg_inv_sqrt[dst]
    h = x @ W
    msg = h[src] * norm[:, None]
    out = jnp.zeros((num_nodes, W.shape[1]), dtype=x.dtype).at[dst].add(msg)
    return out + b


def setup_inputs(seed: int = 0) -> dict:
    key = jax.random.key(seed)
    k1, k2, k3, k4, k5, k6 = jax.random.split(key, 6)
    x = jax.random.normal(k1, (N_NODES, D_FEAT), dtype=jnp.float32)
    edge_index = jax.random.randint(k2, (2, N_EDGES), 0, N_NODES, dtype=jnp.int64)
    W1 = jax.random.normal(k3, (D_FEAT, H1), dtype=jnp.float32) * (1.0 / np.sqrt(D_FEAT))
    b1 = jnp.zeros((H1,), dtype=jnp.float32)
    W2 = jax.random.normal(k4, (H1, H2), dtype=jnp.float32) * (1.0 / np.sqrt(H1))
    b2 = jnp.zeros((H2,), dtype=jnp.float32)
    return {"x": x, "edge_index": edge_index, "W1": W1, "b1": b1, "W2": W2, "b2": b2}


def reference(x, edge_index, W1, b1, W2, b2):
    num_nodes = x.shape[0]
    h = gcn_conv(x, edge_index, W1, b1, num_nodes)
    h = jax.nn.relu(h)
    # dropout p=0.3 is identity in eval mode (training=False)
    h = gcn_conv(h, edge_index, W2, b2, num_nodes)
    return jax.nn.softmax(h, axis=1)

if __name__ == "__main__":
    import jax
    _d = setup_inputs()
    print(jax.jit(kernel)(*tuple(_d.values())))

</pallas_src>

<mosaic_0001>
#map = affine_map<(d0, d1) -> (0, 0)>
#map1 = affine_map<(d0, d1) -> (0, 0, 0)>
module attributes {stable_mosaic.version = 14 : i64} {
  func.func @_sc_scatter(%arg0: i32, %arg1: i32, %arg2: memref<10000x128xf32, #tpu.memory_space<hbm>>, %arg3: memref<2560x128xi32, #tpu.memory_space<hbm>>, %arg4: memref<2560x128xi32, #tpu.memory_space<hbm>>, %arg5: memref<2x10000x128xf32, #tpu.memory_space<hbm>>, %arg6: memref<40x128xi32, #tpu.memory_space<vmem>>, %arg7: memref<40x128xi32, #tpu.memory_space<vmem>>, %arg8: memref<128x128xf32, #tpu.memory_space<vmem>>, %arg9: memref<128x128xf32, #tpu.memory_space<vmem>>, %arg10: memref<10008x128xf32, #tpu.memory_space<vmem_shared>>, %arg11: memref<!tpu.dma_semaphore, #tpu.memory_space<semaphore_mem>>, %arg12: memref<!tpu.dma_semaphore, #tpu.memory_space<semaphore_mem>>) attributes {dimension_semantics = [#tpu.dimension_semantics<core_parallel>, #tpu.dimension_semantics<subcore_parallel>], iteration_bounds = array<i64: 2, 16>, scalar_prefetch = 0 : i64, scratch_operands = 7 : i64, tpu.core_type = #tpu.core_type<sc_vector_subcore>, window_params = [{transform_indices = #map}, {transform_indices = #map}, {transform_indices = #map}, {transform_indices = #map1}]} {
    %mul3A = arith.constant 16 : i32
    %mul3A_0 = arith.muli %arg0, %mul3A : i32
    %add3A = arith.addi %mul3A_0, %arg1 : i32
    %broadcast_in_dim3A = arith.constant 0.000000e+00 : f32
    %broadcast_in_dim3A_1 = vector.broadcast %broadcast_in_dim3A : f32 to vector<16xf32>
    %scan3A = arith.constant 0 : i32
    %scan3A_2 = arith.constant 0 : i32
    %scan3A_3 = arith.constant 128 : i32
    %scan3A_4 = arith.addi %scan3A_2, %scan3A_3 : i32
    %scan3A_5 = arith.constant 1 : i32
    %scan3A_6 = scf.for %scan3A_144 = %scan3A_2 to %scan3A_4 step %scan3A_5 iter_args(%scan3A_145 = %scan3A) -> (i32)  : i32 {
      %swap3A = arith.index_cast %scan3A_144 : i32 to index
      %swap3A_146 = arith.constant 0 : index
      %swap3A_147 = tpu.vector_load %arg8[%swap3A, %swap3A_146] {strides = array<i32>} : memref<128x128xf32, #tpu.memory_space<vmem>>, vector<1x16xf32>,
      %swap3A_148 = vector.shape_cast %swap3A_147 : vector<1x16xf32> to vector<16xf32>
      %swap3A_149 = vector.shape_cast %broadcast_in_dim3A_1 : vector<16xf32> to vector<1x16xf32>
      tpu.vector_store %arg8[%swap3A, %swap3A_146], %swap3A_149 {strides = array<i32>} : memref<128x128xf32, #tpu.memory_space<vmem>>, vector<1x16xf32>,
      %swap3A_150 = arith.index_cast %scan3A_144 : i32 to index
      %swap3A_151 = arith.constant 16 : index
      %swap3A_152 = tpu.vector_load %arg8[%swap3A_150, %swap3A_151] {strides = array<i32>} : memref<128x128xf32, #tpu.memory_space<vmem>>, vector<1x16xf32>,
      %swap3A_153 = vector.shape_cast %swap3A_152 : vector<1x16xf32> to vector<16xf32>
      %swap3A_154 = vector.shape_cast %broadcast_in_dim3A_1 : vector<16xf32> to vector<1x16xf32>
      tpu.vector_store %arg8[%swap3A_150, %swap3A_151], %swap3A_154 {strides = array<i32>} : memref<128x128xf32, #tpu.memory_space<vmem>>, vector<1x16xf32>,
      %swap3A_155 = arith.index_cast %scan3A_144 : i32 to index
      %swap3A_156 = arith.constant 32 : index
      %swap3A_157 = tpu.vector_load %arg8[%swap3A_155, %swap3A_156] {strides = array<i32>} : memref<128x128xf32, #tpu.memory_space<vmem>>, vector<1x16xf32>,
      %swap3A_158 = vector.shape_cast %swap3A_157 : vector<1x16xf32> to vector<16xf32>
      %swap3A_159 = vector.shape_cast %broadcast_in_dim3A_1 : vector<16xf32> to vector<1x16xf32>
      tpu.vector_store %arg8[%swap3A_155, %swap3A_156], %swap3A_159 {strides = array<i32>} : memref<128x128xf32, #tpu.memory_space<vmem>>, vector<1x16xf32>,
      %swap3A_160 = arith.index_cast %scan3A_144 : i32 to index
      %swap3A_161 = arith.constant 48 : index
      %swap3A_162 = tpu.vector_load %arg8[%swap3A_160, %swap3A_161] {strides = array<i32>} : memref<128x128xf32, #tpu.memory_space<vmem>>, vector<1x16xf32>,
      %swap3A_163 = vector.shape_cast %swap3A_162 : vector<1x16xf32> to vector<16xf32>
      %swap3A_164 = vector.shape_cast %broadcast_in_dim3A_1 : vector<16xf32> to vector<1x16xf32>
      tpu.vector_store %arg8[%swap3A_160, %swap3A_161], %swap3A_164 {strides = array<i32>} : memref<128x128xf32, #tpu.memory_space<vmem>>, vector<1x16xf32>,
      %swap3A_165 = arith.index_cast %scan3A_144 : i32 to index
      %swap3A_166 = arith.constant 64 : index
      %swap3A_167 = tpu.vector_load %arg8[%swap3A_165, %swap3A_166] {strides = array<i32>} : memref<128x128xf32, #tpu.memory_space<vmem>>, vector<1x16xf32>,
      %swap3A_168 = vector.shape_cast %swap3A_167 : vector<1x16xf32> to vector<16xf32>
      %swap3A_169 = vector.shape_cast %broadcast_in_dim3A_1 : vector<16xf32> to vector<1x16xf32>
      tpu.vector_store %arg8[%swap3A_165, %swap3A_166], %swap3A_169 {strides = array<i32>} : memref<128x128xf32, #tpu.memory_space<vmem>>, vector<1x16xf32>,
      %swap3A_170 = arith.index_cast %scan3A_144 : i32 to index
      %swap3A_171 = arith.constant 80 : index
      %swap3A_172 = tpu.vector_load %arg8[%swap3A_170, %swap3A_171] {strides = array<i32>} : memref<128x128xf32, #tpu.memory_space<vmem>>, vector<1x16xf32>,
      %swap3A_173 = vector.shape_cast %swap3A_172 : vector<1x16xf32> to vector<16xf32>
      %swap3A_174 = vector.shape_cast %broadcast_in_dim3A_1 : vector<16xf32> to vector<1x16xf32>
      tpu.vector_store %arg8[%swap3A_170, %swap3A_171], %swap3A_174 {strides = array<i32>} : memref<128x128xf32, #tpu.memory_space<vmem>>, vector<1x16xf32>,
      %swap3A_175 = arith.index_cast %scan3A_144 : i32 to index
      %swap3A_176 = arith.constant 96 : index
      %swap3A_177 = tpu.vector_load %arg8[%swap3A_175, %swap3A_176] {strides = array<i32>} : memref<128x128xf32, #tpu.memory_space<vmem>>, vector<1x16xf32>,
      %swap3A_178 = vector.shape_cast %swap3A_177 : vector<1x16xf32> to vector<16xf32>
      %swap3A_179 = vector.shape_cast %broadcast_in_dim3A_1 : vector<16xf32> to vector<1x16xf32>
      tpu.vector_store %arg8[%swap3A_175, %swap3A_176], %swap3A_179 {strides = array<i32>} : memref<128x128xf32, #tpu.memory_space<vmem>>, vector<1x16xf32>,
      %swap3A_180 = arith.index_cast %scan3A_144 : i32 to index
      %swap3A_181 = arith.constant 112 : index
      %swap3A_182 = tpu.vector_load %arg8[%swap3A_180, %swap3A_181] {strides = array<i32>} : memref<128x128xf32, #tpu.memory_space<vmem>>, vector<1x16xf32>,
      %swap3A_183 = vector.shape_cast %swap3A_182 : vector<1x16xf32> to vector<16xf32>
      %swap3A_184 = vector.shape_cast %broadcast_in_dim3A_1 : vector<16xf32> to vector<1x16xf32>
      tpu.vector_store %arg8[%swap3A_180, %swap3A_181], %swap3A_184 {strides = array<i32>} : memref<128x128xf32, #tpu.memory_space<vmem>>, vector<1x16xf32>,
      %scan3A_185 = arith.constant 0 : i32
      scf.yield %scan3A_185 : i32
    }
    %scan3A_7 = arith.constant 128 : i32
    %scan3A_8 = arith.constant 0 : i32
    %scan3A_9 = arith.constant 0 : i32
    %scan3A_10 = arith.constant 5 : i32
    %scan3A_11 = arith.addi %scan3A_9, %scan3A_10 : i32
    %scan3A_12 = arith.constant 1 : i32
    %scan3A_13 = scf.for %scan3A_144 = %scan3A_9 to %scan3A_11 step %scan3A_12 iter_args(%scan3A_145 = %scan3A_8) -> (i32)  : i32 {
      %mul3A_146 = arith.constant 5 : i32
      %mul3A_147 = arith.muli %arg1, %mul3A_146 : i32
      %add3A_148 = arith.addi %mul3A_147, %scan3A_144 : i32
      %lt3A = arith.constant 78 : i32
      %lt3A_149 = arith.cmpi slt, %add3A_148, %lt3A : i32
      %convert_element_type3A_150 = arith.extui %lt3A_149 : i1 to i32
      %cond3A_151 = arith.constant 0 : i32
      %cond3A_152 = arith.cmpi ne, %convert_element_type3A_150, %cond3A_151 : i32
      scf.if %cond3A_152 {
        %mul3A_154 = arith.constant 128 : i32
        %mul3A_155 = arith.muli %add3A_148, %mul3A_154 : i32
        "tpu.region"() ({
          %run_scoped3A = tpu.sem_alloc : memref<!tpu.dma_semaphore, #tpu.memory_space<semaphore_mem>>
          %dma_start3A_156 = arith.constant 0 : i32
          %dma_start3A_157 = arith.constant 0 : i32
          %dma_start3A_158 = tpu.memref_slice %arg8[%dma_start3A_156, %dma_start3A_157] : memref<128x128xf32, #tpu.memory_space<vmem>> -> memref<128x128xf32, #tpu.memory_space<vmem>>
          %dma_start3A_159 = arith.constant 0 : i32
          %dma_start3A_160 = tpu.memref_slice %arg10[%mul3A_155, %dma_start3A_159] : memref<10008x128xf32, #tpu.memory_space<vmem_shared>> -> memref<128x128xf32, #tpu.memory_space<vmem_shared>>
          %dma_start3A_161 = arith.constant 0 : i32
          %dma_start3A_162 = tpu.memref_slice %arg10[%mul3A_155, %dma_start3A_161] : memref<10008x128xf32, #tpu.memory_space<vmem_shared>> -> memref<128x128xf32, #tpu.memory_space<vmem_shared>>
          %dma_start3A_163 = arith.constant 0 : i32
          %dma_start3A_164 = arith.constant 0 : i32
          %dma_start3A_165 = tpu.memref_slice %arg8[%dma_start3A_163, %dma_start3A_164] : memref<128x128xf32, #tpu.memory_space<vmem>> -> memref<128x128xf32, #tpu.memory_space<vmem>>
          tpu.enqueue_dma source(%dma_start3A_165 : memref<128x128xf32, #tpu.memory_space<vmem>>) target(%dma_start3A_162 : memref<128x128xf32, #tpu.memory_space<vmem_shared>>) target_semaphore(%run_scoped3A : memref<!tpu.dma_semaphore, #tpu.memory_space<semaphore_mem>>)
          %dma_wait3A = arith.constant 0 : i32
          %dma_wait3A_166 = arith.constant 0 : i32
          %dma_wait3A_167 = tpu.memref_slice %arg8[%dma_wait3A, %dma_wait3A_166] : memref<128x128xf32, #tpu.memory_space<vmem>> -> memref<128x128xf32, #tpu.memory_space<vmem>>
          %dma_wait3A_168 = arith.constant 0 : i32
          %dma_wait3A_169 = tpu.memref_slice %arg10[%mul3A_155, %dma_wait3A_168] : memref<10008x128xf32, #tpu.memory_space<vmem_shared>> -> memref<128x128xf32, #tpu.memory_space<vmem_shared>>
          %dma_wait3A_170 = arith.constant 0 : i32
          %dma_wait3A_171 = tpu.memref_slice %arg10[%mul3A_155, %dma_wait3A_170] : memref<10008x128xf32, #tpu.memory_space<vmem_shared>> -> memref<128x128xf32, #tpu.memory_space<vmem_shared>>
          %dma_wait3A_172 = arith.constant 0 : i32
          %dma_wait3A_173 = arith.constant 0 : i32
          %dma_wait3A_174 = tpu.memref_slice %arg8[%dma_wait3A_172, %dma_wait3A_173] : memref<128x128xf32, #tpu.memory_space<vmem>> -> memref<128x128xf32, #tpu.memory_space<vmem>>
          tpu.wait_dma2 semaphore(%run_scoped3A : memref<!tpu.dma_semaphore, #tpu.memory_space<semaphore_mem>>) src(%dma_wait3A_174 : memref<128x128xf32, #tpu.memory_space<vmem>>) dst(%dma_wait3A_171 : memref<128x128xf32, #tpu.memory_space<vmem_shared>>)
          tpu.yield
        }) : () -> ()
      } else {
      }
      %scan3A_153 = arith.constant 0 : i32
      scf.yield %scan3A_153 : i32
    }
    %scan3A_14 = arith.constant 5 : i32
    %eq3A = arith.constant 15 : i32
    %eq3A_15 = arith.cmpi eq, %arg1, %eq3A : i32
    %convert_element_type3A = arith.extui %eq3A_15 : i1 to i32
    %cond3A = arith.constant 0 : i32
    %cond3A_16 = arith.cmpi ne, %convert_element_type3A, %cond3A : i32
    scf.if %cond3A_16 {
      "tpu.region"() ({
        %run_scoped3A = tpu.sem_alloc : memref<!tpu.dma_semaphore, #tpu.memory_space<semaphore_mem>>
        %dma_start3A_144 = arith.constant 0 : i32
        %dma_start3A_145 = arith.constant 0 : i32
        %dma_start3A_146 = tpu.memref_slice %arg8[%dma_start3A_144, %dma_start3A_145] : memref<128x128xf32, #tpu.memory_space<vmem>> -> memref<16x128xf32, #tpu.memory_space<vmem>>
        %dma_start3A_147 = arith.constant 9984 : i32
        %dma_start3A_148 = arith.constant 0 : i32
        %dma_start3A_149 = tpu.memref_slice %arg10[%dma_start3A_147, %dma_start3A_148] : memref<10008x128xf32, #tpu.memory_space<vmem_shared>> -> memref<16x128xf32, #tpu.memory_space<vmem_shared>>
        %dma_start3A_150 = arith.constant 9984 : i32
        %dma_start3A_151 = arith.constant 0 : i32
        %dma_start3A_152 = tpu.memref_slice %arg10[%dma_start3A_150, %dma_start3A_151] : memref<10008x128xf32, #tpu.memory_space<vmem_shared>> -> memref<16x128xf32, #tpu.memory_space<vmem_shared>>
        %dma_start3A_153 = arith.constant 0 : i32
        %dma_start3A_154 = arith.constant 0 : i32
        %dma_start3A_155 = tpu.memref_slice %arg8[%dma_start3A_153, %dma_start3A_154] : memref<128x128xf32, #tpu.memory_space<vmem>> -> memref<16x128xf32, #tpu.memory_space<vmem>>
        tpu.enqueue_dma source(%dma_start3A_155 : memref<16x128xf32, #tpu.memory_space<vmem>>) target(%dma_start3A_152 : memref<16x128xf32, #tpu.memory_space<vmem_shared>>) target_semaphore(%run_scoped3A : memref<!tpu.dma_semaphore, #tpu.memory_space<semaphore_mem>>)
        %dma_wait3A = arith.constant 0 : i32
        %dma_wait3A_156 = arith.constant 0 : i32
        %dma_wait3A_157 = tpu.memref_slice %arg8[%dma_wait3A, %dma_wait3A_156] : memref<128x128xf32, #tpu.memory_space<vmem>> -> memref<16x128xf32, #tpu.memory_space<vmem>>
        %dma_wait3A_158 = arith.constant 9984 : i32
        %dma_wait3A_159 = arith.constant 0 : i32
        %dma_wait3A_160 = tpu.memref_slice %arg10[%dma_wait3A_158, %dma_wait3A_159] : memref<10008x128xf32, #tpu.memory_space<vmem_shared>> -> memref<16x128xf32, #tpu.memory_space<vmem_shared>>
        %dma_wait3A_161 = arith.constant 9984 : i32
        %dma_wait3A_162 = arith.constant 0 : i32
        %dma_wait3A_163 = tpu.memref_slice %arg10[%dma_wait3A_161, %dma_wait3A_162] : memref<10008x128xf32, #tpu.memory_space<vmem_shared>> -> memref<16x128xf32, #tpu.memory_space<vmem_shared>>
        %dma_wait3A_164 = arith.constant 0 : i32
        %dma_wait3A_165 = arith.constant 0 : i32
        %dma_wait3A_166 = tpu.memref_slice %arg8[%dma_wait3A_164, %dma_wait3A_165] : memref<128x128xf32, #tpu.memory_space<vmem>> -> memref<16x128xf32, #tpu.memory_space<vmem>>
        tpu.wait_dma2 semaphore(%run_scoped3A : memref<!tpu.dma_semaphore, #tpu.memory_space<semaphore_mem>>) src(%dma_wait3A_166 : memref<16x128xf32, #tpu.memory_space<vmem>>) dst(%dma_wait3A_163 : memref<16x128xf32, #tpu.memory_space<vmem_shared>>)
        tpu.yield
      }) : () -> ()
    } else {
    }
    %eq3A_17 = arith.constant 0 : i32
    %eq3A_18 = arith.cmpi eq, %arg1, %eq3A_17 : i32
    %convert_element_type3A_19 = arith.extui %eq3A_18 : i1 to i32
    %cond3A_20 = arith.constant 0 : i32
    %cond3A_21 = arith.cmpi ne, %convert_element_type3A_19, %cond3A_20 : i32
    scf.if %cond3A_21 {
      "tpu.region"() ({
        %run_scoped3A = tpu.sem_alloc : memref<!tpu.dma_semaphore, #tpu.memory_space<semaphore_mem>>
        %dma_start3A_144 = arith.constant 0 : i32
        %dma_start3A_145 = arith.constant 0 : i32
        %dma_start3A_146 = tpu.memref_slice %arg8[%dma_start3A_144, %dma_start3A_145] : memref<128x128xf32, #tpu.memory_space<vmem>> -> memref<8x128xf32, #tpu.memory_space<vmem>>
        %dma_start3A_147 = arith.constant 10000 : i32
        %dma_start3A_148 = arith.constant 0 : i32
        %dma_start3A_149 = tpu.memref_slice %arg10[%dma_start3A_147, %dma_start3A_148] : memref<10008x128xf32, #tpu.memory_space<vmem_shared>> -> memref<8x128xf32, #tpu.memory_space<vmem_shared>>
        %dma_start3A_150 = arith.constant 10000 : i32
        %dma_start3A_151 = arith.constant 0 : i32
        %dma_start3A_152 = tpu.memref_slice %arg10[%dma_start3A_150, %dma_start3A_151] : memref<10008x128xf32, #tpu.memory_space<vmem_shared>> -> memref<8x128xf32, #tpu.memory_space<vmem_shared>>
        %dma_start3A_153 = arith.constant 0 : i32
        %dma_start3A_154 = arith.constant 0 : i32
        %dma_start3A_155 = tpu.memref_slice %arg8[%dma_start3A_153, %dma_start3A_154] : memref<128x128xf32, #tpu.memory_space<vmem>> -> memref<8x128xf32, #tpu.memory_space<vmem>>
        tpu.enqueue_dma source(%dma_start3A_155 : memref<8x128xf32, #tpu.memory_space<vmem>>) target(%dma_start3A_152 : memref<8x128xf32, #tpu.memory_space<vmem_shared>>) target_semaphore(%run_scoped3A : memref<!tpu.dma_semaphore, #tpu.memory_space<semaphore_mem>>)
        %dma_wait3A = arith.constant 0 : i32
        %dma_wait3A_156 = arith.constant 0 : i32
        %dma_wait3A_157 = tpu.memref_slice %arg8[%dma_wait3A, %dma_wait3A_156] : memref<128x128xf32, #tpu.memory_space<vmem>> -> memref<8x128xf32, #tpu.memory_space<vmem>>
        %dma_wait3A_158 = arith.constant 10000 : i32
        %dma_wait3A_159 = arith.constant 0 : i32
        %dma_wait3A_160 = tpu.memref_slice %arg10[%dma_wait3A_158, %dma_wait3A_159] : memref<10008x128xf32, #tpu.memory_space<vmem_shared>> -> memref<8x128xf32, #tpu.memory_space<vmem_shared>>
        %dma_wait3A_161 = arith.constant 10000 : i32
        %dma_wait3A_162 = arith.constant 0 : i32
        %dma_wait3A_163 = tpu.memref_slice %arg10[%dma_wait3A_161, %dma_wait3A_162] : memref<10008x128xf32, #tpu.memory_space<vmem_shared>> -> memref<8x128xf32, #tpu.memory_space<vmem_shared>>
        %dma_wait3A_164 = arith.constant 0 : i32
        %dma_wait3A_165 = arith.constant 0 : i32
        %dma_wait3A_166 = tpu.memref_slice %arg8[%dma_wait3A_164, %dma_wait3A_165] : memref<128x128xf32, #tpu.memory_space<vmem>> -> memref<8x128xf32, #tpu.memory_space<vmem>>
        tpu.wait_dma2 semaphore(%run_scoped3A : memref<!tpu.dma_semaphore, #tpu.memory_space<semaphore_mem>>) src(%dma_wait3A_166 : memref<8x128xf32, #tpu.memory_space<vmem>>) dst(%dma_wait3A_163 : memref<8x128xf32, #tpu.memory_space<vmem_shared>>)
        tpu.yield
      }) : () -> ()
    } else {
    }
    %barrier3A = arith.constant 0 : index
    tpu.barrier barrier_id(%barrier3A)
    %mul3A_22 = arith.constant 80 : i32
    %mul3A_23 = arith.muli %add3A, %mul3A_22 : i32
    %add3A_24 = arith.constant 0 : i32
    %add3A_25 = arith.addi %mul3A_23, %add3A_24 : i32
    "tpu.region"() ({
      %run_scoped3A = tpu.sem_alloc : memref<!tpu.dma_semaphore, #tpu.memory_space<semaphore_mem>>
      %dma_start3A_144 = arith.constant 0 : i32
      %dma_start3A_145 = tpu.memref_slice %arg3[%add3A_25, %dma_start3A_144] : memref<2560x128xi32, #tpu.memory_space<hbm>> -> memref<40x128xi32, #tpu.memory_space<hbm>>
      %dma_start3A_146 = arith.constant 0 : i32
      %dma_start3A_147 = tpu.memref_slice %arg3[%add3A_25, %dma_start3A_146] : memref<2560x128xi32, #tpu.memory_space<hbm>> -> memref<40x128xi32, #tpu.memory_space<hbm>>
      tpu.enqueue_dma source(%dma_start3A_147 : memref<40x128xi32, #tpu.memory_space<hbm>>) target(%arg6 : memref<40x128xi32, #tpu.memory_space<vmem>>) target_semaphore(%run_scoped3A : memref<!tpu.dma_semaphore, #tpu.memory_space<semaphore_mem>>)
      %dma_wait3A = arith.constant 0 : i32
      %dma_wait3A_148 = tpu.memref_slice %arg3[%add3A_25, %dma_wait3A] : memref<2560x128xi32, #tpu.memory_space<hbm>> -> memref<40x128xi32, #tpu.memory_space<hbm>>
      %dma_wait3A_149 = arith.constant 0 : i32
      %dma_wait3A_150 = tpu.memref_slice %arg3[%add3A_25, %dma_wait3A_149] : memref<2560x128xi32, #tpu.memory_space<hbm>> -> memref<40x128xi32, #tpu.memory_space<hbm>>
      tpu.wait_dma2 semaphore(%run_scoped3A : memref<!tpu.dma_semaphore, #tpu.memory_space<semaphore_mem>>) src(%dma_wait3A_150 : memref<40x128xi32, #tpu.memory_space<hbm>>) dst(%arg6 : memref<40x128xi32, #tpu.memory_space<vmem>>)
      tpu.yield
    }) : () -> ()
    %mul3A_26 = arith.constant 80 : i32
    %mul3A_27 = arith.muli %add3A, %mul3A_26 : i32
    %add3A_28 = arith.constant 0 : i32
    %add3A_29 = arith.addi %mul3A_27, %add3A_28 : i32
    "tpu.region"() ({
      %run_scoped3A = tpu.sem_alloc : memref<!tpu.dma_semaphore, #tpu.memory_space<semaphore_mem>>
      %dma_start3A_144 = arith.constant 0 : i32
      %dma_start3A_145 = tpu.memref_slice %arg4[%add3A_29, %dma_start3A_144] : memref<2560x128xi32, #tpu.memory_space<hbm>> -> memref<40x128xi32, #tpu.memory_space<hbm>>
      %dma_start3A_146 = arith.constant 0 : i32
      %dma_start3A_147 = tpu.memref_slice %arg4[%add3A_29, %dma_start3A_146] : memref<2560x128xi32, #tpu.memory_space<hbm>> -> memref<40x128xi32, #tpu.memory_space<hbm>>
      tpu.enqueue_dma source(%dma_start3A_147 : memref<40x128xi32, #tpu.memory_space<hbm>>) target(%arg7 : memref<40x128xi32, #tpu.memory_space<vmem>>) target_semaphore(%run_scoped3A : memref<!tpu.dma_semaphore, #tpu.memory_space<semaphore_mem>>)
      %dma_wait3A = arith.constant 0 : i32
      %dma_wait3A_148 = tpu.memref_slice %arg4[%add3A_29, %dma_wait3A] : memref<2560x128xi32, #tpu.memory_space<hbm>> -> memref<40x128xi32, #tpu.memory_space<hbm>>
      %dma_wait3A_149 = arith.constant 0 : i32
      %dma_wait3A_150 = tpu.memref_slice %arg4[%add3A_29, %dma_wait3A_149] : memref<2560x128xi32, #tpu.memory_space<hbm>> -> memref<40x128xi32, #tpu.memory_space<hbm>>
      tpu.wait_dma2 semaphore(%run_scoped3A : memref<!tpu.dma_semaphore, #tpu.memory_space<semaphore_mem>>) src(%dma_wait3A_150 : memref<40x128xi32, #tpu.memory_space<hbm>>) dst(%arg7 : memref<40x128xi32, #tpu.memory_space<vmem>>)
      tpu.yield
    }) : () -> ()
    %dma_start3A = arith.constant 0 : i32
    %dma_start3A_30 = arith.constant 0 : i32
    %dma_start3A_31 = arith.constant 0 : i32
    %dma_start3A_32 = tpu.memref_slice %arg8[%dma_start3A_30, %dma_start3A_31] : memref<128x128xf32, #tpu.memory_space<vmem>> -> memref<32x128xf32, #tpu.memory_space<vmem>>
    %dma_start3A_33 = arith.constant 0 : i32
    %dma_start3A_34 = tpu.memref_slice %arg6[%dma_start3A, %dma_start3A_33] : memref<40x128xi32, #tpu.memory_space<vmem>> -> memref<1x32xi32, #tpu.memory_space<vmem>>
    %dma_start3A_35 = tpu.memref_squeeze %dma_start3A_34 : memref<1x32xi32, #tpu.memory_space<vmem>> -> memref<32xi32, #tpu.memory_space<vmem>>
    %dma_start3A_36 = arith.constant 0 : i32
    %dma_start3A_37 = arith.constant 0 : i32
    %dma_start3A_38 = tpu.memref_slice %arg2[%dma_start3A_36, %dma_start3A_37] : memref<10000x128xf32, #tpu.memory_space<hbm>> -> memref<10000x128xf32, #tpu.memory_space<hbm>>
    tpu.enqueue_indirect_dma source(%dma_start3A_38 : memref<10000x128xf32, #tpu.memory_space<hbm>>) target(%dma_start3A_32 : memref<32x128xf32, #tpu.memory_space<vmem>>) offsets(%dma_start3A_35 : memref<32xi32, #tpu.memory_space<vmem>>) semaphore(%arg11 : memref<!tpu.dma_semaphore, #tpu.memory_space<semaphore_mem>>)
    %dma_start3A_39 = arith.constant 0 : i32
    %dma_start3A_40 = arith.constant 32 : i32
    %dma_start3A_41 = arith.constant 0 : i32
    %dma_start3A_42 = tpu.memref_slice %arg8[%dma_start3A_40, %dma_start3A_41] : memref<128x128xf32, #tpu.memory_space<vmem>> -> memref<32x128xf32, #tpu.memory_space<vmem>>
    %dma_start3A_43 = arith.constant 32 : i32
    %dma_start3A_44 = tpu.memref_slice %arg6[%dma_start3A_39, %dma_start3A_43] : memref<40x128xi32, #tpu.memory_space<vmem>> -> memref<1x32xi32, #tpu.memory_space<vmem>>
    %dma_start3A_45 = tpu.memref_squeeze %dma_start3A_44 : memref<1x32xi32, #tpu.memory_space<vmem>> -> memref<32xi32, #tpu.memory_space<vmem>>
    %dma_start3A_46 = arith.constant 0 : i32
    %dma_start3A_47 = arith.constant 0 : i32
    %dma_start3A_48 = tpu.memref_slice %arg2[%dma_start3A_46, %dma_start3A_47] : memref<10000x128xf32, #tpu.memory_space<hbm>> -> memref<10000x128xf32, #tpu.memory_space<hbm>>
    tpu.enqueue_indirect_dma source(%dma_start3A_48 : memref<10000x128xf32, #tpu.memory_space<hbm>>) target(%dma_start3A_42 : memref<32x128xf32, #tpu.memory_space<vmem>>) offsets(%dma_start3A_45 : memref<32xi32, #tpu.memory_space<vmem>>) semaphore(%arg11 : memref<!tpu.dma_semaphore, #tpu.memory_space<semaphore_mem>>)
    %dma_start3A_49 = arith.constant 0 : i32
    %dma_start3A_50 = arith.constant 64 : i32
    %dma_start3A_51 = arith.constant 0 : i32
    %dma_start3A_52 = tpu.memref_slice %arg8[%dma_start3A_50, %dma_start3A_51] : memref<128x128xf32, #tpu.memory_space<vmem>> -> memref<32x128xf32, #tpu.memory_space<vmem>>
    %dma_start3A_53 = arith.constant 64 : i32
    %dma_start3A_54 = tpu.memref_slice %arg6[%dma_start3A_49, %dma_start3A_53] : memref<40x128xi32, #tpu.memory_space<vmem>> -> memref<1x32xi32, #tpu.memory_space<vmem>>
    %dma_start3A_55 = tpu.memref_squeeze %dma_start3A_54 : memref<1x32xi32, #tpu.memory_space<vmem>> -> memref<32xi32, #tpu.memory_space<vmem>>
    %dma_start3A_56 = arith.constant 0 : i32
    %dma_start3A_57 = arith.constant 0 : i32
    %dma_start3A_58 = tpu.memref_slice %arg2[%dma_start3A_56, %dma_start3A_57] : memref<10000x128xf32, #tpu.memory_space<hbm>> -> memref<10000x128xf32, #tpu.memory_space<hbm>>
    tpu.enqueue_indirect_dma source(%dma_start3A_58 : memref<10000x128xf32, #tpu.memory_space<hbm>>) target(%dma_start3A_52 : memref<32x128xf32, #tpu.memory_space<vmem>>) offsets(%dma_start3A_55 : memref<32xi32, #tpu.memory_space<vmem>>) semaphore(%arg11 : memref<!tpu.dma_semaphore, #tpu.memory_space<semaphore_mem>>)
    %dma_start3A_59 = arith.constant 0 : i32
    %dma_start3A_60 = arith.constant 96 : i32
    %dma_start3A_61 = arith.constant 0 : i32
    %dma_start3A_62 = tpu.memref_slice %arg8[%dma_start3A_60, %dma_start3A_61] : memref<128x128xf32, #tpu.memory_space<vmem>> -> memref<32x128xf32, #tpu.memory_space<vmem>>
    %dma_start3A_63 = arith.constant 96 : i32
    %dma_start3A_64 = tpu.memref_slice %arg6[%dma_start3A_59, %dma_start3A_63] : memref<40x128xi32, #tpu.memory_space<vmem>> -> memref<1x32xi32, #tpu.memory_space<vmem>>
    %dma_start3A_65 = tpu.memref_squeeze %dma_start3A_64 : memref<1x32xi32, #tpu.memory_space<vmem>> -> memref<32xi32, #tpu.memory_space<vmem>>
    %dma_start3A_66 = arith.constant 0 : i32
    %dma_start3A_67 = arith.constant 0 : i32
    %dma_start3A_68 = tpu.memref_slice %arg2[%dma_start3A_66, %dma_start3A_67] : memref<10000x128xf32, #tpu.memory_space<hbm>> -> memref<10000x128xf32, #tpu.memory_space<hbm>>
    tpu.enqueue_indirect_dma source(%dma_start3A_68 : memref<10000x128xf32, #tpu.memory_space<hbm>>) target(%dma_start3A_62 : memref<32x128xf32, #tpu.memory_space<vmem>>) offsets(%dma_start3A_65 : memref<32xi32, #tpu.memory_space<vmem>>) semaphore(%arg11 : memref<!tpu.dma_semaphore, #tpu.memory_space<semaphore_mem>>)
    %scan3A_69 = arith.constant 0 : i32
    %scan3A_70 = arith.constant 0 : i32
    %scan3A_71 = arith.constant 20 : i32
    %scan3A_72 = arith.addi %scan3A_70, %scan3A_71 : i32
    %scan3A_73 = arith.constant 1 : i32
    %scan3A_74 = scf.for %scan3A_144 = %scan3A_70 to %scan3A_72 step %scan3A_73 iter_args(%scan3A_145 = %scan3A_69) -> (i32)  : i32 {
      %mul3A_146 = arith.constant 2 : i32
      %mul3A_147 = arith.muli %mul3A_146, %scan3A_144 : i32
      %add3A_148 = arith.constant 1 : i32
      %add3A_149 = arith.addi %mul3A_147, %add3A_148 : i32
      %dma_start3A_150 = arith.constant 0 : i32
      %dma_start3A_151 = arith.constant 0 : i32
      %dma_start3A_152 = tpu.memref_slice %arg9[%dma_start3A_150, %dma_start3A_151] : memref<128x128xf32, #tpu.memory_space<vmem>> -> memref<32x128xf32, #tpu.memory_space<vmem>>
      %dma_start3A_153 = arith.constant 0 : i32
      %dma_start3A_154 = tpu.memref_slice %arg6[%add3A_149, %dma_start3A_153] : memref<40x128xi32, #tpu.memory_space<vmem>> -> memref<1x32xi32, #tpu.memory_space<vmem>>
      %dma_start3A_155 = tpu.memref_squeeze %dma_start3A_154 : memref<1x32xi32, #tpu.memory_space<vmem>> -> memref<32xi32, #tpu.memory_space<vmem>>
      %dma_start3A_156 = arith.constant 0 : i32
      %dma_start3A_157 = arith.constant 0 : i32
      %dma_start3A_158 = tpu.memref_slice %arg2[%dma_start3A_156, %dma_start3A_157] : memref<10000x128xf32, #tpu.memory_space<hbm>> -> memref<10000x128xf32, #tpu.memory_space<hbm>>
      tpu.enqueue_indirect_dma source(%dma_start3A_158 : memref<10000x128xf32, #tpu.memory_space<hbm>>) target(%dma_start3A_152 : memref<32x128xf32, #tpu.memory_space<vmem>>) offsets(%dma_start3A_155 : memref<32xi32, #tpu.memory_space<vmem>>) semaphore(%arg12 : memref<!tpu.dma_semaphore, #tpu.memory_space<semaphore_mem>>)
      %dma_start3A_159 = arith.constant 32 : i32
      %dma_start3A_160 = arith.constant 0 : i32
      %dma_start3A_161 = tpu.memref_slice %arg9[%dma_start3A_159, %dma_start3A_160] : memref<128x128xf32, #tpu.memory_space<vmem>> -> memref<32x128xf32, #tpu.memory_space<vmem>>
      %dma_start3A_162 = arith.constant 32 : i32
      %dma_start3A_163 = tpu.memref_slice %arg6[%add3A_149, %dma_start3A_162] : memref<40x128xi32, #tpu.memory_space<vmem>> -> memref<1x32xi32, #tpu.memory_space<vmem>>
      %dma_start3A_164 = tpu.memref_squeeze %dma_start3A_163 : memref<1x32xi32, #tpu.memory_space<vmem>> -> memref<32xi32, #tpu.memory_space<vmem>>
      %dma_start3A_165 = arith.constant 0 : i32
      %dma_start3A_166 = arith.constant 0 : i32
      %dma_start3A_167 = tpu.memref_slice %arg2[%dma_start3A_165, %dma_start3A_166] : memref<10000x128xf32, #tpu.memory_space<hbm>> -> memref<10000x128xf32, #tpu.memory_space<hbm>>
      tpu.enqueue_indirect_dma source(%dma_start3A_167 : memref<10000x128xf32, #tpu.memory_space<hbm>>) target(%dma_start3A_161 : memref<32x128xf32, #tpu.memory_space<vmem>>) offsets(%dma_start3A_164 : memref<32xi32, #tpu.memory_space<vmem>>) semaphore(%arg12 : memref<!tpu.dma_semaphore, #tpu.memory_space<semaphore_mem>>)
      %dma_start3A_168 = arith.constant 64 : i32
      %dma_start3A_169 = arith.constant 0 : i32
      %dma_start3A_170 = tpu.memref_slice %arg9[%dma_start3A_168, %dma_start3A_169] : memref<128x128xf32, #tpu.memory_space<vmem>> -> memref<32x128xf32, #tpu.memory_space<vmem>>
      %dma_start3A_171 = arith.constant 64 : i32
      %dma_start3A_172 = tpu.memref_slice %arg6[%add3A_149, %dma_start3A_171] : memref<40x128xi32, #tpu.memory_space<vmem>> -> memref<1x32xi32, #tpu.memory_space<vmem>>
      %dma_start3A_173 = tpu.memref_squeeze %dma_start3A_172 : memref<1x32xi32, #tpu.memory_space<vmem>> -> memref<32xi32, #tpu.memory_space<vmem>>
      %dma_start3A_174 = arith.constant 0 : i32
      %dma_start3A_175 = arith.constant 0 : i32
      %dma_start3A_176 = tpu.memref_slice %arg2[%dma_start3A_174, %dma_start3A_175] : memref<10000x128xf32, #tpu.memory_space<hbm>> -> memref<10000x128xf32, #tpu.memory_space<hbm>>
      tpu.enqueue_indirect_dma source(%dma_start3A_176 : memref<10000x128xf32, #tpu.memory_space<hbm>>) target(%dma_start3A_170 : memref<32x128xf32, #tpu.memory_space<vmem>>) offsets(%dma_start3A_173 : memref<32xi32, #tpu.memory_space<vmem>>) semaphore(%arg12 : memref<!tpu.dma_semaphore, #tpu.memory_space<semaphore_mem>>)
      %dma_start3A_177 = arith.constant 96 : i32
      %dma_start3A_178 = arith.constant 0 : i32
      %dma_start3A_179 = tpu.memref_slice %arg9[%dma_start3A_177, %dma_start3A_178] : memref<128x128xf32, #tpu.memory_space<vmem>> -> memref<32x128xf32, #tpu.memory_space<vmem>>
      %dma_start3A_180 = arith.constant 96 : i32
      %dma_start3A_181 = tpu.memref_slice %arg6[%add3A_149, %dma_start3A_180] : memref<40x128xi32, #tpu.memory_space<vmem>> -> memref<1x32xi32, #tpu.memory_space<vmem>>
      %dma_start3A_182 = tpu.memref_squeeze %dma_start3A_181 : memref<1x32xi32, #tpu.memory_space<vmem>> -> memref<32xi32, #tpu.memory_space<vmem>>
      %dma_start3A_183 = arith.constant 0 : i32
      %dma_start3A_184 = arith.constant 0 : i32
      %dma_start3A_185 = tpu.memref_slice %arg2[%dma_start3A_183, %dma_start3A_184] : memref<10000x128xf32, #tpu.memory_space<hbm>> -> memref<10000x128xf32, #tpu.memory_space<hbm>>
      tpu.enqueue_indirect_dma source(%dma_start3A_185 : memref<10000x128xf32, #tpu.memory_space<hbm>>) target(%dma_start3A_179 : memref<32x128xf32, #tpu.memory_space<vmem>>) offsets(%dma_start3A_182 : memref<32xi32, #tpu.memory_space<vmem>>) semaphore(%arg12 : memref<!tpu.dma_semaphore, #tpu.memory_space<semaphore_mem>>)
      %dma_wait3A = arith.constant 0 : i32
      %dma_wait3A_186 = arith.constant 0 : i32
      %dma_wait3A_187 = tpu.memref_slice %arg2[%dma_wait3A, %dma_wait3A_186] : memref<10000x128xf32, #tpu.memory_space<hbm>> -> memref<128x128xf32, #tpu.memory_space<hbm>>
      %dma_wait3A_188 = arith.constant 0 : i32
      %dma_wait3A_189 = arith.constant 0 : i32
      %dma_wait3A_190 = tpu.memref_slice %arg2[%dma_wait3A_188, %dma_wait3A_189] : memref<10000x128xf32, #tpu.memory_space<hbm>> -> memref<128x128xf32, #tpu.memory_space<hbm>>
      tpu.wait_dma2 semaphore(%arg11 : memref<!tpu.dma_semaphore, #tpu.memory_space<semaphore_mem>>) src(%dma_wait3A_190 : memref<128x128xf32, #tpu.memory_space<hbm>>) dst(%arg8 : memref<128x128xf32, #tpu.memory_space<vmem>>)
      "tpu.region"() ({
        %run_scoped3A = tpu.sem_alloc : memref<!tpu.dma_semaphore, #tpu.memory_space<semaphore_mem>>
        %dma_start3A_206 = arith.constant 0 : i32
        %dma_start3A_207 = tpu.memref_slice %arg7[%mul3A_147, %dma_start3A_206] : memref<40x128xi32, #tpu.memory_space<vmem>> -> memref<1x128xi32, #tpu.memory_space<vmem>>
        %dma_start3A_208 = tpu.memref_squeeze %dma_start3A_207 : memref<1x128xi32, #tpu.memory_space<vmem>> -> memref<128xi32, #tpu.memory_space<vmem>>
        %dma_start3A_209 = arith.constant 0 : i32
        %dma_start3A_210 = arith.constant 0 : i32
        %dma_start3A_211 = tpu.memref_slice %arg10[%dma_start3A_209, %dma_start3A_210] : memref<10008x128xf32, #tpu.memory_space<vmem_shared>> -> memref<10008x128xf32, #tpu.memory_space<vmem_shared>>
        tpu.enqueue_indirect_dma source(%arg8 : memref<128x128xf32, #tpu.memory_space<vmem>>) target(%dma_start3A_211 : memref<10008x128xf32, #tpu.memory_space<vmem_shared>>) offsets(%dma_start3A_208 : memref<128xi32, #tpu.memory_space<vmem>>) semaphore(%run_scoped3A : memref<!tpu.dma_semaphore, #tpu.memory_space<semaphore_mem>>) {add = true}
        %dma_wait3A_212 = arith.constant 0 : i32
        %dma_wait3A_213 = tpu.memref_slice %arg7[%mul3A_147, %dma_wait3A_212] : memref<40x128xi32, #tpu.memory_space<vmem>> -> memref<1x128xi32, #tpu.memory_space<vmem>>
        %dma_wait3A_214 = tpu.memref_squeeze %dma_wait3A_213 : memref<1x128xi32, #tpu.memory_space<vmem>> -> memref<128xi32, #tpu.memory_space<vmem>>
        %dma_wait3A_215 = arith.constant 0 : i32
        %dma_wait3A_216 = arith.constant 0 : i32
        %dma_wait3A_217 = tpu.memref_slice %arg10[%dma_wait3A_215, %dma_wait3A_216] : memref<10008x128xf32, #tpu.memory_space<vmem_shared>> -> memref<10008x128xf32, #tpu.memory_space<vmem_shared>>
        tpu.wait_indirect_dma semaphore(%run_scoped3A : memref<!tpu.dma_semaphore, #tpu.memory_space<semaphore_mem>>) src(%arg8 : memref<128x128xf32, #tpu.memory_space<vmem>>) dst(%dma_wait3A_217 : memref<10008x128xf32, #tpu.memory_space<vmem_shared>>)
        tpu.yield
      }) : () -> ()
      %add3A_191 = arith.constant 2 : i32
      %add3A_192 = arith.addi %mul3A_147, %add3A_191 : i32
      %lt3A = arith.constant 40 : i32
      %lt3A_193 = arith.cmpi slt, %add3A_192, %lt3A : i32
      %convert_element_type3A_194 = arith.extui %lt3A_193 : i1 to i32
      %cond3A_195 = arith.constant 0 : i32
      %cond3A_196 = arith.cmpi ne, %convert_element_type3A_194, %cond3A_195 : i32
      scf.if %cond3A_196 {
        %add3A_206 = arith.constant 2 : i32
        %add3A_207 = arith.addi %mul3A_147, %add3A_206 : i32
        %dma_start3A_208 = arith.constant 0 : i32
        %dma_start3A_209 = arith.constant 0 : i32
        %dma_start3A_210 = tpu.memref_slice %arg8[%dma_start3A_208, %dma_start3A_209] : memref<128x128xf32, #tpu.memory_space<vmem>> -> memref<32x128xf32, #tpu.memory_space<vmem>>
        %dma_start3A_211 = arith.constant 0 : i32
        %dma_start3A_212 = tpu.memref_slice %arg6[%add3A_207, %dma_start3A_211] : memref<40x128xi32, #tpu.memory_space<vmem>> -> memref<1x32xi32, #tpu.memory_space<vmem>>
        %dma_start3A_213 = tpu.memref_squeeze %dma_start3A_212 : memref<1x32xi32, #tpu.memory_space<vmem>> -> memref<32xi32, #tpu.memory_space<vmem>>
        %dma_start3A_214 = arith.constant 0 : i32
        %dma_start3A_215 = arith.constant 0 : i32
        %dma_start3A_216 = tpu.memref_slice %arg2[%dma_start3A_214, %dma_start3A_215] : memref<10000x128xf32, #tpu.memory_space<hbm>> -> memref<10000x128xf32, #tpu.memory_space<hbm>>
        tpu.enqueue_indirect_dma source(%dma_start3A_216 : memref<10000x128xf32, #tpu.memory_space<hbm>>) target(%dma_start3A_210 : memref<32x128xf32, #tpu.memory_space<vmem>>) offsets(%dma_start3A_213 : memref<32xi32, #tpu.memory_space<vmem>>) semaphore(%arg11 : memref<!tpu.dma_semaphore, #tpu.memory_space<semaphore_mem>>)
        %dma_start3A_217 = arith.constant 32 : i32
        %dma_start3A_218 = arith.constant 0 : i32
        %dma_start3A_219 = tpu.memref_slice %arg8[%dma_start3A_217, %dma_start3A_218] : memref<128x128xf32, #tpu.memory_space<vmem>> -> memref<32x128xf32, #tpu.memory_space<vmem>>
        %dma_start3A_220 = arith.constant 32 : i32
        %dma_start3A_221 = tpu.memref_slice %arg6[%add3A_207, %dma_start3A_220] : memref<40x128xi32, #tpu.memory_space<vmem>> -> memref<1x32xi32, #tpu.memory_space<vmem>>
        %dma_start3A_222 = tpu.memref_squeeze %dma_start3A_221 : memref<1x32xi32, #tpu.memory_space<vmem>> -> memref<32xi32, #tpu.memory_space<vmem>>
        %dma_start3A_223 = arith.constant 0 : i32
        %dma_start3A_224 = arith.constant 0 : i32
        %dma_start3A_225 = tpu.memref_slice %arg2[%dma_start3A_223, %dma_start3A_224] : memref<10000x128xf32, #tpu.memory_space<hbm>> -> memref<10000x128xf32, #tpu.memory_space<hbm>>
        tpu.enqueue_indirect_dma source(%dma_start3A_225 : memref<10000x128xf32, #tpu.memory_space<hbm>>) target(%dma_start3A_219 : memref<32x128xf32, #tpu.memory_space<vmem>>) offsets(%dma_start3A_222 : memref<32xi32, #tpu.memory_space<vmem>>) semaphore(%arg11 : memref<!tpu.dma_semaphore, #tpu.memory_space<semaphore_mem>>)
        %dma_start3A_226 = arith.constant 64 : i32
        %dma_start3A_227 = arith.constant 0 : i32
        %dma_start3A_228 = tpu.memref_slice %arg8[%dma_start3A_226, %dma_start3A_227] : memref<128x128xf32, #tpu.memory_space<vmem>> -> memref<32x128xf32, #tpu.memory_space<vmem>>
        %dma_start3A_229 = arith.constant 64 : i32
        %dma_start3A_230 = tpu.memref_slice %arg6[%add3A_207, %dma_start3A_229] : memref<40x128xi32, #tpu.memory_space<vmem>> -> memref<1x32xi32, #tpu.memory_space<vmem>>
        %dma_start3A_231 = tpu.memref_squeeze %dma_start3A_230 : memref<1x32xi32, #tpu.memory_space<vmem>> -> memref<32xi32, #tpu.memory_space<vmem>>
        %dma_start3A_232 = arith.constant 0 : i32
        %dma_start3A_233 = arith.constant 0 : i32
        %dma_start3A_234 = tpu.memref_slice %arg2[%dma_start3A_232, %dma_start3A_233] : memref<10000x128xf32, #tpu.memory_space<hbm>> -> memref<10000x128xf32, #tpu.memory_space<hbm>>
        tpu.enqueue_indirect_dma source(%dma_start3A_234 : memref<10000x128xf32, #tpu.memory_space<hbm>>) target(%dma_start3A_228 : memref<32x128xf32, #tpu.memory_space<vmem>>) offsets(%dma_start3A_231 : memref<32xi32, #tpu.memory_space<vmem>>) semaphore(%arg11 : memref<!tpu.dma_semaphore, #tpu.memory_space<semaphore_mem>>)
        %dma_start3A_235 = arith.constant 96 : i32
        %dma_start3A_236 = arith.constant 0 : i32
        %dma_start3A_237 = tpu.memref_slice %arg8[%dma_start3A_235, %dma_start3A_236] : memref<128x128xf32, #tpu.memory_space<vmem>> -> memref<32x128xf32, #tpu.memory_space<vmem>>
        %dma_start3A_238 = arith.constant 96 : i32
        %dma_start3A_239 = tpu.memref_slice %arg6[%add3A_207, %dma_start3A_238] : memref<40x128xi32, #tpu.memory_space<vmem>> -> memref<1x32xi32, #tpu.memory_space<vmem>>
        %dma_start3A_240 = tpu.memref_squeeze %dma_start3A_239 : memref<1x32xi32, #tpu.memory_space<vmem>> -> memref<32xi32, #tpu.memory_space<vmem>>
        %dma_start3A_241 = arith.constant 0 : i32
        %dma_start3A_242 = arith.constant 0 : i32
        %dma_start3A_243 = tpu.memref_slice %arg2[%dma_start3A_241, %dma_start3A_242] : memref<10000x128xf32, #tpu.memory_space<hbm>> -> memref<10000x128xf32, #tpu.memory_space<hbm>>
        tpu.enqueue_indirect_dma source(%dma_start3A_243 : memref<10000x128xf32, #tpu.memory_space<hbm>>) target(%dma_start3A_237 : memref<32x128xf32, #tpu.memory_space<vmem>>) offsets(%dma_start3A_240 : memref<32xi32, #tpu.memory_space<vmem>>) semaphore(%arg11 : memref<!tpu.dma_semaphore, #tpu.memory_space<semaphore_mem>>)
      } else {
      }
      %dma_wait3A_197 = arith.constant 0 : i32
      %dma_wait3A_198 = arith.constant 0 : i32
      %dma_wait3A_199 = tpu.memref_slice %arg2[%dma_wait3A_197, %dma_wait3A_198] : memref<10000x128xf32, #tpu.memory_space<hbm>> -> memref<128x128xf32, #tpu.memory_space<hbm>>
      %dma_wait3A_200 = arith.constant 0 : i32
      %dma_wait3A_201 = arith.constant 0 : i32
      %dma_wait3A_202 = tpu.memref_slice %arg2[%dma_wait3A_200, %dma_wait3A_201] : memref<10000x128xf32, #tpu.memory_space<hbm>> -> memref<128x128xf32, #tpu.memory_space<hbm>>
      tpu.wait_dma2 semaphore(%arg12 : memref<!tpu.dma_semaphore, #tpu.memory_space<semaphore_mem>>) src(%dma_wait3A_202 : memref<128x128xf32, #tpu.memory_space<hbm>>) dst(%arg9 : memref<128x128xf32, #tpu.memory_space<vmem>>)
      %add3A_203 = arith.constant 1 : i32
      %add3A_204 = arith.addi %mul3A_147, %add3A_203 : i32
      "tpu.region"() ({
        %run_scoped3A = tpu.sem_alloc : memref<!tpu.dma_semaphore, #tpu.memory_space<semaphore_mem>>
        %dma_start3A_206 = arith.constant 0 : i32
        %dma_start3A_207 = tpu.memref_slice %arg7[%add3A_204, %dma_start3A_206] : memref<40x128xi32, #tpu.memory_space<vmem>> -> memref<1x128xi32, #tpu.memory_space<vmem>>
        %dma_start3A_208 = tpu.memref_squeeze %dma_start3A_207 : memref<1x128xi32, #tpu.memory_space<vmem>> -> memref<128xi32, #tpu.memory_space<vmem>>
        %dma_start3A_209 = arith.constant 0 : i32
        %dma_start3A_210 = arith.constant 0 : i32
        %dma_start3A_211 = tpu.memref_slice %arg10[%dma_start3A_209, %dma_start3A_210] : memref<10008x128xf32, #tpu.memory_space<vmem_shared>> -> memref<10008x128xf32, #tpu.memory_space<vmem_shared>>
        tpu.enqueue_indirect_dma source(%arg9 : memref<128x128xf32, #tpu.memory_space<vmem>>) target(%dma_start3A_211 : memref<10008x128xf32, #tpu.memory_space<vmem_shared>>) offsets(%dma_start3A_208 : memref<128xi32, #tpu.memory_space<vmem>>) semaphore(%run_scoped3A : memref<!tpu.dma_semaphore, #tpu.memory_space<semaphore_mem>>) {add = true}
        %dma_wait3A_212 = arith.constant 0 : i32
        %dma_wait3A_213 = tpu.memref_slice %arg7[%add3A_204, %dma_wait3A_212] : memref<40x128xi32, #tpu.memory_space<vmem>> -> memref<1x128xi32, #tpu.memory_space<vmem>>
        %dma_wait3A_214 = tpu.memref_squeeze %dma_wait3A_213 : memref<1x128xi32, #tpu.memory_space<vmem>> -> memref<128xi32, #tpu.memory_space<vmem>>
        %dma_wait3A_215 = arith.constant 0 : i32
        %dma_wait3A_216 = arith.constant 0 : i32
        %dma_wait3A_217 = tpu.memref_slice %arg10[%dma_wait3A_215, %dma_wait3A_216] : memref<10008x128xf32, #tpu.memory_space<vmem_shared>> -> memref<10008x128xf32, #tpu.memory_space<vmem_shared>>
        tpu.wait_indirect_dma semaphore(%run_scoped3A : memref<!tpu.dma_semaphore, #tpu.memory_space<semaphore_mem>>) src(%arg9 : memref<128x128xf32, #tpu.memory_space<vmem>>) dst(%dma_wait3A_217 : memref<10008x128xf32, #tpu.memory_space<vmem_shared>>)
        tpu.yield
      }) : () -> ()
      %scan3A_205 = arith.constant 0 : i32
      scf.yield %scan3A_205 : i32
    }
    %scan3A_75 = arith.constant 20 : i32
    %mul3A_76 = arith.constant 80 : i32
    %mul3A_77 = arith.muli %add3A, %mul3A_76 : i32
    %add3A_78 = arith.constant 40 : i32
    %add3A_79 = arith.addi %mul3A_77, %add3A_78 : i32
    "tpu.region"() ({
      %run_scoped3A = tpu.sem_alloc : memref<!tpu.dma_semaphore, #tpu.memory_space<semaphore_mem>>
      %dma_start3A_144 = arith.constant 0 : i32
      %dma_start3A_145 = tpu.memref_slice %arg3[%add3A_79, %dma_start3A_144] : memref<2560x128xi32, #tpu.memory_space<hbm>> -> memref<40x128xi32, #tpu.memory_space<hbm>>
      %dma_start3A_146 = arith.constant 0 : i32
      %dma_start3A_147 = tpu.memref_slice %arg3[%add3A_79, %dma_start3A_146] : memref<2560x128xi32, #tpu.memory_space<hbm>> -> memref<40x128xi32, #tpu.memory_space<hbm>>
      tpu.enqueue_dma source(%dma_start3A_147 : memref<40x128xi32, #tpu.memory_space<hbm>>) target(%arg6 : memref<40x128xi32, #tpu.memory_space<vmem>>) target_semaphore(%run_scoped3A : memref<!tpu.dma_semaphore, #tpu.memory_space<semaphore_mem>>)
      %dma_wait3A = arith.constant 0 : i32
      %dma_wait3A_148 = tpu.memref_slice %arg3[%add3A_79, %dma_wait3A] : memref<2560x128xi32, #tpu.memory_space<hbm>> -> memref<40x128xi32, #tpu.memory_space<hbm>>
      %dma_wait3A_149 = arith.constant 0 : i32
      %dma_wait3A_150 = tpu.memref_slice %arg3[%add3A_79, %dma_wait3A_149] : memref<2560x128xi32, #tpu.memory_space<hbm>> -> memref<40x128xi32, #tpu.memory_space<hbm>>
      tpu.wait_dma2 semaphore(%run_scoped3A : memref<!tpu.dma_semaphore, #tpu.memory_space<semaphore_mem>>) src(%dma_wait3A_150 : memref<40x128xi32, #tpu.memory_space<hbm>>) dst(%arg6 : memref<40x128xi32, #tpu.memory_space<vmem>>)
      tpu.yield
    }) : () -> ()
    %mul3A_80 = arith.constant 80 : i32
    %mul3A_81 = arith.muli %add3A, %mul3A_80 : i32
    %add3A_82 = arith.constant 40 : i32
    %add3A_83 = arith.addi %mul3A_81, %add3A_82 : i32
    "tpu.region"() ({
      %run_scoped3A = tpu.sem_alloc : memref<!tpu.dma_semaphore, #tpu.memory_space<semaphore_mem>>
      %dma_start3A_144 = arith.constant 0 : i32
      %dma_start3A_145 = tpu.memref_slice %arg4[%add3A_83, %dma_start3A_144] : memref<2560x128xi32, #tpu.memory_space<hbm>> -> memref<40x128xi32, #tpu.memory_space<hbm>>
      %dma_start3A_146 = arith.constant 0 : i32
      %dma_start3A_147 = tpu.memref_slice %arg4[%add3A_83, %dma_start3A_146] : memref<2560x128xi32, #tpu.memory_space<hbm>> -> memref<40x128xi32, #tpu.memory_space<hbm>>
      tpu.enqueue_dma source(%dma_start3A_147 : memref<40x128xi32, #tpu.memory_space<hbm>>) target(%arg7 : memref<40x128xi32, #tpu.memory_space<vmem>>) target_semaphore(%run_scoped3A : memref<!tpu.dma_semaphore, #tpu.memory_space<semaphore_mem>>)
      %dma_wait3A = arith.constant 0 : i32
      %dma_wait3A_148 = tpu.memref_slice %arg4[%add3A_83, %dma_wait3A] : memref<2560x128xi32, #tpu.memory_space<hbm>> -> memref<40x128xi32, #tpu.memory_space<hbm>>
      %dma_wait3A_149 = arith.constant 0 : i32
      %dma_wait3A_150 = tpu.memref_slice %arg4[%add3A_83, %dma_wait3A_149] : memref<2560x128xi32, #tpu.memory_space<hbm>> -> memref<40x128xi32, #tpu.memory_space<hbm>>
      tpu.wait_dma2 semaphore(%run_scoped3A : memref<!tpu.dma_semaphore, #tpu.memory_space<semaphore_mem>>) src(%dma_wait3A_150 : memref<40x128xi32, #tpu.memory_space<hbm>>) dst(%arg7 : memref<40x128xi32, #tpu.memory_space<vmem>>)
      tpu.yield
    }) : () -> ()
    %dma_start3A_84 = arith.constant 0 : i32
    %dma_start3A_85 = arith.constant 0 : i32
    %dma_start3A_86 = arith.constant 0 : i32
    %dma_start3A_87 = tpu.memref_slice %arg8[%dma_start3A_85, %dma_start3A_86] : memref<128x128xf32, #tpu.memory_space<vmem>> -> memref<32x128xf32, #tpu.memory_space<vmem>>
    %dma_start3A_88 = arith.constant 0 : i32
    %dma_start3A_89 = tpu.memref_slice %arg6[%dma_start3A_84, %dma_start3A_88] : memref<40x128xi32, #tpu.memory_space<vmem>> -> memref<1x32xi32, #tpu.memory_space<vmem>>
    %dma_start3A_90 = tpu.memref_squeeze %dma_start3A_89 : memref<1x32xi32, #tpu.memory_space<vmem>> -> memref<32xi32, #tpu.memory_space<vmem>>
    %dma_start3A_91 = arith.constant 0 : i32
    %dma_start3A_92 = arith.constant 0 : i32
    %dma_start3A_93 = tpu.memref_slice %arg2[%dma_start3A_91, %dma_start3A_92] : memref<10000x128xf32, #tpu.memory_space<hbm>> -> memref<10000x128xf32, #tpu.memory_space<hbm>>
    tpu.enqueue_indirect_dma source(%dma_start3A_93 : memref<10000x128xf32, #tpu.memory_space<hbm>>) target(%dma_start3A_87 : memref<32x128xf32, #tpu.memory_space<vmem>>) offsets(%dma_start3A_90 : memref<32xi32, #tpu.memory_space<vmem>>) semaphore(%arg11 : memref<!tpu.dma_semaphore, #tpu.memory_space<semaphore_mem>>)
    %dma_start3A_94 = arith.constant 0 : i32
    %dma_start3A_95 = arith.constant 32 : i32
    %dma_start3A_96 = arith.constant 0 : i32
    %dma_start3A_97 = tpu.memref_slice %arg8[%dma_start3A_95, %dma_start3A_96] : memref<128x128xf32, #tpu.memory_space<vmem>> -> memref<32x128xf32, #tpu.memory_space<vmem>>
    %dma_start3A_98 = arith.constant 32 : i32
    %dma_start3A_99 = tpu.memref_slice %arg6[%dma_start3A_94, %dma_start3A_98] : memref<40x128xi32, #tpu.memory_space<vmem>> -> memref<1x32xi32, #tpu.memory_space<vmem>>
    %dma_start3A_100 = tpu.memref_squeeze %dma_start3A_99 : memref<1x32xi32, #tpu.memory_space<vmem>> -> memref<32xi32, #tpu.memory_space<vmem>>
    %dma_start3A_101 = arith.constant 0 : i32
    %dma_start3A_102 = arith.constant 0 : i32
    %dma_start3A_103 = tpu.memref_slice %arg2[%dma_start3A_101, %dma_start3A_102] : memref<10000x128xf32, #tpu.memory_space<hbm>> -> memref<10000x128xf32, #tpu.memory_space<hbm>>
    tpu.enqueue_indirect_dma source(%dma_start3A_103 : memref<10000x128xf32, #tpu.memory_space<hbm>>) target(%dma_start3A_97 : memref<32x128xf32, #tpu.memory_space<vmem>>) offsets(%dma_start3A_100 : memref<32xi32, #tpu.memory_space<vmem>>) semaphore(%arg11 : memref<!tpu.dma_semaphore, #tpu.memory_space<semaphore_mem>>)
    %dma_start3A_104 = arith.constant 0 : i32
    %dma_start3A_105 = arith.constant 64 : i32
    %dma_start3A_106 = arith.constant 0 : i32
    %dma_start3A_107 = tpu.memref_slice %arg8[%dma_start3A_105, %dma_start3A_106] : memref<128x128xf32, #tpu.memory_space<vmem>> -> memref<32x128xf32, #tpu.memory_space<vmem>>
    %dma_start3A_108 = arith.constant 64 : i32
    %dma_start3A_109 = tpu.memref_slice %arg6[%dma_start3A_104, %dma_start3A_108] : memref<40x128xi32, #tpu.memory_space<vmem>> -> memref<1x32xi32, #tpu.memory_space<vmem>>
    %dma_start3A_110 = tpu.memref_squeeze %dma_start3A_109 : memref<1x32xi32, #tpu.memory_space<vmem>> -> memref<32xi32, #tpu.memory_space<vmem>>
    %dma_start3A_111 = arith.constant 0 : i32
    %dma_start3A_112 = arith.constant 0 : i32
    %dma_start3A_113 = tpu.memref_slice %arg2[%dma_start3A_111, %dma_start3A_112] : memref<10000x128xf32, #tpu.memory_space<hbm>> -> memref<10000x128xf32, #tpu.memory_space<hbm>>
    tpu.enqueue_indirect_dma source(%dma_start3A_113 : memref<10000x128xf32, #tpu.memory_space<hbm>>) target(%dma_start3A_107 : memref<32x128xf32, #tpu.memory_space<vmem>>) offsets(%dma_start3A_110 : memref<32xi32, #tpu.memory_space<vmem>>) semaphore(%arg11 : memref<!tpu.dma_semaphore, #tpu.memory_space<semaphore_mem>>)
    %dma_start3A_114 = arith.constant 0 : i32
    %dma_start3A_115 = arith.constant 96 : i32
    %dma_start3A_116 = arith.constant 0 : i32
    %dma_start3A_117 = tpu.memref_slice %arg8[%dma_start3A_115, %dma_start3A_116] : memref<128x128xf32, #tpu.memory_space<vmem>> -> memref<32x128xf32, #tpu.memory_space<vmem>>
    %dma_start3A_118 = arith.constant 96 : i32
    %dma_start3A_119 = tpu.memref_slice %arg6[%dma_start3A_114, %dma_start3A_118] : memref<40x128xi32, #tpu.memory_space<vmem>> -> memref<1x32xi32, #tpu.memory_space<vmem>>
    %dma_start3A_120 = tpu.memref_squeeze %dma_start3A_119 : memref<1x32xi32, #tpu.memory_space<vmem>> -> memref<32xi32, #tpu.memory_space<vmem>>
    %dma_start3A_121 = arith.constant 0 : i32
    %dma_start3A_122 = arith.constant 0 : i32
    %dma_start3A_123 = tpu.memref_slice %arg2[%dma_start3A_121, %dma_start3A_122] : memref<10000x128xf32, #tpu.memory_space<hbm>> -> memref<10000x128xf32, #tpu.memory_space<hbm>>
    tpu.enqueue_indirect_dma source(%dma_start3A_123 : memref<10000x128xf32, #tpu.memory_space<hbm>>) target(%dma_start3A_117 : memref<32x128xf32, #tpu.memory_space<vmem>>) offsets(%dma_start3A_120 : memref<32xi32, #tpu.memory_space<vmem>>) semaphore(%arg11 : memref<!tpu.dma_semaphore, #tpu.memory_space<semaphore_mem>>)
    %scan3A_124 = arith.constant 0 : i32
    %scan3A_125 = arith.constant 0 : i32
    %scan3A_126 = arith.constant 20 : i32
    %scan3A_127 = arith.addi %scan3A_125, %scan3A_126 : i32
    %scan3A_128 = arith.constant 1 : i32
    %scan3A_129 = scf.for %scan3A_144 = %scan3A_125 to %scan3A_127 step %scan3A_128 iter_args(%scan3A_145 = %scan3A_124) -> (i32)  : i32 {
      %mul3A_146 = arith.constant 2 : i32
      %mul3A_147 = arith.muli %mul3A_146, %scan3A_144 : i32
      %add3A_148 = arith.constant 1 : i32
      %add3A_149 = arith.addi %mul3A_147, %add3A_148 : i32
      %dma_start3A_150 = arith.constant 0 : i32
      %dma_start3A_151 = arith.constant 0 : i32
      %dma_start3A_152 = tpu.memref_slice %arg9[%dma_start3A_150, %dma_start3A_151] : memref<128x128xf32, #tpu.memory_space<vmem>> -> memref<32x128xf32, #tpu.memory_space<vmem>>
      %dma_start3A_153 = arith.constant 0 : i32
      %dma_start3A_154 = tpu.memref_slice %arg6[%add3A_149, %dma_start3A_153] : memref<40x128xi32, #tpu.memory_space<vmem>> -> memref<1x32xi32, #tpu.memory_space<vmem>>
      %dma_start3A_155 = tpu.memref_squeeze %dma_start3A_154 : memref<1x32xi32, #tpu.memory_space<vmem>> -> memref<32xi32, #tpu.memory_space<vmem>>
      %dma_start3A_156 = arith.constant 0 : i32
      %dma_start3A_157 = arith.constant 0 : i32
      %dma_start3A_158 = tpu.memref_slice %arg2[%dma_start3A_156, %dma_start3A_157] : memref<10000x128xf32, #tpu.memory_space<hbm>> -> memref<10000x128xf32, #tpu.memory_space<hbm>>
      tpu.enqueue_indirect_dma source(%dma_start3A_158 : memref<10000x128xf32, #tpu.memory_space<hbm>>) target(%dma_start3A_152 : memref<32x128xf32, #tpu.memory_space<vmem>>) offsets(%dma_start3A_155 : memref<32xi32, #tpu.memory_space<vmem>>) semaphore(%arg12 : memref<!tpu.dma_semaphore, #tpu.memory_space<semaphore_mem>>)
      %dma_start3A_159 = arith.constant 32 : i32
      %dma_start3A_160 = arith.constant 0 : i32
      %dma_start3A_161 = tpu.memref_slice %arg9[%dma_start3A_159, %dma_start3A_160] : memref<128x128xf32, #tpu.memory_space<vmem>> -> memref<32x128xf32, #tpu.memory_space<vmem>>
      %dma_start3A_162 = arith.constant 32 : i32
      %dma_start3A_163 = tpu.memref_slice %arg6[%add3A_149, %dma_start3A_162] : memref<40x128xi32, #tpu.memory_space<vmem>> -> memref<1x32xi32, #tpu.memory_space<vmem>>
      %dma_start3A_164 = tpu.memref_squeeze %dma_start3A_163 : memref<1x32xi32, #tpu.memory_space<vmem>> -> memref<32xi32, #tpu.memory_space<vmem>>
      %dma_start3A_165 = arith.constant 0 : i32
      %dma_start3A_166 = arith.constant 0 : i32
      %dma_start3A_167 = tpu.memref_slice %arg2[%dma_start3A_165, %dma_start3A_166] : memref<10000x128xf32, #tpu.memory_space<hbm>> -> memref<10000x128xf32, #tpu.memory_space<hbm>>
      tpu.enqueue_indirect_dma source(%dma_start3A_167 : memref<10000x128xf32, #tpu.memory_space<hbm>>) target(%dma_start3A_161 : memref<32x128xf32, #tpu.memory_space<vmem>>) offsets(%dma_start3A_164 : memref<32xi32, #tpu.memory_space<vmem>>) semaphore(%arg12 : memref<!tpu.dma_semaphore, #tpu.memory_space<semaphore_mem>>)
      %dma_start3A_168 = arith.constant 64 : i32
      %dma_start3A_169 = arith.constant 0 : i32
      %dma_start3A_170 = tpu.memref_slice %arg9[%dma_start3A_168, %dma_start3A_169] : memref<128x128xf32, #tpu.memory_space<vmem>> -> memref<32x128xf32, #tpu.memory_space<vmem>>
      %dma_start3A_171 = arith.constant 64 : i32
      %dma_start3A_172 = tpu.memref_slice %arg6[%add3A_149, %dma_start3A_171] : memref<40x128xi32, #tpu.memory_space<vmem>> -> memref<1x32xi32, #tpu.memory_space<vmem>>
      %dma_start3A_173 = tpu.memref_squeeze %dma_start3A_172 : memref<1x32xi32, #tpu.memory_space<vmem>> -> memref<32xi32, #tpu.memory_space<vmem>>
      %dma_start3A_174 = arith.constant 0 : i32
      %dma_start3A_175 = arith.constant 0 : i32
      %dma_start3A_176 = tpu.memref_slice %arg2[%dma_start3A_174, %dma_start3A_175] : memref<10000x128xf32, #tpu.memory_space<hbm>> -> memref<10000x128xf32, #tpu.memory_space<hbm>>
      tpu.enqueue_indirect_dma source(%dma_start3A_176 : memref<10000x128xf32, #tpu.memory_space<hbm>>) target(%dma_start3A_170 : memref<32x128xf32, #tpu.memory_space<vmem>>) offsets(%dma_start3A_173 : memref<32xi32, #tpu.memory_space<vmem>>) semaphore(%arg12 : memref<!tpu.dma_semaphore, #tpu.memory_space<semaphore_mem>>)
      %dma_start3A_177 = arith.constant 96 : i32
      %dma_start3A_178 = arith.constant 0 : i32
      %dma_start3A_179 = tpu.memref_slice %arg9[%dma_start3A_177, %dma_start3A_178] : memref<128x128xf32, #tpu.memory_space<vmem>> -> memref<32x128xf32, #tpu.memory_space<vmem>>
      %dma_start3A_180 = arith.constant 96 : i32
      %dma_start3A_181 = tpu.memref_slice %arg6[%add3A_149, %dma_start3A_180] : memref<40x128xi32, #tpu.memory_space<vmem>> -> memref<1x32xi32, #tpu.memory_space<vmem>>
      %dma_start3A_182 = tpu.memref_squeeze %dma_start3A_181 : memref<1x32xi32, #tpu.memory_space<vmem>> -> memref<32xi32, #tpu.memory_space<vmem>>
      %dma_start3A_183 = arith.constant 0 : i32
      %dma_start3A_184 = arith.constant 0 : i32
      %dma_start3A_185 = tpu.memref_slice %arg2[%dma_start3A_183, %dma_start3A_184] : memref<10000x128xf32, #tpu.memory_space<hbm>> -> memref<10000x128xf32, #tpu.memory_space<hbm>>
      tpu.enqueue_indirect_dma source(%dma_start3A_185 : memref<10000x128xf32, #tpu.memory_space<hbm>>) target(%dma_start3A_179 : memref<32x128xf32, #tpu.memory_space<vmem>>) offsets(%dma_start3A_182 : memref<32xi32, #tpu.memory_space<vmem>>) semaphore(%arg12 : memref<!tpu.dma_semaphore, #tpu.memory_space<semaphore_mem>>)
      %dma_wait3A = arith.constant 0 : i32
      %dma_wait3A_186 = arith.constant 0 : i32
      %dma_wait3A_187 = tpu.memref_slice %arg2[%dma_wait3A, %dma_wait3A_186] : memref<10000x128xf32, #tpu.memory_space<hbm>> -> memref<128x128xf32, #tpu.memory_space<hbm>>
      %dma_wait3A_188 = arith.constant 0 : i32
      %dma_wait3A_189 = arith.constant 0 : i32
      %dma_wait3A_190 = tpu.memref_slice %arg2[%dma_wait3A_188, %dma_wait3A_189] : memref<10000x128xf32, #tpu.memory_space<hbm>> -> memref<128x128xf32, #tpu.memory_space<hbm>>
      tpu.wait_dma2 semaphore(%arg11 : memref<!tpu.dma_semaphore, #tpu.memory_space<semaphore_mem>>) src(%dma_wait3A_190 : memref<128x128xf32, #tpu.memory_space<hbm>>) dst(%arg8 : memref<128x128xf32, #tpu.memory_space<vmem>>)
      "tpu.region"() ({
        %run_scoped3A = tpu.sem_alloc : memref<!tpu.dma_semaphore, #tpu.memory_space<semaphore_mem>>
        %dma_start3A_206 = arith.constant 0 : i32
        %dma_start3A_207 = tpu.memref_slice %arg7[%mul3A_147, %dma_start3A_206] : memref<40x128xi32, #tpu.memory_space<vmem>> -> memref<1x128xi32, #tpu.memory_space<vmem>>
        %dma_start3A_208 = tpu.memref_squeeze %dma_start3A_207 : memref<1x128xi32, #tpu.memory_space<vmem>> -> memref<128xi32, #tpu.memory_space<vmem>>
        %dma_start3A_209 = arith.constant 0 : i32
        %dma_start3A_210 = arith.constant 0 : i32
        %dma_start3A_211 = tpu.memref_slice %arg10[%dma_start3A_209, %dma_start3A_210] : memref<10008x128xf32, #tpu.memory_space<vmem_shared>> -> memref<10008x128xf32, #tpu.memory_space<vmem_shared>>
        tpu.enqueue_indirect_dma source(%arg8 : memref<128x128xf32, #tpu.memory_space<vmem>>) target(%dma_start3A_211 : memref<10008x128xf32, #tpu.memory_space<vmem_shared>>) offsets(%dma_start3A_208 : memref<128xi32, #tpu.memory_space<vmem>>) semaphore(%run_scoped3A : memref<!tpu.dma_semaphore, #tpu.memory_space<semaphore_mem>>) {add = true}
        %dma_wait3A_212 = arith.constant 0 : i32
        %dma_wait3A_213 = tpu.memref_slice %arg7[%mul3A_147, %dma_wait3A_212] : memref<40x128xi32, #tpu.memory_space<vmem>> -> memref<1x128xi32, #tpu.memory_space<vmem>>
        %dma_wait3A_214 = tpu.memref_squeeze %dma_wait3A_213 : memref<1x128xi32, #tpu.memory_space<vmem>> -> memref<128xi32, #tpu.memory_space<vmem>>
        %dma_wait3A_215 = arith.constant 0 : i32
        %dma_wait3A_216 = arith.constant 0 : i32
        %dma_wait3A_217 = tpu.memref_slice %arg10[%dma_wait3A_215, %dma_wait3A_216] : memref<10008x128xf32, #tpu.memory_space<vmem_shared>> -> memref<10008x128xf32, #tpu.memory_space<vmem_shared>>
        tpu.wait_indirect_dma semaphore(%run_scoped3A : memref<!tpu.dma_semaphore, #tpu.memory_space<semaphore_mem>>) src(%arg8 : memref<128x128xf32, #tpu.memory_space<vmem>>) dst(%dma_wait3A_217 : memref<10008x128xf32, #tpu.memory_space<vmem_shared>>)
        tpu.yield
      }) : () -> ()
      %add3A_191 = arith.constant 2 : i32
      %add3A_192 = arith.addi %mul3A_147, %add3A_191 : i32
      %lt3A = arith.constant 40 : i32
      %lt3A_193 = arith.cmpi slt, %add3A_192, %lt3A : i32
      %convert_element_type3A_194 = arith.extui %lt3A_193 : i1 to i32
      %cond3A_195 = arith.constant 0 : i32
      %cond3A_196 = arith.cmpi ne, %convert_element_type3A_194, %cond3A_195 : i32
      scf.if %cond3A_196 {
        %add3A_206 = arith.constant 2 : i32
        %add3A_207 = arith.addi %mul3A_147, %add3A_206 : i32
        %dma_start3A_208 = arith.constant 0 : i32
        %dma_start3A_209 = arith.constant 0 : i32
        %dma_start3A_210 = tpu.memref_slice %arg8[%dma_start3A_208, %dma_start3A_209] : memref<128x128xf32, #tpu.memory_space<vmem>> -> memref<32x128xf32, #tpu.memory_space<vmem>>
        %dma_start3A_211 = arith.constant 0 : i32
        %dma_start3A_212 = tpu.memref_slice %arg6[%add3A_207, %dma_start3A_211] : memref<40x128xi32, #tpu.memory_space<vmem>> -> memref<1x32xi32, #tpu.memory_space<vmem>>
        %dma_start3A_213 = tpu.memref_squeeze %dma_start3A_212 : memref<1x32xi32, #tpu.memory_space<vmem>> -> memref<32xi32, #tpu.memory_space<vmem>>
        %dma_start3A_214 = arith.constant 0 : i32
        %dma_start3A_215 = arith.constant 0 : i32
        %dma_start3A_216 = tpu.memref_slice %arg2[%dma_start3A_214, %dma_start3A_215] : memref<10000x128xf32, #tpu.memory_space<hbm>> -> memref<10000x128xf32, #tpu.memory_space<hbm>>
        tpu.enqueue_indirect_dma source(%dma_start3A_216 : memref<10000x128xf32, #tpu.memory_space<hbm>>) target(%dma_start3A_210 : memref<32x128xf32, #tpu.memory_space<vmem>>) offsets(%dma_start3A_213 : memref<32xi32, #tpu.memory_space<vmem>>) semaphore(%arg11 : memref<!tpu.dma_semaphore, #tpu.memory_space<semaphore_mem>>)
        %dma_start3A_217 = arith.constant 32 : i32
        %dma_start3A_218 = arith.constant 0 : i32
        %dma_start3A_219 = tpu.memref_slice %arg8[%dma_start3A_217, %dma_start3A_218] : memref<128x128xf32, #tpu.memory_space<vmem>> -> memref<32x128xf32, #tpu.memory_space<vmem>>
        %dma_start3A_220 = arith.constant 32 : i32
        %dma_start3A_221 = tpu.memref_slice %arg6[%add3A_207, %dma_start3A_220] : memref<40x128xi32, #tpu.memory_space<vmem>> -> memref<1x32xi32, #tpu.memory_space<vmem>>
        %dma_start3A_222 = tpu.memref_squeeze %dma_start3A_221 : memref<1x32xi32, #tpu.memory_space<vmem>> -> memref<32xi32, #tpu.memory_space<vmem>>
        %dma_start3A_223 = arith.constant 0 : i32
        %dma_start3A_224 = arith.constant 0 : i32
        %dma_start3A_225 = tpu.memref_slice %arg2[%dma_start3A_223, %dma_start3A_224] : memref<10000x128xf32, #tpu.memory_space<hbm>> -> memref<10000x128xf32, #tpu.memory_space<hbm>>
        tpu.enqueue_indirect_dma source(%dma_start3A_225 : memref<10000x128xf32, #tpu.memory_space<hbm>>) target(%dma_start3A_219 : memref<32x128xf32, #tpu.memory_space<vmem>>) offsets(%dma_start3A_222 : memref<32xi32, #tpu.memory_space<vmem>>) semaphore(%arg11 : memref<!tpu.dma_semaphore, #tpu.memory_space<semaphore_mem>>)
        %dma_start3A_226 = arith.constant 64 : i32
        %dma_start3A_227 = arith.constant 0 : i32
        %dma_start3A_228 = tpu.memref_slice %arg8[%dma_start3A_226, %dma_start3A_227] : memref<128x128xf32, #tpu.memory_space<vmem>> -> memref<32x128xf32, #tpu.memory_space<vmem>>
        %dma_start3A_229 = arith.constant 64 : i32
        %dma_start3A_230 = tpu.memref_slice %arg6[%add3A_207, %dma_start3A_229] : memref<40x128xi32, #tpu.memory_space<vmem>> -> memref<1x32xi32, #tpu.memory_space<vmem>>
        %dma_start3A_231 = tpu.memref_squeeze %dma_start3A_230 : memref<1x32xi32, #tpu.memory_space<vmem>> -> memref<32xi32, #tpu.memory_space<vmem>>
        %dma_start3A_232 = arith.constant 0 : i32
        %dma_start3A_233 = arith.constant 0 : i32
        %dma_start3A_234 = tpu.memref_slice %arg2[%dma_start3A_232, %dma_start3A_233] : memref<10000x128xf32, #tpu.memory_space<hbm>> -> memref<10000x128xf32, #tpu.memory_space<hbm>>
        tpu.enqueue_indirect_dma source(%dma_start3A_234 : memref<10000x128xf32, #tpu.memory_space<hbm>>) target(%dma_start3A_228 : memref<32x128xf32, #tpu.memory_space<vmem>>) offsets(%dma_start3A_231 : memref<32xi32, #tpu.memory_space<vmem>>) semaphore(%arg11 : memref<!tpu.dma_semaphore, #tpu.memory_space<semaphore_mem>>)
        %dma_start3A_235 = arith.constant 96 : i32
        %dma_start3A_236 = arith.constant 0 : i32
        %dma_start3A_237 = tpu.memref_slice %arg8[%dma_start3A_235, %dma_start3A_236] : memref<128x128xf32, #tpu.memory_space<vmem>> -> memref<32x128xf32, #tpu.memory_space<vmem>>
        %dma_start3A_238 = arith.constant 96 : i32
        %dma_start3A_239 = tpu.memref_slice %arg6[%add3A_207, %dma_start3A_238] : memref<40x128xi32, #tpu.memory_space<vmem>> -> memref<1x32xi32, #tpu.memory_space<vmem>>
        %dma_start3A_240 = tpu.memref_squeeze %dma_start3A_239 : memref<1x32xi32, #tpu.memory_space<vmem>> -> memref<32xi32, #tpu.memory_space<vmem>>
        %dma_start3A_241 = arith.constant 0 : i32
        %dma_start3A_242 = arith.constant 0 : i32
        %dma_start3A_243 = tpu.memref_slice %arg2[%dma_start3A_241, %dma_start3A_242] : memref<10000x128xf32, #tpu.memory_space<hbm>> -> memref<10000x128xf32, #tpu.memory_space<hbm>>
        tpu.enqueue_indirect_dma source(%dma_start3A_243 : memref<10000x128xf32, #tpu.memory_space<hbm>>) target(%dma_start3A_237 : memref<32x128xf32, #tpu.memory_space<vmem>>) offsets(%dma_start3A_240 : memref<32xi32, #tpu.memory_space<vmem>>) semaphore(%arg11 : memref<!tpu.dma_semaphore, #tpu.memory_space<semaphore_mem>>)
      } else {
      }
      %dma_wait3A_197 = arith.constant 0 : i32
      %dma_wait3A_198 = arith.constant 0 : i32
      %dma_wait3A_199 = tpu.memref_slice %arg2[%dma_wait3A_197, %dma_wait3A_198] : memref<10000x128xf32, #tpu.memory_space<hbm>> -> memref<128x128xf32, #tpu.memory_space<hbm>>
      %dma_wait3A_200 = arith.constant 0 : i32
      %dma_wait3A_201 = arith.constant 0 : i32
      %dma_wait3A_202 = tpu.memref_slice %arg2[%dma_wait3A_200, %dma_wait3A_201] : memref<10000x128xf32, #tpu.memory_space<hbm>> -> memref<128x128xf32, #tpu.memory_space<hbm>>
      tpu.wait_dma2 semaphore(%arg12 : memref<!tpu.dma_semaphore, #tpu.memory_space<semaphore_mem>>) src(%dma_wait3A_202 : memref<128x128xf32, #tpu.memory_space<hbm>>) dst(%arg9 : memref<128x128xf32, #tpu.memory_space<vmem>>)
      %add3A_203 = arith.constant 1 : i32
      %add3A_204 = arith.addi %mul3A_147, %add3A_203 : i32
      "tpu.region"() ({
        %run_scoped3A = tpu.sem_alloc : memref<!tpu.dma_semaphore, #tpu.memory_space<semaphore_mem>>
        %dma_start3A_206 = arith.constant 0 : i32
        %dma_start3A_207 = tpu.memref_slice %arg7[%add3A_204, %dma_start3A_206] : memref<40x128xi32, #tpu.memory_space<vmem>> -> memref<1x128xi32, #tpu.memory_space<vmem>>
        %dma_start3A_208 = tpu.memref_squeeze %dma_start3A_207 : memref<1x128xi32, #tpu.memory_space<vmem>> -> memref<128xi32, #tpu.memory_space<vmem>>
        %dma_start3A_209 = arith.constant 0 : i32
        %dma_start3A_210 = arith.constant 0 : i32
        %dma_start3A_211 = tpu.memref_slice %arg10[%dma_start3A_209, %dma_start3A_210] : memref<10008x128xf32, #tpu.memory_space<vmem_shared>> -> memref<10008x128xf32, #tpu.memory_space<vmem_shared>>
        tpu.enqueue_indirect_dma source(%arg9 : memref<128x128xf32, #tpu.memory_space<vmem>>) target(%dma_start3A_211 : memref<10008x128xf32, #tpu.memory_space<vmem_shared>>) offsets(%dma_start3A_208 : memref<128xi32, #tpu.memory_space<vmem>>) semaphore(%run_scoped3A : memref<!tpu.dma_semaphore, #tpu.memory_space<semaphore_mem>>) {add = true}
        %dma_wait3A_212 = arith.constant 0 : i32
        %dma_wait3A_213 = tpu.memref_slice %arg7[%add3A_204, %dma_wait3A_212] : memref<40x128xi32, #tpu.memory_space<vmem>> -> memref<1x128xi32, #tpu.memory_space<vmem>>
        %dma_wait3A_214 = tpu.memref_squeeze %dma_wait3A_213 : memref<1x128xi32, #tpu.memory_space<vmem>> -> memref<128xi32, #tpu.memory_space<vmem>>
        %dma_wait3A_215 = arith.constant 0 : i32
        %dma_wait3A_216 = arith.constant 0 : i32
        %dma_wait3A_217 = tpu.memref_slice %arg10[%dma_wait3A_215, %dma_wait3A_216] : memref<10008x128xf32, #tpu.memory_space<vmem_shared>> -> memref<10008x128xf32, #tpu.memory_space<vmem_shared>>
        tpu.wait_indirect_dma semaphore(%run_scoped3A : memref<!tpu.dma_semaphore, #tpu.memory_space<semaphore_mem>>) src(%arg9 : memref<128x128xf32, #tpu.memory_space<vmem>>) dst(%dma_wait3A_217 : memref<10008x128xf32, #tpu.memory_space<vmem_shared>>)
        tpu.yield
      }) : () -> ()
      %scan3A_205 = arith.constant 0 : i32
      scf.yield %scan3A_205 : i32
    }
    %scan3A_130 = arith.constant 20 : i32
    %barrier3A_131 = arith.constant 0 : index
    tpu.barrier barrier_id(%barrier3A_131)
    %scan3A_132 = arith.constant 0 : i32
    %scan3A_133 = arith.constant 0 : i32
    %scan3A_134 = arith.constant 5 : i32
    %scan3A_135 = arith.addi %scan3A_133, %scan3A_134 : i32
    %scan3A_136 = arith.constant 1 : i32
    %scan3A_137 = scf.for %scan3A_144 = %scan3A_133 to %scan3A_135 step %scan3A_136 iter_args(%scan3A_145 = %scan3A_132) -> (i32)  : i32 {
      %mul3A_146 = arith.constant 5 : i32
      %mul3A_147 = arith.muli %arg1, %mul3A_146 : i32
      %add3A_148 = arith.addi %mul3A_147, %scan3A_144 : i32
      %lt3A = arith.constant 78 : i32
      %lt3A_149 = arith.cmpi slt, %add3A_148, %lt3A : i32
      %convert_element_type3A_150 = arith.extui %lt3A_149 : i1 to i32
      %cond3A_151 = arith.constant 0 : i32
      %cond3A_152 = arith.cmpi ne, %convert_element_type3A_150, %cond3A_151 : i32
      scf.if %cond3A_152 {
        %mul3A_154 = arith.constant 128 : i32
        %mul3A_155 = arith.muli %add3A_148, %mul3A_154 : i32
        "tpu.region"() ({
          %run_scoped3A = tpu.sem_alloc : memref<!tpu.dma_semaphore, #tpu.memory_space<semaphore_mem>>
          %dma_start3A_156 = arith.constant 0 : i32
          %dma_start3A_157 = tpu.memref_slice %arg5[%arg0, %mul3A_155, %dma_start3A_156] : memref<2x10000x128xf32, #tpu.memory_space<hbm>> -> memref<1x128x128xf32, #tpu.memory_space<hbm>>
          %dma_start3A_158 = tpu.memref_squeeze %dma_start3A_157 : memref<1x128x128xf32, #tpu.memory_space<hbm>> -> memref<128x128xf32, #tpu.memory_space<hbm>>
          %dma_start3A_159 = arith.constant 0 : i32
          %dma_start3A_160 = tpu.memref_slice %arg10[%mul3A_155, %dma_start3A_159] : memref<10008x128xf32, #tpu.memory_space<vmem_shared>> -> memref<128x128xf32, #tpu.memory_space<vmem_shared>>
          tpu.enqueue_dma source(%dma_start3A_160 : memref<128x128xf32, #tpu.memory_space<vmem_shared>>) target(%dma_start3A_158 : memref<128x128xf32, #tpu.memory_space<hbm>>) target_semaphore(%run_scoped3A : memref<!tpu.dma_semaphore, #tpu.memory_space<semaphore_mem>>)
          %dma_wait3A = arith.constant 0 : i32
          %dma_wait3A_161 = tpu.memref_slice %arg5[%arg0, %mul3A_155, %dma_wait3A] : memref<2x10000x128xf32, #tpu.memory_space<hbm>> -> memref<1x128x128xf32, #tpu.memory_space<hbm>>
          %dma_wait3A_162 = tpu.memref_squeeze %dma_wait3A_161 : memref<1x128x128xf32, #tpu.memory_space<hbm>> -> memref<128x128xf32, #tpu.memory_space<hbm>>
          %dma_wait3A_163 = arith.constant 0 : i32
          %dma_wait3A_164 = tpu.memref_slice %arg10[%mul3A_155, %dma_wait3A_163] : memref<10008x128xf32, #tpu.memory_space<vmem_shared>> -> memref<128x128xf32, #tpu.memory_space<vmem_shared>>
          tpu.wait_dma2 semaphore(%run_scoped3A : memref<!tpu.dma_semaphore, #tpu.memory_space<semaphore_mem>>) src(%dma_wait3A_164 : memref<128x128xf32, #tpu.memory_space<vmem_shared>>) dst(%dma_wait3A_162 : memref<128x128xf32, #tpu.memory_space<hbm>>)
          tpu.yield
        }) : () -> ()
      } else {
      }
      %scan3A_153 = arith.constant 0 : i32
      scf.yield %scan3A_153 : i32
    }
    %scan3A_138 = arith.constant 5 : i32
    %eq3A_139 = arith.constant 15 : i32
    %eq3A_140 = arith.cmpi eq, %arg1, %eq3A_139 : i32
    %convert_element_type3A_141 = arith.extui %eq3A_140 : i1 to i32
    %cond3A_142 = arith.constant 0 : i32
    %cond3A_143 = arith.cmpi ne, %convert_element_type3A_141, %cond3A_142 : i32
    scf.if %cond3A_143 {
      "tpu.region"() ({
        %run_scoped3A = tpu.sem_alloc : memref<!tpu.dma_semaphore, #tpu.memory_space<semaphore_mem>>
        %dma_start3A_144 = arith.constant 9984 : i32
        %dma_start3A_145 = arith.constant 0 : i32
        %dma_start3A_146 = tpu.memref_slice %arg5[%arg0, %dma_start3A_144, %dma_start3A_145] : memref<2x10000x128xf32, #tpu.memory_space<hbm>> -> memref<1x16x128xf32, #tpu.memory_space<hbm>>
        %dma_start3A_147 = tpu.memref_squeeze %dma_start3A_146 : memref<1x16x128xf32, #tpu.memory_space<hbm>> -> memref<16x128xf32, #tpu.memory_space<hbm>>
        %dma_start3A_148 = arith.constant 9984 : i32
        %dma_start3A_149 = arith.constant 0 : i32
        %dma_start3A_150 = tpu.memref_slice %arg10[%dma_start3A_148, %dma_start3A_149] : memref<10008x128xf32, #tpu.memory_space<vmem_shared>> -> memref<16x128xf32, #tpu.memory_space<vmem_shared>>
        tpu.enqueue_dma source(%dma_start3A_150 : memref<16x128xf32, #tpu.memory_space<vmem_shared>>) target(%dma_start3A_147 : memref<16x128xf32, #tpu.memory_space<hbm>>) target_semaphore(%run_scoped3A : memref<!tpu.dma_semaphore, #tpu.memory_space<semaphore_mem>>)
        %dma_wait3A = arith.constant 9984 : i32
        %dma_wait3A_151 = arith.constant 0 : i32
        %dma_wait3A_152 = tpu.memref_slice %arg5[%arg0, %dma_wait3A, %dma_wait3A_151] : memref<2x10000x128xf32, #tpu.memory_space<hbm>> -> memref<1x16x128xf32, #tpu.memory_space<hbm>>
        %dma_wait3A_153 = tpu.memref_squeeze %dma_wait3A_152 : memref<1x16x128xf32, #tpu.memory_space<hbm>> -> memref<16x128xf32, #tpu.memory_space<hbm>>
        %dma_wait3A_154 = arith.constant 9984 : i32
        %dma_wait3A_155 = arith.constant 0 : i32
        %dma_wait3A_156 = tpu.memref_slice %arg10[%dma_wait3A_154, %dma_wait3A_155] : memref<10008x128xf32, #tpu.memory_space<vmem_shared>> -> memref<16x128xf32, #tpu.memory_space<vmem_shared>>
        tpu.wait_dma2 semaphore(%run_scoped3A : memref<!tpu.dma_semaphore, #tpu.memory_space<semaphore_mem>>) src(%dma_wait3A_156 : memref<16x128xf32, #tpu.memory_space<vmem_shared>>) dst(%dma_wait3A_153 : memref<16x128xf32, #tpu.memory_space<hbm>>)
        tpu.yield
      }) : () -> ()
    } else {
    }
    return
  }
}

#map = affine_map<(d0, d1) -> (0, 0)>
#map1 = affine_map<(d0, d1) -> (0, 0, 0)>
module attributes {stable_mosaic.version = 14 : i64} {
  func.func @_sc_degree(%arg0: i32, %arg1: i32, %arg2: memref<2560x128xi32, #tpu.memory_space<hbm>>, %arg3: memref<2x10000x128xf32, #tpu.memory_space<hbm>>, %arg4: memref<80x128xi32, #tpu.memory_space<vmem>>, %arg5: memref<128x128xf32, #tpu.memory_space<vmem>>, %arg6: memref<128x128xf32, #tpu.memory_space<vmem>>, %arg7: memref<10008x128xf32, #tpu.memory_space<vmem_shared>>) attributes {dimension_semantics = [#tpu.dimension_semantics<core_parallel>, #tpu.dimension_semantics<subcore_parallel>], iteration_bounds = array<i64: 2, 16>, scalar_prefetch = 0 : i64, scratch_operands = 4 : i64, tpu.core_type = #tpu.core_type<sc_vector_subcore>, window_params = [{transform_indices = #map}, {transform_indices = #map1}]} {
    %mul3A = arith.constant 16 : i32
    %mul3A_0 = arith.muli %arg0, %mul3A : i32
    %add3A = arith.addi %mul3A_0, %arg1 : i32
    %mul3A_1 = arith.constant 80 : i32
    %mul3A_2 = arith.muli %add3A, %mul3A_1 : i32
    "tpu.region"() ({
      %run_scoped3A = tpu.sem_alloc : memref<!tpu.dma_semaphore, #tpu.memory_space<semaphore_mem>>
      %dma_start3A = arith.constant 0 : i32
      %dma_start3A_53 = tpu.memref_slice %arg2[%mul3A_2, %dma_start3A] : memref<2560x128xi32, #tpu.memory_space<hbm>> -> memref<80x128xi32, #tpu.memory_space<hbm>>
      %dma_start3A_54 = arith.constant 0 : i32
      %dma_start3A_55 = tpu.memref_slice %arg2[%mul3A_2, %dma_start3A_54] : memref<2560x128xi32, #tpu.memory_space<hbm>> -> memref<80x128xi32, #tpu.memory_space<hbm>>
      tpu.enqueue_dma source(%dma_start3A_55 : memref<80x128xi32, #tpu.memory_space<hbm>>) target(%arg4 : memref<80x128xi32, #tpu.memory_space<vmem>>) target_semaphore(%run_scoped3A : memref<!tpu.dma_semaphore, #tpu.memory_space<semaphore_mem>>)
      %dma_wait3A = arith.constant 0 : i32
      %dma_wait3A_56 = tpu.memref_slice %arg2[%mul3A_2, %dma_wait3A] : memref<2560x128xi32, #tpu.memory_space<hbm>> -> memref<80x128xi32, #tpu.memory_space<hbm>>
      %dma_wait3A_57 = arith.constant 0 : i32
      %dma_wait3A_58 = tpu.memref_slice %arg2[%mul3A_2, %dma_wait3A_57] : memref<2560x128xi32, #tpu.memory_space<hbm>> -> memref<80x128xi32, #tpu.memory_space<hbm>>
      tpu.wait_dma2 semaphore(%run_scoped3A : memref<!tpu.dma_semaphore, #tpu.memory_space<semaphore_mem>>) src(%dma_wait3A_58 : memref<80x128xi32, #tpu.memory_space<hbm>>) dst(%arg4 : memref<80x128xi32, #tpu.memory_space<vmem>>)
      tpu.yield
    }) : () -> ()
    %broadcast_in_dim3A = arith.constant 0.000000e+00 : f32
    %broadcast_in_dim3A_3 = vector.broadcast %broadcast_in_dim3A : f32 to vector<16xf32>
    %scan3A = arith.constant 0 : i32
    %scan3A_4 = arith.constant 0 : i32
    %scan3A_5 = arith.constant 128 : i32
    %scan3A_6 = arith.addi %scan3A_4, %scan3A_5 : i32
    %scan3A_7 = arith.constant 1 : i32
    %scan3A_8 = scf.for %scan3A_53 = %scan3A_4 to %scan3A_6 step %scan3A_7 iter_args(%scan3A_54 = %scan3A) -> (i32)  : i32 {
      %swap3A = arith.index_cast %scan3A_53 : i32 to index
      %swap3A_55 = arith.constant 0 : index
      %swap3A_56 = tpu.vector_load %arg6[%swap3A, %swap3A_55] {strides = array<i32>} : memref<128x128xf32, #tpu.memory_space<vmem>>, vector<1x16xf32>,
      %swap3A_57 = vector.shape_cast %swap3A_56 : vector<1x16xf32> to vector<16xf32>
      %swap3A_58 = vector.shape_cast %broadcast_in_dim3A_3 : vector<16xf32> to vector<1x16xf32>
      tpu.vector_store %arg6[%swap3A, %swap3A_55], %swap3A_58 {strides = array<i32>} : memref<128x128xf32, #tpu.memory_space<vmem>>, vector<1x16xf32>,
      %swap3A_59 = arith.index_cast %scan3A_53 : i32 to index
      %swap3A_60 = arith.constant 16 : index
      %swap3A_61 = tpu.vector_load %arg6[%swap3A_59, %swap3A_60] {strides = array<i32>} : memref<128x128xf32, #tpu.memory_space<vmem>>, vector<1x16xf32>,
      %swap3A_62 = vector.shape_cast %swap3A_61 : vector<1x16xf32> to vector<16xf32>
      %swap3A_63 = vector.shape_cast %broadcast_in_dim3A_3 : vector<16xf32> to vector<1x16xf32>
      tpu.vector_store %arg6[%swap3A_59, %swap3A_60], %swap3A_63 {strides = array<i32>} : memref<128x128xf32, #tpu.memory_space<vmem>>, vector<1x16xf32>,
      %swap3A_64 = arith.index_cast %scan3A_53 : i32 to index
      %swap3A_65 = arith.constant 32 : index
      %swap3A_66 = tpu.vector_load %arg6[%swap3A_64, %swap3A_65] {strides = array<i32>} : memref<128x128xf32, #tpu.memory_space<vmem>>, vector<1x16xf32>,
      %swap3A_67 = vector.shape_cast %swap3A_66 : vector<1x16xf32> to vector<16xf32>
      %swap3A_68 = vector.shape_cast %broadcast_in_dim3A_3 : vector<16xf32> to vector<1x16xf32>
      tpu.vector_store %arg6[%swap3A_64, %swap3A_65], %swap3A_68 {strides = array<i32>} : memref<128x128xf32, #tpu.memory_space<vmem>>, vector<1x16xf32>,
      %swap3A_69 = arith.index_cast %scan3A_53 : i32 to index
      %swap3A_70 = arith.constant 48 : index
      %swap3A_71 = tpu.vector_load %arg6[%swap3A_69, %swap3A_70] {strides = array<i32>} : memref<128x128xf32, #tpu.memory_space<vmem>>, vector<1x16xf32>,
      %swap3A_72 = vector.shape_cast %swap3A_71 : vector<1x16xf32> to vector<16xf32>
      %swap3A_73 = vector.shape_cast %broadcast_in_dim3A_3 : vector<16xf32> to vector<1x16xf32>
      tpu.vector_store %arg6[%swap3A_69, %swap3A_70], %swap3A_73 {strides = array<i32>} : memref<128x128xf32, #tpu.memory_space<vmem>>, vector<1x16xf32>,
      %swap3A_74 = arith.index_cast %scan3A_53 : i32 to index
      %swap3A_75 = arith.constant 64 : index
      %swap3A_76 = tpu.vector_load %arg6[%swap3A_74, %swap3A_75] {strides = array<i32>} : memref<128x128xf32, #tpu.memory_space<vmem>>, vector<1x16xf32>,
      %swap3A_77 = vector.shape_cast %swap3A_76 : vector<1x16xf32> to vector<16xf32>
      %swap3A_78 = vector.shape_cast %broadcast_in_dim3A_3 : vector<16xf32> to vector<1x16xf32>
      tpu.vector_store %arg6[%swap3A_74, %swap3A_75], %swap3A_78 {strides = array<i32>} : memref<128x128xf32, #tpu.memory_space<vmem>>, vector<1x16xf32>,
      %swap3A_79 = arith.index_cast %scan3A_53 : i32 to index
      %swap3A_80 = arith.constant 80 : index
      %swap3A_81 = tpu.vector_load %arg6[%swap3A_79, %swap3A_80] {strides = array<i32>} : memref<128x128xf32, #tpu.memory_space<vmem>>, vector<1x16xf32>,
      %swap3A_82 = vector.shape_cast %swap3A_81 : vector<1x16xf32> to vector<16xf32>
      %swap3A_83 = vector.shape_cast %broadcast_in_dim3A_3 : vector<16xf32> to vector<1x16xf32>
      tpu.vector_store %arg6[%swap3A_79, %swap3A_80], %swap3A_83 {strides = array<i32>} : memref<128x128xf32, #tpu.memory_space<vmem>>, vector<1x16xf32>,
      %swap3A_84 = arith.index_cast %scan3A_53 : i32 to index
      %swap3A_85 = arith.constant 96 : index
      %swap3A_86 = tpu.vector_load %arg6[%swap3A_84, %swap3A_85] {strides = array<i32>} : memref<128x128xf32, #tpu.memory_space<vmem>>, vector<1x16xf32>,
      %swap3A_87 = vector.shape_cast %swap3A_86 : vector<1x16xf32> to vector<16xf32>
      %swap3A_88 = vector.shape_cast %broadcast_in_dim3A_3 : vector<16xf32> to vector<1x16xf32>
      tpu.vector_store %arg6[%swap3A_84, %swap3A_85], %swap3A_88 {strides = array<i32>} : memref<128x128xf32, #tpu.memory_space<vmem>>, vector<1x16xf32>,
      %swap3A_89 = arith.index_cast %scan3A_53 : i32 to index
      %swap3A_90 = arith.constant 112 : index
      %swap3A_91 = tpu.vector_load %arg6[%swap3A_89, %swap3A_90] {strides = array<i32>} : memref<128x128xf32, #tpu.memory_space<vmem>>, vector<1x16xf32>,
      %swap3A_92 = vector.shape_cast %swap3A_91 : vector<1x16xf32> to vector<16xf32>
      %swap3A_93 = vector.shape_cast %broadcast_in_dim3A_3 : vector<16xf32> to vector<1x16xf32>
      tpu.vector_store %arg6[%swap3A_89, %swap3A_90], %swap3A_93 {strides = array<i32>} : memref<128x128xf32, #tpu.memory_space<vmem>>, vector<1x16xf32>,
      %scan3A_94 = arith.constant 0 : i32
      scf.yield %scan3A_94 : i32
    }
    %scan3A_9 = arith.constant 128 : i32
    %scan3A_10 = arith.constant 0 : i32
    %scan3A_11 = arith.constant 0 : i32
    %scan3A_12 = arith.constant 5 : i32
    %scan3A_13 = arith.addi %scan3A_11, %scan3A_12 : i32
    %scan3A_14 = arith.constant 1 : i32
    %scan3A_15 = scf.for %scan3A_53 = %scan3A_11 to %scan3A_13 step %scan3A_14 iter_args(%scan3A_54 = %scan3A_10) -> (i32)  : i32 {
      %mul3A_55 = arith.constant 5 : i32
      %mul3A_56 = arith.muli %arg1, %mul3A_55 : i32
      %add3A_57 = arith.addi %mul3A_56, %scan3A_53 : i32
      %lt3A = arith.constant 78 : i32
      %lt3A_58 = arith.cmpi slt, %add3A_57, %lt3A : i32
      %convert_element_type3A_59 = arith.extui %lt3A_58 : i1 to i32
      %cond3A_60 = arith.constant 0 : i32
      %cond3A_61 = arith.cmpi ne, %convert_element_type3A_59, %cond3A_60 : i32
      scf.if %cond3A_61 {
        %mul3A_63 = arith.constant 128 : i32
        %mul3A_64 = arith.muli %add3A_57, %mul3A_63 : i32
        "tpu.region"() ({
          %run_scoped3A = tpu.sem_alloc : memref<!tpu.dma_semaphore, #tpu.memory_space<semaphore_mem>>
          %dma_start3A = arith.constant 0 : i32
          %dma_start3A_65 = arith.constant 0 : i32
          %dma_start3A_66 = tpu.memref_slice %arg6[%dma_start3A, %dma_start3A_65] : memref<128x128xf32, #tpu.memory_space<vmem>> -> memref<128x128xf32, #tpu.memory_space<vmem>>
          %dma_start3A_67 = arith.constant 0 : i32
          %dma_start3A_68 = tpu.memref_slice %arg7[%mul3A_64, %dma_start3A_67] : memref<10008x128xf32, #tpu.memory_space<vmem_shared>> -> memref<128x128xf32, #tpu.memory_space<vmem_shared>>
          %dma_start3A_69 = arith.constant 0 : i32
          %dma_start3A_70 = tpu.memref_slice %arg7[%mul3A_64, %dma_start3A_69] : memref<10008x128xf32, #tpu.memory_space<vmem_shared>> -> memref<128x128xf32, #tpu.memory_space<vmem_shared>>
          %dma_start3A_71 = arith.constant 0 : i32
          %dma_start3A_72 = arith.constant 0 : i32
          %dma_start3A_73 = tpu.memref_slice %arg6[%dma_start3A_71, %dma_start3A_72] : memref<128x128xf32, #tpu.memory_space<vmem>> -> memref<128x128xf32, #tpu.memory_space<vmem>>
          tpu.enqueue_dma source(%dma_start3A_73 : memref<128x128xf32, #tpu.memory_space<vmem>>) target(%dma_start3A_70 : memref<128x128xf32, #tpu.memory_space<vmem_shared>>) target_semaphore(%run_scoped3A : memref<!tpu.dma_semaphore, #tpu.memory_space<semaphore_mem>>)
          %dma_wait3A = arith.constant 0 : i32
          %dma_wait3A_74 = arith.constant 0 : i32
          %dma_wait3A_75 = tpu.memref_slice %arg6[%dma_wait3A, %dma_wait3A_74] : memref<128x128xf32, #tpu.memory_space<vmem>> -> memref<128x128xf32, #tpu.memory_space<vmem>>
          %dma_wait3A_76 = arith.constant 0 : i32
          %dma_wait3A_77 = tpu.memref_slice %arg7[%mul3A_64, %dma_wait3A_76] : memref<10008x128xf32, #tpu.memory_space<vmem_shared>> -> memref<128x128xf32, #tpu.memory_space<vmem_shared>>
          %dma_wait3A_78 = arith.constant 0 : i32
          %dma_wait3A_79 = tpu.memref_slice %arg7[%mul3A_64, %dma_wait3A_78] : memref<10008x128xf32, #tpu.memory_space<vmem_shared>> -> memref<128x128xf32, #tpu.memory_space<vmem_shared>>
          %dma_wait3A_80 = arith.constant 0 : i32
          %dma_wait3A_81 = arith.constant 0 : i32
          %dma_wait3A_82 = tpu.memref_slice %arg6[%dma_wait3A_80, %dma_wait3A_81] : memref<128x128xf32, #tpu.memory_space<vmem>> -> memref<128x128xf32, #tpu.memory_space<vmem>>
          tpu.wait_dma2 semaphore(%run_scoped3A : memref<!tpu.dma_semaphore, #tpu.memory_space<semaphore_mem>>) src(%dma_wait3A_82 : memref<128x128xf32, #tpu.memory_space<vmem>>) dst(%dma_wait3A_79 : memref<128x128xf32, #tpu.memory_space<vmem_shared>>)
          tpu.yield
        }) : () -> ()
      } else {
      }
      %scan3A_62 = arith.constant 0 : i32
      scf.yield %scan3A_62 : i32
    }
    %scan3A_16 = arith.constant 5 : i32
    %eq3A = arith.constant 15 : i32
    %eq3A_17 = arith.cmpi eq, %arg1, %eq3A : i32
    %convert_element_type3A = arith.extui %eq3A_17 : i1 to i32
    %cond3A = arith.constant 0 : i32
    %cond3A_18 = arith.cmpi ne, %convert_element_type3A, %cond3A : i32
    scf.if %cond3A_18 {
      "tpu.region"() ({
        %run_scoped3A = tpu.sem_alloc : memref<!tpu.dma_semaphore, #tpu.memory_space<semaphore_mem>>
        %dma_start3A = arith.constant 0 : i32
        %dma_start3A_53 = arith.constant 0 : i32
        %dma_start3A_54 = tpu.memref_slice %arg6[%dma_start3A, %dma_start3A_53] : memref<128x128xf32, #tpu.memory_space<vmem>> -> memref<16x128xf32, #tpu.memory_space<vmem>>
        %dma_start3A_55 = arith.constant 9984 : i32
        %dma_start3A_56 = arith.constant 0 : i32
        %dma_start3A_57 = tpu.memref_slice %arg7[%dma_start3A_55, %dma_start3A_56] : memref<10008x128xf32, #tpu.memory_space<vmem_shared>> -> memref<16x128xf32, #tpu.memory_space<vmem_shared>>
        %dma_start3A_58 = arith.constant 9984 : i32
        %dma_start3A_59 = arith.constant 0 : i32
        %dma_start3A_60 = tpu.memref_slice %arg7[%dma_start3A_58, %dma_start3A_59] : memref<10008x128xf32, #tpu.memory_space<vmem_shared>> -> memref<16x128xf32, #tpu.memory_space<vmem_shared>>
        %dma_start3A_61 = arith.constant 0 : i32
        %dma_start3A_62 = arith.constant 0 : i32
        %dma_start3A_63 = tpu.memref_slice %arg6[%dma_start3A_61, %dma_start3A_62] : memref<128x128xf32, #tpu.memory_space<vmem>> -> memref<16x128xf32, #tpu.memory_space<vmem>>
        tpu.enqueue_dma source(%dma_start3A_63 : memref<16x128xf32, #tpu.memory_space<vmem>>) target(%dma_start3A_60 : memref<16x128xf32, #tpu.memory_space<vmem_shared>>) target_semaphore(%run_scoped3A : memref<!tpu.dma_semaphore, #tpu.memory_space<semaphore_mem>>)
        %dma_wait3A = arith.constant 0 : i32
        %dma_wait3A_64 = arith.constant 0 : i32
        %dma_wait3A_65 = tpu.memref_slice %arg6[%dma_wait3A, %dma_wait3A_64] : memref<128x128xf32, #tpu.memory_space<vmem>> -> memref<16x128xf32, #tpu.memory_space<vmem>>
        %dma_wait3A_66 = arith.constant 9984 : i32
        %dma_wait3A_67 = arith.constant 0 : i32
        %dma_wait3A_68 = tpu.memref_slice %arg7[%dma_wait3A_66, %dma_wait3A_67] : memref<10008x128xf32, #tpu.memory_space<vmem_shared>> -> memref<16x128xf32, #tpu.memory_space<vmem_shared>>
        %dma_wait3A_69 = arith.constant 9984 : i32
        %dma_wait3A_70 = arith.constant 0 : i32
        %dma_wait3A_71 = tpu.memref_slice %arg7[%dma_wait3A_69, %dma_wait3A_70] : memref<10008x128xf32, #tpu.memory_space<vmem_shared>> -> memref<16x128xf32, #tpu.memory_space<vmem_shared>>
        %dma_wait3A_72 = arith.constant 0 : i32
        %dma_wait3A_73 = arith.constant 0 : i32
        %dma_wait3A_74 = tpu.memref_slice %arg6[%dma_wait3A_72, %dma_wait3A_73] : memref<128x128xf32, #tpu.memory_space<vmem>> -> memref<16x128xf32, #tpu.memory_space<vmem>>
        tpu.wait_dma2 semaphore(%run_scoped3A : memref<!tpu.dma_semaphore, #tpu.memory_space<semaphore_mem>>) src(%dma_wait3A_74 : memref<16x128xf32, #tpu.memory_space<vmem>>) dst(%dma_wait3A_71 : memref<16x128xf32, #tpu.memory_space<vmem_shared>>)
        tpu.yield
      }) : () -> ()
    } else {
    }
    %eq3A_19 = arith.constant 0 : i32
    %eq3A_20 = arith.cmpi eq, %arg1, %eq3A_19 : i32
    %convert_element_type3A_21 = arith.extui %eq3A_20 : i1 to i32
    %cond3A_22 = arith.constant 0 : i32
    %cond3A_23 = arith.cmpi ne, %convert_element_type3A_21, %cond3A_22 : i32
    scf.if %cond3A_23 {
      "tpu.region"() ({
        %run_scoped3A = tpu.sem_alloc : memref<!tpu.dma_semaphore, #tpu.memory_space<semaphore_mem>>
        %dma_start3A = arith.constant 0 : i32
        %dma_start3A_53 = arith.constant 0 : i32
        %dma_start3A_54 = tpu.memref_slice %arg6[%dma_start3A, %dma_start3A_53] : memref<128x128xf32, #tpu.memory_space<vmem>> -> memref<8x128xf32, #tpu.memory_space<vmem>>
        %dma_start3A_55 = arith.constant 10000 : i32
        %dma_start3A_56 = arith.constant 0 : i32
        %dma_start3A_57 = tpu.memref_slice %arg7[%dma_start3A_55, %dma_start3A_56] : memref<10008x128xf32, #tpu.memory_space<vmem_shared>> -> memref<8x128xf32, #tpu.memory_space<vmem_shared>>
        %dma_start3A_58 = arith.constant 10000 : i32
        %dma_start3A_59 = arith.constant 0 : i32
        %dma_start3A_60 = tpu.memref_slice %arg7[%dma_start3A_58, %dma_start3A_59] : memref<10008x128xf32, #tpu.memory_space<vmem_shared>> -> memref<8x128xf32, #tpu.memory_space<vmem_shared>>
        %dma_start3A_61 = arith.constant 0 : i32
        %dma_start3A_62 = arith.constant 0 : i32
        %dma_start3A_63 = tpu.memref_slice %arg6[%dma_start3A_61, %dma_start3A_62] : memref<128x128xf32, #tpu.memory_space<vmem>> -> memref<8x128xf32, #tpu.memory_space<vmem>>
        tpu.enqueue_dma source(%dma_start3A_63 : memref<8x128xf32, #tpu.memory_space<vmem>>) target(%dma_start3A_60 : memref<8x128xf32, #tpu.memory_space<vmem_shared>>) target_semaphore(%run_scoped3A : memref<!tpu.dma_semaphore, #tpu.memory_space<semaphore_mem>>)
        %dma_wait3A = arith.constant 0 : i32
        %dma_wait3A_64 = arith.constant 0 : i32
        %dma_wait3A_65 = tpu.memref_slice %arg6[%dma_wait3A, %dma_wait3A_64] : memref<128x128xf32, #tpu.memory_space<vmem>> -> memref<8x128xf32, #tpu.memory_space<vmem>>
        %dma_wait3A_66 = arith.constant 10000 : i32
        %dma_wait3A_67 = arith.constant 0 : i32
        %dma_wait3A_68 = tpu.memref_slice %arg7[%dma_wait3A_66, %dma_wait3A_67] : memref<10008x128xf32, #tpu.memory_space<vmem_shared>> -> memref<8x128xf32, #tpu.memory_space<vmem_shared>>
        %dma_wait3A_69 = arith.constant 10000 : i32
        %dma_wait3A_70 = arith.constant 0 : i32
        %dma_wait3A_71 = tpu.memref_slice %arg7[%dma_wait3A_69, %dma_wait3A_70] : memref<10008x128xf32, #tpu.memory_space<vmem_shared>> -> memref<8x128xf32, #tpu.memory_space<vmem_shared>>
        %dma_wait3A_72 = arith.constant 0 : i32
        %dma_wait3A_73 = arith.constant 0 : i32
        %dma_wait3A_74 = tpu.memref_slice %arg6[%dma_wait3A_72, %dma_wait3A_73] : memref<128x128xf32, #tpu.memory_space<vmem>> -> memref<8x128xf32, #tpu.memory_space<vmem>>
        tpu.wait_dma2 semaphore(%run_scoped3A : memref<!tpu.dma_semaphore, #tpu.memory_space<semaphore_mem>>) src(%dma_wait3A_74 : memref<8x128xf32, #tpu.memory_space<vmem>>) dst(%dma_wait3A_71 : memref<8x128xf32, #tpu.memory_space<vmem_shared>>)
        tpu.yield
      }) : () -> ()
    } else {
    }
    %broadcast_in_dim3A_24 = arith.constant 1.000000e+00 : f32
    %broadcast_in_dim3A_25 = vector.broadcast %broadcast_in_dim3A_24 : f32 to vector<16xf32>
    %scan3A_26 = arith.constant 0 : i32
    %scan3A_27 = arith.constant 0 : i32
    %scan3A_28 = arith.constant 128 : i32
    %scan3A_29 = arith.addi %scan3A_27, %scan3A_28 : i32
    %scan3A_30 = arith.constant 1 : i32
    %scan3A_31 = scf.for %scan3A_53 = %scan3A_27 to %scan3A_29 step %scan3A_30 iter_args(%scan3A_54 = %scan3A_26) -> (i32)  : i32 {
      %swap3A = arith.index_cast %scan3A_53 : i32 to index
      %swap3A_55 = arith.constant 0 : index
      %swap3A_56 = tpu.vector_load %arg5[%swap3A, %swap3A_55] {strides = array<i32>} : memref<128x128xf32, #tpu.memory_space<vmem>>, vector<1x16xf32>,
      %swap3A_57 = vector.shape_cast %swap3A_56 : vector<1x16xf32> to vector<16xf32>
      %swap3A_58 = vector.shape_cast %broadcast_in_dim3A_25 : vector<16xf32> to vector<1x16xf32>
      tpu.vector_store %arg5[%swap3A, %swap3A_55], %swap3A_58 {strides = array<i32>} : memref<128x128xf32, #tpu.memory_space<vmem>>, vector<1x16xf32>,
      %swap3A_59 = arith.index_cast %scan3A_53 : i32 to index
      %swap3A_60 = arith.constant 16 : index
      %swap3A_61 = tpu.vector_load %arg5[%swap3A_59, %swap3A_60] {strides = array<i32>} : memref<128x128xf32, #tpu.memory_space<vmem>>, vector<1x16xf32>,
      %swap3A_62 = vector.shape_cast %swap3A_61 : vector<1x16xf32> to vector<16xf32>
      %swap3A_63 = vector.shape_cast %broadcast_in_dim3A_25 : vector<16xf32> to vector<1x16xf32>
      tpu.vector_store %arg5[%swap3A_59, %swap3A_60], %swap3A_63 {strides = array<i32>} : memref<128x128xf32, #tpu.memory_space<vmem>>, vector<1x16xf32>,
      %swap3A_64 = arith.index_cast %scan3A_53 : i32 to index
      %swap3A_65 = arith.constant 32 : index
      %swap3A_66 = tpu.vector_load %arg5[%swap3A_64, %swap3A_65] {strides = array<i32>} : memref<128x128xf32, #tpu.memory_space<vmem>>, vector<1x16xf32>,
      %swap3A_67 = vector.shape_cast %swap3A_66 : vector<1x16xf32> to vector<16xf32>
      %swap3A_68 = vector.shape_cast %broadcast_in_dim3A_25 : vector<16xf32> to vector<1x16xf32>
      tpu.vector_store %arg5[%swap3A_64, %swap3A_65], %swap3A_68 {strides = array<i32>} : memref<128x128xf32, #tpu.memory_space<vmem>>, vector<1x16xf32>,
      %swap3A_69 = arith.index_cast %scan3A_53 : i32 to index
      %swap3A_70 = arith.constant 48 : index
      %swap3A_71 = tpu.vector_load %arg5[%swap3A_69, %swap3A_70] {strides = array<i32>} : memref<128x128xf32, #tpu.memory_space<vmem>>, vector<1x16xf32>,
      %swap3A_72 = vector.shape_cast %swap3A_71 : vector<1x16xf32> to vector<16xf32>
      %swap3A_73 = vector.shape_cast %broadcast_in_dim3A_25 : vector<16xf32> to vector<1x16xf32>
      tpu.vector_store %arg5[%swap3A_69, %swap3A_70], %swap3A_73 {strides = array<i32>} : memref<128x128xf32, #tpu.memory_space<vmem>>, vector<1x16xf32>,
      %swap3A_74 = arith.index_cast %scan3A_53 : i32 to index
      %swap3A_75 = arith.constant 64 : index
      %swap3A_76 = tpu.vector_load %arg5[%swap3A_74, %swap3A_75] {strides = array<i32>} : memref<128x128xf32, #tpu.memory_space<vmem>>, vector<1x16xf32>,
      %swap3A_77 = vector.shape_cast %swap3A_76 : vector<1x16xf32> to vector<16xf32>
      %swap3A_78 = vector.shape_cast %broadcast_in_dim3A_25 : vector<16xf32> to vector<1x16xf32>
      tpu.vector_store %arg5[%swap3A_74, %swap3A_75], %swap3A_78 {strides = array<i32>} : memref<128x128xf32, #tpu.memory_space<vmem>>, vector<1x16xf32>,
      %swap3A_79 = arith.index_cast %scan3A_53 : i32 to index
      %swap3A_80 = arith.constant 80 : index
      %swap3A_81 = tpu.vector_load %arg5[%swap3A_79, %swap3A_80] {strides = array<i32>} : memref<128x128xf32, #tpu.memory_space<vmem>>, vector<1x16xf32>,
      %swap3A_82 = vector.shape_cast %swap3A_81 : vector<1x16xf32> to vector<16xf32>
      %swap3A_83 = vector.shape_cast %broadcast_in_dim3A_25 : vector<16xf32> to vector<1x16xf32>
      tpu.vector_store %arg5[%swap3A_79, %swap3A_80], %swap3A_83 {strides = array<i32>} : memref<128x128xf32, #tpu.memory_space<vmem>>, vector<1x16xf32>,
      %swap3A_84 = arith.index_cast %scan3A_53 : i32 to index
      %swap3A_85 = arith.constant 96 : index
      %swap3A_86 = tpu.vector_load %arg5[%swap3A_84, %swap3A_85] {strides = array<i32>} : memref<128x128xf32, #tpu.memory_space<vmem>>, vector<1x16xf32>,
      %swap3A_87 = vector.shape_cast %swap3A_86 : vector<1x16xf32> to vector<16xf32>
      %swap3A_88 = vector.shape_cast %broadcast_in_dim3A_25 : vector<16xf32> to vector<1x16xf32>
      tpu.vector_store %arg5[%swap3A_84, %swap3A_85], %swap3A_88 {strides = array<i32>} : memref<128x128xf32, #tpu.memory_space<vmem>>, vector<1x16xf32>,
      %swap3A_89 = arith.index_cast %scan3A_53 : i32 to index
      %swap3A_90 = arith.constant 112 : index
      %swap3A_91 = tpu.vector_load %arg5[%swap3A_89, %swap3A_90] {strides = array<i32>} : memref<128x128xf32, #tpu.memory_space<vmem>>, vector<1x16xf32>,
      %swap3A_92 = vector.shape_cast %swap3A_91 : vector<1x16xf32> to vector<16xf32>
      %swap3A_93 = vector.shape_cast %broadcast_in_dim3A_25 : vector<16xf32> to vector<1x16xf32>
      tpu.vector_store %arg5[%swap3A_89, %swap3A_90], %swap3A_93 {strides = array<i32>} : memref<128x128xf32, #tpu.memory_space<vmem>>, vector<1x16xf32>,
      %scan3A_94 = arith.constant 0 : i32
      scf.yield %scan3A_94 : i32
    }
    %scan3A_32 = arith.constant 128 : i32
    %barrier3A = arith.constant 0 : index
    tpu.barrier barrier_id(%barrier3A)
    %scan3A_33 = arith.constant 0 : i32
    %scan3A_34 = arith.constant 0 : i32
    %scan3A_35 = arith.constant 80 : i32
    %scan3A_36 = arith.addi %scan3A_34, %scan3A_35 : i32
    %scan3A_37 = arith.constant 1 : i32
    %scan3A_38 = scf.for %scan3A_53 = %scan3A_34 to %scan3A_36 step %scan3A_37 iter_args(%scan3A_54 = %scan3A_33) -> (i32)  : i32 {
      "tpu.region"() ({
        %run_scoped3A = tpu.sem_alloc : memref<!tpu.dma_semaphore, #tpu.memory_space<semaphore_mem>>
        %dma_start3A = arith.constant 0 : i32
        %dma_start3A_56 = tpu.memref_slice %arg4[%scan3A_53, %dma_start3A] : memref<80x128xi32, #tpu.memory_space<vmem>> -> memref<1x128xi32, #tpu.memory_space<vmem>>
        %dma_start3A_57 = tpu.memref_squeeze %dma_start3A_56 : memref<1x128xi32, #tpu.memory_space<vmem>> -> memref<128xi32, #tpu.memory_space<vmem>>
        %dma_start3A_58 = arith.constant 0 : i32
        %dma_start3A_59 = arith.constant 0 : i32
        %dma_start3A_60 = tpu.memref_slice %arg7[%dma_start3A_58, %dma_start3A_59] : memref<10008x128xf32, #tpu.memory_space<vmem_shared>> -> memref<10008x128xf32, #tpu.memory_space<vmem_shared>>
        tpu.enqueue_indirect_dma source(%arg5 : memref<128x128xf32, #tpu.memory_space<vmem>>) target(%dma_start3A_60 : memref<10008x128xf32, #tpu.memory_space<vmem_shared>>) offsets(%dma_start3A_57 : memref<128xi32, #tpu.memory_space<vmem>>) semaphore(%run_scoped3A : memref<!tpu.dma_semaphore, #tpu.memory_space<semaphore_mem>>) {add = true}
        %dma_wait3A = arith.constant 0 : i32
        %dma_wait3A_61 = tpu.memref_slice %arg4[%scan3A_53, %dma_wait3A] : memref<80x128xi32, #tpu.memory_space<vmem>> -> memref<1x128xi32, #tpu.memory_space<vmem>>
        %dma_wait3A_62 = tpu.memref_squeeze %dma_wait3A_61 : memref<1x128xi32, #tpu.memory_space<vmem>> -> memref<128xi32, #tpu.memory_space<vmem>>
        %dma_wait3A_63 = arith.constant 0 : i32
        %dma_wait3A_64 = arith.constant 0 : i32
        %dma_wait3A_65 = tpu.memref_slice %arg7[%dma_wait3A_63, %dma_wait3A_64] : memref<10008x128xf32, #tpu.memory_space<vmem_shared>> -> memref<10008x128xf32, #tpu.memory_space<vmem_shared>>
        tpu.wait_indirect_dma semaphore(%run_scoped3A : memref<!tpu.dma_semaphore, #tpu.memory_space<semaphore_mem>>) src(%arg5 : memref<128x128xf32, #tpu.memory_space<vmem>>) dst(%dma_wait3A_65 : memref<10008x128xf32, #tpu.memory_space<vmem_shared>>)
        tpu.yield
      }) : () -> ()
      %scan3A_55 = arith.constant 0 : i32
      scf.yield %scan3A_55 : i32
    }
    %scan3A_39 = arith.constant 80 : i32
    %barrier3A_40 = arith.constant 0 : index
    tpu.barrier barrier_id(%barrier3A_40)
    %scan3A_41 = arith.constant 0 : i32
    %scan3A_42 = arith.constant 0 : i32
    %scan3A_43 = arith.constant 5 : i32
    %scan3A_44 = arith.addi %scan3A_42, %scan3A_43 : i32
    %scan3A_45 = arith.constant 1 : i32
    %scan3A_46 = scf.for %scan3A_53 = %scan3A_42 to %scan3A_44 step %scan3A_45 iter_args(%scan3A_54 = %scan3A_41) -> (i32)  : i32 {
      %mul3A_55 = arith.constant 5 : i32
      %mul3A_56 = arith.muli %arg1, %mul3A_55 : i32
      %add3A_57 = arith.addi %mul3A_56, %scan3A_53 : i32
      %lt3A = arith.constant 78 : i32
      %lt3A_58 = arith.cmpi slt, %add3A_57, %lt3A : i32
      %convert_element_type3A_59 = arith.extui %lt3A_58 : i1 to i32
      %cond3A_60 = arith.constant 0 : i32
      %cond3A_61 = arith.cmpi ne, %convert_element_type3A_59, %cond3A_60 : i32
      scf.if %cond3A_61 {
        %mul3A_63 = arith.constant 128 : i32
        %mul3A_64 = arith.muli %add3A_57, %mul3A_63 : i32
        "tpu.region"() ({
          %run_scoped3A = tpu.sem_alloc : memref<!tpu.dma_semaphore, #tpu.memory_space<semaphore_mem>>
          %dma_start3A = arith.constant 0 : i32
          %dma_start3A_65 = tpu.memref_slice %arg3[%arg0, %mul3A_64, %dma_start3A] : memref<2x10000x128xf32, #tpu.memory_space<hbm>> -> memref<1x128x128xf32, #tpu.memory_space<hbm>>
          %dma_start3A_66 = tpu.memref_squeeze %dma_start3A_65 : memref<1x128x128xf32, #tpu.memory_space<hbm>> -> memref<128x128xf32, #tpu.memory_space<hbm>>
          %dma_start3A_67 = arith.constant 0 : i32
          %dma_start3A_68 = tpu.memref_slice %arg7[%mul3A_64, %dma_start3A_67] : memref<10008x128xf32, #tpu.memory_space<vmem_shared>> -> memref<128x128xf32, #tpu.memory_space<vmem_shared>>
          tpu.enqueue_dma source(%dma_start3A_68 : memref<128x128xf32, #tpu.memory_space<vmem_shared>>) target(%dma_start3A_66 : memref<128x128xf32, #tpu.memory_space<hbm>>) target_semaphore(%run_scoped3A : memref<!tpu.dma_semaphore, #tpu.memory_space<semaphore_mem>>)
          %dma_wait3A = arith.constant 0 : i32
          %dma_wait3A_69 = tpu.memref_slice %arg3[%arg0, %mul3A_64, %dma_wait3A] : memref<2x10000x128xf32, #tpu.memory_space<hbm>> -> memref<1x128x128xf32, #tpu.memory_space<hbm>>
          %dma_wait3A_70 = tpu.memref_squeeze %dma_wait3A_69 : memref<1x128x128xf32, #tpu.memory_space<hbm>> -> memref<128x128xf32, #tpu.memory_space<hbm>>
          %dma_wait3A_71 = arith.constant 0 : i32
          %dma_wait3A_72 = tpu.memref_slice %arg7[%mul3A_64, %dma_wait3A_71] : memref<10008x128xf32, #tpu.memory_space<vmem_shared>> -> memref<128x128xf32, #tpu.memory_space<vmem_shared>>
          tpu.wait_dma2 semaphore(%run_scoped3A : memref<!tpu.dma_semaphore, #tpu.memory_space<semaphore_mem>>) src(%dma_wait3A_72 : memref<128x128xf32, #tpu.memory_space<vmem_shared>>) dst(%dma_wait3A_70 : memref<128x128xf32, #tpu.memory_space<hbm>>)
          tpu.yield
        }) : () -> ()
      } else {
      }
      %scan3A_62 = arith.constant 0 : i32
      scf.yield %scan3A_62 : i32
    }
    %scan3A_47 = arith.constant 5 : i32
    %eq3A_48 = arith.constant 15 : i32
    %eq3A_49 = arith.cmpi eq, %arg1, %eq3A_48 : i32
    %convert_element_type3A_50 = arith.extui %eq3A_49 : i1 to i32
    %cond3A_51 = arith.constant 0 : i32
    %cond3A_52 = arith.cmpi ne, %convert_element_type3A_50, %cond3A_51 : i32
    scf.if %cond3A_52 {
      "tpu.region"() ({
        %run_scoped3A = tpu.sem_alloc : memref<!tpu.dma_semaphore, #tpu.memory_space<semaphore_mem>>
        %dma_start3A = arith.constant 9984 : i32
        %dma_start3A_53 = arith.constant 0 : i32
        %dma_start3A_54 = tpu.memref_slice %arg3[%arg0, %dma_start3A, %dma_start3A_53] : memref<2x10000x128xf32, #tpu.memory_space<hbm>> -> memref<1x16x128xf32, #tpu.memory_space<hbm>>
        %dma_start3A_55 = tpu.memref_squeeze %dma_start3A_54 : memref<1x16x128xf32, #tpu.memory_space<hbm>> -> memref<16x128xf32, #tpu.memory_space<hbm>>
        %dma_start3A_56 = arith.constant 9984 : i32
        %dma_start3A_57 = arith.constant 0 : i32
        %dma_start3A_58 = tpu.memref_slice %arg7[%dma_start3A_56, %dma_start3A_57] : memref<10008x128xf32, #tpu.memory_space<vmem_shared>> -> memref<16x128xf32, #tpu.memory_space<vmem_shared>>
        tpu.enqueue_dma source(%dma_start3A_58 : memref<16x128xf32, #tpu.memory_space<vmem_shared>>) target(%dma_start3A_55 : memref<16x128xf32, #tpu.memory_space<hbm>>) target_semaphore(%run_scoped3A : memref<!tpu.dma_semaphore, #tpu.memory_space<semaphore_mem>>)
        %dma_wait3A = arith.constant 9984 : i32
        %dma_wait3A_59 = arith.constant 0 : i32
        %dma_wait3A_60 = tpu.memref_slice %arg3[%arg0, %dma_wait3A, %dma_wait3A_59] : memref<2x10000x128xf32, #tpu.memory_space<hbm>> -> memref<1x16x128xf32, #tpu.memory_space<hbm>>
        %dma_wait3A_61 = tpu.memref_squeeze %dma_wait3A_60 : memref<1x16x128xf32, #tpu.memory_space<hbm>> -> memref<16x128xf32, #tpu.memory_space<hbm>>
        %dma_wait3A_62 = arith.constant 9984 : i32
        %dma_wait3A_63 = arith.constant 0 : i32
        %dma_wait3A_64 = tpu.memref_slice %arg7[%dma_wait3A_62, %dma_wait3A_63] : memref<10008x128xf32, #tpu.memory_space<vmem_shared>> -> memref<16x128xf32, #tpu.memory_space<vmem_shared>>
        tpu.wait_dma2 semaphore(%run_scoped3A : memref<!tpu.dma_semaphore, #tpu.memory_space<semaphore_mem>>) src(%dma_wait3A_64 : memref<16x128xf32, #tpu.memory_space<vmem_shared>>) dst(%dma_wait3A_61 : memref<16x128xf32, #tpu.memory_space<hbm>>)
        tpu.yield
      }) : () -> ()
    } else {
    }
    return
  }
}

#map = affine_map<(d0, d1) -> (0, 0)>
#map1 = affine_map<(d0, d1) -> (0, 0, 0)>
module attributes {stable_mosaic.version = 14 : i64} {
  func.func @_sc_scatter(%arg0: i32, %arg1: i32, %arg2: memref<10000x128xf32, #tpu.memory_space<hbm>>, %arg3: memref<2560x128xi32, #tpu.memory_space<hbm>>, %arg4: memref<2560x128xi32, #tpu.memory_space<hbm>>, %arg5: memref<2x10000x128xf32, #tpu.memory_space<hbm>>, %arg6: memref<40x128xi32, #tpu.memory_space<vmem>>, %arg7: memref<40x128xi32, #tpu.memory_space<vmem>>, %arg8: memref<128x128xf32, #tpu.memory_space<vmem>>, %arg9: memref<128x128xf32, #tpu.memory_space<vmem>>, %arg10: memref<10008x128xf32, #tpu.memory_space<vmem_shared>>, %arg11: memref<!tpu.dma_semaphore, #tpu.memory_space<semaphore_mem>>, %arg12: memref<!tpu.dma_semaphore, #tpu.memory_space<semaphore_mem>>) attributes {dimension_semantics = [#tpu.dimension_semantics<core_parallel>, #tpu.dimension_semantics<subcore_parallel>], iteration_bounds = array<i64: 2, 16>, scalar_prefetch = 0 : i64, scratch_operands = 7 : i64, tpu.core_type = #tpu.core_type<sc_vector_subcore>, window_params = [{transform_indices = #map}, {transform_indices = #map}, {transform_indices = #map}, {transform_indices = #map1}]} {
    %mul3A = arith.constant 16 : i32
    %mul3A_0 = arith.muli %arg0, %mul3A : i32
    %add3A = arith.addi %mul3A_0, %arg1 : i32
    %broadcast_in_dim3A = arith.constant 0.000000e+00 : f32
    %broadcast_in_dim3A_1 = vector.broadcast %broadcast_in_dim3A : f32 to vector<16xf32>
    %scan3A = arith.constant 0 : i32
    %scan3A_2 = arith.constant 0 : i32
    %scan3A_3 = arith.constant 128 : i32
    %scan3A_4 = arith.addi %scan3A_2, %scan3A_3 : i32
    %scan3A_5 = arith.constant 1 : i32
    %scan3A_6 = scf.for %scan3A_144 = %scan3A_2 to %scan3A_4 step %scan3A_5 iter_args(%scan3A_145 = %scan3A) -> (i32)  : i32 {
      %swap3A = arith.index_cast %scan3A_144 : i32 to index
      %swap3A_146 = arith.constant 0 : index
      %swap3A_147 = tpu.vector_load %arg8[%swap3A, %swap3A_146] {strides = array<i32>} : memref<128x128xf32, #tpu.memory_space<vmem>>, vector<1x16xf32>,
      %swap3A_148 = vector.shape_cast %swap3A_147 : vector<1x16xf32> to vector<16xf32>
      %swap3A_149 = vector.shape_cast %broadcast_in_dim3A_1 : vector<16xf32> to vector<1x16xf32>
      tpu.vector_store %arg8[%swap3A, %swap3A_146], %swap3A_149 {strides = array<i32>} : memref<128x128xf32, #tpu.memory_space<vmem>>, vector<1x16xf32>,
      %swap3A_150 = arith.index_cast %scan3A_144 : i32 to index
      %swap3A_151 = arith.constant 16 : index
      %swap3A_152 = tpu.vector_load %arg8[%swap3A_150, %swap3A_151] {strides = array<i32>} : memref<128x128xf32, #tpu.memory_space<vmem>>, vector<1x16xf32>,
      %swap3A_153 = vector.shape_cast %swap3A_152 : vector<1x16xf32> to vector<16xf32>
      %swap3A_154 = vector.shape_cast %broadcast_in_dim3A_1 : vector<16xf32> to vector<1x16xf32>
      tpu.vector_store %arg8[%swap3A_150, %swap3A_151], %swap3A_154 {strides = array<i32>} : memref<128x128xf32, #tpu.memory_space<vmem>>, vector<1x16xf32>,
      %swap3A_155 = arith.index_cast %scan3A_144 : i32 to index
      %swap3A_156 = arith.constant 32 : index
      %swap3A_157 = tpu.vector_load %arg8[%swap3A_155, %swap3A_156] {strides = array<i32>} : memref<128x128xf32, #tpu.memory_space<vmem>>, vector<1x16xf32>,
      %swap3A_158 = vector.shape_cast %swap3A_157 : vector<1x16xf32> to vector<16xf32>
      %swap3A_159 = vector.shape_cast %broadcast_in_dim3A_1 : vector<16xf32> to vector<1x16xf32>
      tpu.vector_store %arg8[%swap3A_155, %swap3A_156], %swap3A_159 {strides = array<i32>} : memref<128x128xf32, #tpu.memory_space<vmem>>, vector<1x16xf32>,
      %swap3A_160 = arith.index_cast %scan3A_144 : i32 to index
      %swap3A_161 = arith.constant 48 : index
      %swap3A_162 = tpu.vector_load %arg8[%swap3A_160, %swap3A_161] {strides = array<i32>} : memref<128x128xf32, #tpu.memory_space<vmem>>, vector<1x16xf32>,
      %swap3A_163 = vector.shape_cast %swap3A_162 : vector<1x16xf32> to vector<16xf32>
      %swap3A_164 = vector.shape_cast %broadcast_in_dim3A_1 : vector<16xf32> to vector<1x16xf32>
      tpu.vector_store %arg8[%swap3A_160, %swap3A_161], %swap3A_164 {strides = array<i32>} : memref<128x128xf32, #tpu.memory_space<vmem>>, vector<1x16xf32>,
      %swap3A_165 = arith.index_cast %scan3A_144 : i32 to index
      %swap3A_166 = arith.constant 64 : index
      %swap3A_167 = tpu.vector_load %arg8[%swap3A_165, %swap3A_166] {strides = array<i32>} : memref<128x128xf32, #tpu.memory_space<vmem>>, vector<1x16xf32>,
      %swap3A_168 = vector.shape_cast %swap3A_167 : vector<1x16xf32> to vector<16xf32>
      %swap3A_169 = vector.shape_cast %broadcast_in_dim3A_1 : vector<16xf32> to vector<1x16xf32>
      tpu.vector_store %arg8[%swap3A_165, %swap3A_166], %swap3A_169 {strides = array<i32>} : memref<128x128xf32, #tpu.memory_space<vmem>>, vector<1x16xf32>,
      %swap3A_170 = arith.index_cast %scan3A_144 : i32 to index
      %swap3A_171 = arith.constant 80 : index
      %swap3A_172 = tpu.vector_load %arg8[%swap3A_170, %swap3A_171] {strides = array<i32>} : memref<128x128xf32, #tpu.memory_space<vmem>>, vector<1x16xf32>,
      %swap3A_173 = vector.shape_cast %swap3A_172 : vector<1x16xf32> to vector<16xf32>
      %swap3A_174 = vector.shape_cast %broadcast_in_dim3A_1 : vector<16xf32> to vector<1x16xf32>
      tpu.vector_store %arg8[%swap3A_170, %swap3A_171], %swap3A_174 {strides = array<i32>} : memref<128x128xf32, #tpu.memory_space<vmem>>, vector<1x16xf32>,
      %swap3A_175 = arith.index_cast %scan3A_144 : i32 to index
      %swap3A_176 = arith.constant 96 : index
      %swap3A_177 = tpu.vector_load %arg8[%swap3A_175, %swap3A_176] {strides = array<i32>} : memref<128x128xf32, #tpu.memory_space<vmem>>, vector<1x16xf32>,
      %swap3A_178 = vector.shape_cast %swap3A_177 : vector<1x16xf32> to vector<16xf32>
      %swap3A_179 = vector.shape_cast %broadcast_in_dim3A_1 : vector<16xf32> to vector<1x16xf32>
      tpu.vector_store %arg8[%swap3A_175, %swap3A_176], %swap3A_179 {strides = array<i32>} : memref<128x128xf32, #tpu.memory_space<vmem>>, vector<1x16xf32>,
      %swap3A_180 = arith.index_cast %scan3A_144 : i32 to index
      %swap3A_181 = arith.constant 112 : index
      %swap3A_182 = tpu.vector_load %arg8[%swap3A_180, %swap3A_181] {strides = array<i32>} : memref<128x128xf32, #tpu.memory_space<vmem>>, vector<1x16xf32>,
      %swap3A_183 = vector.shape_cast %swap3A_182 : vector<1x16xf32> to vector<16xf32>
      %swap3A_184 = vector.shape_cast %broadcast_in_dim3A_1 : vector<16xf32> to vector<1x16xf32>
      tpu.vector_store %arg8[%swap3A_180, %swap3A_181], %swap3A_184 {strides = array<i32>} : memref<128x128xf32, #tpu.memory_space<vmem>>, vector<1x16xf32>,
      %scan3A_185 = arith.constant 0 : i32
      scf.yield %scan3A_185 : i32
    }
    %scan3A_7 = arith.constant 128 : i32
    %scan3A_8 = arith.constant 0 : i32
    %scan3A_9 = arith.constant 0 : i32
    %scan3A_10 = arith.constant 5 : i32
    %scan3A_11 = arith.addi %scan3A_9, %scan3A_10 : i32
    %scan3A_12 = arith.constant 1 : i32
    %scan3A_13 = scf.for %scan3A_144 = %scan3A_9 to %scan3A_11 step %scan3A_12 iter_args(%scan3A_145 = %scan3A_8) -> (i32)  : i32 {
      %mul3A_146 = arith.constant 5 : i32
      %mul3A_147 = arith.muli %arg1, %mul3A_146 : i32
      %add3A_148 = arith.addi %mul3A_147, %scan3A_144 : i32
      %lt3A = arith.constant 78 : i32
      %lt3A_149 = arith.cmpi slt, %add3A_148, %lt3A : i32
      %convert_element_type3A_150 = arith.extui %lt3A_149 : i1 to i32
      %cond3A_151 = arith.constant 0 : i32
      %cond3A_152 = arith.cmpi ne, %convert_element_type3A_150, %cond3A_151 : i32
      scf.if %cond3A_152 {
        %mul3A_154 = arith.constant 128 : i32
        %mul3A_155 = arith.muli %add3A_148, %mul3A_154 : i32
        "tpu.region"() ({
          %run_scoped3A = tpu.sem_alloc : memref<!tpu.dma_semaphore, #tpu.memory_space<semaphore_mem>>
          %dma_start3A_156 = arith.constant 0 : i32
          %dma_start3A_157 = arith.constant 0 : i32
          %dma_start3A_158 = tpu.memref_slice %arg8[%dma_start3A_156, %dma_start3A_157] : memref<128x128xf32, #tpu.memory_space<vmem>> -> memref<128x128xf32, #tpu.memory_space<vmem>>
          %dma_start3A_159 = arith.constant 0 : i32
          %dma_start3A_160 = tpu.memref_slice %arg10[%mul3A_155, %dma_start3A_159] : memref<10008x128xf32, #tpu.memory_space<vmem_shared>> -> memref<128x128xf32, #tpu.memory_space<vmem_shared>>
          %dma_start3A_161 = arith.constant 0 : i32
          %dma_start3A_162 = tpu.memref_slice %arg10[%mul3A_155, %dma_start3A_161] : memref<10008x128xf32, #tpu.memory_space<vmem_shared>> -> memref<128x128xf32, #tpu.memory_space<vmem_shared>>
          %dma_start3A_163 = arith.constant 0 : i32
          %dma_start3A_164 = arith.constant 0 : i32
          %dma_start3A_165 = tpu.memref_slice %arg8[%dma_start3A_163, %dma_start3A_164] : memref<128x128xf32, #tpu.memory_space<vmem>> -> memref<128x128xf32, #tpu.memory_space<vmem>>
          tpu.enqueue_dma source(%dma_start3A_165 : memref<128x128xf32, #tpu.memory_space<vmem>>) target(%dma_start3A_162 : memref<128x128xf32, #tpu.memory_space<vmem_shared>>) target_semaphore(%run_scoped3A : memref<!tpu.dma_semaphore, #tpu.memory_space<semaphore_mem>>)
          %dma_wait3A = arith.constant 0 : i32
          %dma_wait3A_166 = arith.constant 0 : i32
          %dma_wait3A_167 = tpu.memref_slice %arg8[%dma_wait3A, %dma_wait3A_166] : memref<128x128xf32, #tpu.memory_space<vmem>> -> memref<128x128xf32, #tpu.memory_space<vmem>>
          %dma_wait3A_168 = arith.constant 0 : i32
          %dma_wait3A_169 = tpu.memref_slice %arg10[%mul3A_155, %dma_wait3A_168] : memref<10008x128xf32, #tpu.memory_space<vmem_shared>> -> memref<128x128xf32, #tpu.memory_space<vmem_shared>>
          %dma_wait3A_170 = arith.constant 0 : i32
          %dma_wait3A_171 = tpu.memref_slice %arg10[%mul3A_155, %dma_wait3A_170] : memref<10008x128xf32, #tpu.memory_space<vmem_shared>> -> memref<128x128xf32, #tpu.memory_space<vmem_shared>>
          %dma_wait3A_172 = arith.constant 0 : i32
          %dma_wait3A_173 = arith.constant 0 : i32
          %dma_wait3A_174 = tpu.memref_slice %arg8[%dma_wait3A_172, %dma_wait3A_173] : memref<128x128xf32, #tpu.memory_space<vmem>> -> memref<128x128xf32, #tpu.memory_space<vmem>>
          tpu.wait_dma2 semaphore(%run_scoped3A : memref<!tpu.dma_semaphore, #tpu.memory_space<semaphore_mem>>) src(%dma_wait3A_174 : memref<128x128xf32, #tpu.memory_space<vmem>>) dst(%dma_wait3A_171 : memref<128x128xf32, #tpu.memory_space<vmem_shared>>)
          tpu.yield
        }) : () -> ()
      } else {
      }
      %scan3A_153 = arith.constant 0 : i32
      scf.yield %scan3A_153 : i32
    }
    %scan3A_14 = arith.constant 5 : i32
    %eq3A = arith.constant 15 : i32
    %eq3A_15 = arith.cmpi eq, %arg1, %eq3A : i32
    %convert_element_type3A = arith.extui %eq3A_15 : i1 to i32
    %cond3A = arith.constant 0 : i32
    %cond3A_16 = arith.cmpi ne, %convert_element_type3A, %cond3A : i32
    scf.if %cond3A_16 {
      "tpu.region"() ({
        %run_scoped3A = tpu.sem_alloc : memref<!tpu.dma_semaphore, #tpu.memory_space<semaphore_mem>>
        %dma_start3A_144 = arith.constant 0 : i32
        %dma_start3A_145 = arith.constant 0 : i32
        %dma_start3A_146 = tpu.memref_slice %arg8[%dma_start3A_144, %dma_start3A_145] : memref<128x128xf32, #tpu.memory_space<vmem>> -> memref<16x128xf32, #tpu.memory_space<vmem>>
        %dma_start3A_147 = arith.constant 9984 : i32
        %dma_start3A_148 = arith.constant 0 : i32
        %dma_start3A_149 = tpu.memref_slice %arg10[%dma_start3A_147, %dma_start3A_148] : memref<10008x128xf32, #tpu.memory_space<vmem_shared>> -> memref<16x128xf32, #tpu.memory_space<vmem_shared>>
        %dma_start3A_150 = arith.constant 9984 : i32
        %dma_start3A_151 = arith.constant 0 : i32
        %dma_start3A_152 = tpu.memref_slice %arg10[%dma_start3A_150, %dma_start3A_151] : memref<10008x128xf32, #tpu.memory_space<vmem_shared>> -> memref<16x128xf32, #tpu.memory_space<vmem_shared>>
        %dma_start3A_153 = arith.constant 0 : i32
        %dma_start3A_154 = arith.constant 0 : i32
        %dma_start3A_155 = tpu.memref_slice %arg8[%dma_start3A_153, %dma_start3A_154] : memref<128x128xf32, #tpu.memory_space<vmem>> -> memref<16x128xf32, #tpu.memory_space<vmem>>
        tpu.enqueue_dma source(%dma_start3A_155 : memref<16x128xf32, #tpu.memory_space<vmem>>) target(%dma_start3A_152 : memref<16x128xf32, #tpu.memory_space<vmem_shared>>) target_semaphore(%run_scoped3A : memref<!tpu.dma_semaphore, #tpu.memory_space<semaphore_mem>>)
        %dma_wait3A = arith.constant 0 : i32
        %dma_wait3A_156 = arith.constant 0 : i32
        %dma_wait3A_157 = tpu.memref_slice %arg8[%dma_wait3A, %dma_wait3A_156] : memref<128x128xf32, #tpu.memory_space<vmem>> -> memref<16x128xf32, #tpu.memory_space<vmem>>
        %dma_wait3A_158 = arith.constant 9984 : i32
        %dma_wait3A_159 = arith.constant 0 : i32
        %dma_wait3A_160 = tpu.memref_slice %arg10[%dma_wait3A_158, %dma_wait3A_159] : memref<10008x128xf32, #tpu.memory_space<vmem_shared>> -> memref<16x128xf32, #tpu.memory_space<vmem_shared>>
        %dma_wait3A_161 = arith.constant 9984 : i32
        %dma_wait3A_162 = arith.constant 0 : i32
        %dma_wait3A_163 = tpu.memref_slice %arg10[%dma_wait3A_161, %dma_wait3A_162] : memref<10008x128xf32, #tpu.memory_space<vmem_shared>> -> memref<16x128xf32, #tpu.memory_space<vmem_shared>>
        %dma_wait3A_164 = arith.constant 0 : i32
        %dma_wait3A_165 = arith.constant 0 : i32
        %dma_wait3A_166 = tpu.memref_slice %arg8[%dma_wait3A_164, %dma_wait3A_165] : memref<128x128xf32, #tpu.memory_space<vmem>> -> memref<16x128xf32, #tpu.memory_space<vmem>>
        tpu.wait_dma2 semaphore(%run_scoped3A : memref<!tpu.dma_semaphore, #tpu.memory_space<semaphore_mem>>) src(%dma_wait3A_166 : memref<16x128xf32, #tpu.memory_space<vmem>>) dst(%dma_wait3A_163 : memref<16x128xf32, #tpu.memory_space<vmem_shared>>)
        tpu.yield
      }) : () -> ()
    } else {
    }
    %eq3A_17 = arith.constant 0 : i32
    %eq3A_18 = arith.cmpi eq, %arg1, %eq3A_17 : i32
    %convert_element_type3A_19 = arith.extui %eq3A_18 : i1 to i32
    %cond3A_20 = arith.constant 0 : i32
    %cond3A_21 = arith.cmpi ne, %convert_element_type3A_19, %cond3A_20 : i32
    scf.if %cond3A_21 {
      "tpu.region"() ({
        %run_scoped3A = tpu.sem_alloc : memref<!tpu.dma_semaphore, #tpu.memory_space<semaphore_mem>>
        %dma_start3A_144 = arith.constant 0 : i32
        %dma_start3A_145 = arith.constant 0 : i32
        %dma_start3A_146 = tpu.memref_slice %arg8[%dma_start3A_144, %dma_start3A_145] : memref<128x128xf32, #tpu.memory_space<vmem>> -> memref<8x128xf32, #tpu.memory_space<vmem>>
        %dma_start3A_147 = arith.constant 10000 : i32
        %dma_start3A_148 = arith.constant 0 : i32
        %dma_start3A_149 = tpu.memref_slice %arg10[%dma_start3A_147, %dma_start3A_148] : memref<10008x128xf32, #tpu.memory_space<vmem_shared>> -> memref<8x128xf32, #tpu.memory_space<vmem_shared>>
        %dma_start3A_150 = arith.constant 10000 : i32
        %dma_start3A_151 = arith.constant 0 : i32
        %dma_start3A_152 = tpu.memref_slice %arg10[%dma_start3A_150, %dma_start3A_151] : memref<10008x128xf32, #tpu.memory_space<vmem_shared>> -> memref<8x128xf32, #tpu.memory_space<vmem_shared>>
        %dma_start3A_153 = arith.constant 0 : i32
        %dma_start3A_154 = arith.constant 0 : i32
        %dma_start3A_155 = tpu.memref_slice %arg8[%dma_start3A_153, %dma_start3A_154] : memref<128x128xf32, #tpu.memory_space<vmem>> -> memref<8x128xf32, #tpu.memory_space<vmem>>
        tpu.enqueue_dma source(%dma_start3A_155 : memref<8x128xf32, #tpu.memory_space<vmem>>) target(%dma_start3A_152 : memref<8x128xf32, #tpu.memory_space<vmem_shared>>) target_semaphore(%run_scoped3A : memref<!tpu.dma_semaphore, #tpu.memory_space<semaphore_mem>>)
        %dma_wait3A = arith.constant 0 : i32
        %dma_wait3A_156 = arith.constant 0 : i32
        %dma_wait3A_157 = tpu.memref_slice %arg8[%dma_wait3A, %dma_wait3A_156] : memref<128x128xf32, #tpu.memory_space<vmem>> -> memref<8x128xf32, #tpu.memory_space<vmem>>
        %dma_wait3A_158 = arith.constant 10000 : i32
        %dma_wait3A_159 = arith.constant 0 : i32
        %dma_wait3A_160 = tpu.memref_slice %arg10[%dma_wait3A_158, %dma_wait3A_159] : memref<10008x128xf32, #tpu.memory_space<vmem_shared>> -> memref<8x128xf32, #tpu.memory_space<vmem_shared>>
        %dma_wait3A_161 = arith.constant 10000 : i32
        %dma_wait3A_162 = arith.constant 0 : i32
        %dma_wait3A_163 = tpu.memref_slice %arg10[%dma_wait3A_161, %dma_wait3A_162] : memref<10008x128xf32, #tpu.memory_space<vmem_shared>> -> memref<8x128xf32, #tpu.memory_space<vmem_shared>>
        %dma_wait3A_164 = arith.constant 0 : i32
        %dma_wait3A_165 = arith.constant 0 : i32
        %dma_wait3A_166 = tpu.memref_slice %arg8[%dma_wait3A_164, %dma_wait3A_165] : memref<128x128xf32, #tpu.memory_space<vmem>> -> memref<8x128xf32, #tpu.memory_space<vmem>>
        tpu.wait_dma2 semaphore(%run_scoped3A : memref<!tpu.dma_semaphore, #tpu.memory_space<semaphore_mem>>) src(%dma_wait3A_166 : memref<8x128xf32, #tpu.memory_space<vmem>>) dst(%dma_wait3A_163 : memref<8x128xf32, #tpu.memory_space<vmem_shared>>)
        tpu.yield
      }) : () -> ()
    } else {
    }
    %barrier3A = arith.constant 0 : index
    tpu.barrier barrier_id(%barrier3A)
    %mul3A_22 = arith.constant 80 : i32
    %mul3A_23 = arith.muli %add3A, %mul3A_22 : i32
    %add3A_24 = arith.constant 0 : i32
    %add3A_25 = arith.addi %mul3A_23, %add3A_24 : i32
    "tpu.region"() ({
      %run_scoped3A = tpu.sem_alloc : memref<!tpu.dma_semaphore, #tpu.memory_space<semaphore_mem>>
      %dma_start3A_144 = arith.constant 0 : i32
      %dma_start3A_145 = tpu.memref_slice %arg3[%add3A_25, %dma_start3A_144] : memref<2560x128xi32, #tpu.memory_space<hbm>> -> memref<40x128xi32, #tpu.memory_space<hbm>>
      %dma_start3A_146 = arith.constant 0 : i32
      %dma_start3A_147 = tpu.memref_slice %arg3[%add3A_25, %dma_start3A_146] : memref<2560x128xi32, #tpu.memory_space<hbm>> -> memref<40x128xi32, #tpu.memory_space<hbm>>
      tpu.enqueue_dma source(%dma_start3A_147 : memref<40x128xi32, #tpu.memory_space<hbm>>) target(%arg6 : memref<40x128xi32, #tpu.memory_space<vmem>>) target_semaphore(%run_scoped3A : memref<!tpu.dma_semaphore, #tpu.memory_space<semaphore_mem>>)
      %dma_wait3A = arith.constant 0 : i32
      %dma_wait3A_148 = tpu.memref_slice %arg3[%add3A_25, %dma_wait3A] : memref<2560x128xi32, #tpu.memory_space<hbm>> -> memref<40x128xi32, #tpu.memory_space<hbm>>
      %dma_wait3A_149 = arith.constant 0 : i32
      %dma_wait3A_150 = tpu.memref_slice %arg3[%add3A_25, %dma_wait3A_149] : memref<2560x128xi32, #tpu.memory_space<hbm>> -> memref<40x128xi32, #tpu.memory_space<hbm>>
      tpu.wait_dma2 semaphore(%run_scoped3A : memref<!tpu.dma_semaphore, #tpu.memory_space<semaphore_mem>>) src(%dma_wait3A_150 : memref<40x128xi32, #tpu.memory_space<hbm>>) dst(%arg6 : memref<40x128xi32, #tpu.memory_space<vmem>>)
      tpu.yield
    }) : () -> ()
    %mul3A_26 = arith.constant 80 : i32
    %mul3A_27 = arith.muli %add3A, %mul3A_26 : i32
    %add3A_28 = arith.constant 0 : i32
    %add3A_29 = arith.addi %mul3A_27, %add3A_28 : i32
    "tpu.region"() ({
      %run_scoped3A = tpu.sem_alloc : memref<!tpu.dma_semaphore, #tpu.memory_space<semaphore_mem>>
      %dma_start3A_144 = arith.constant 0 : i32
      %dma_start3A_145 = tpu.memref_slice %arg4[%add3A_29, %dma_start3A_144] : memref<2560x128xi32, #tpu.memory_space<hbm>> -> memref<40x128xi32, #tpu.memory_space<hbm>>
      %dma_start3A_146 = arith.constant 0 : i32
      %dma_start3A_147 = tpu.memref_slice %arg4[%add3A_29, %dma_start3A_146] : memref<2560x128xi32, #tpu.memory_space<hbm>> -> memref<40x128xi32, #tpu.memory_space<hbm>>
      tpu.enqueue_dma source(%dma_start3A_147 : memref<40x128xi32, #tpu.memory_space<hbm>>) target(%arg7 : memref<40x128xi32, #tpu.memory_space<vmem>>) target_semaphore(%run_scoped3A : memref<!tpu.dma_semaphore, #tpu.memory_space<semaphore_mem>>)
      %dma_wait3A = arith.constant 0 : i32
      %dma_wait3A_148 = tpu.memref_slice %arg4[%add3A_29, %dma_wait3A] : memref<2560x128xi32, #tpu.memory_space<hbm>> -> memref<40x128xi32, #tpu.memory_space<hbm>>
      %dma_wait3A_149 = arith.constant 0 : i32
      %dma_wait3A_150 = tpu.memref_slice %arg4[%add3A_29, %dma_wait3A_149] : memref<2560x128xi32, #tpu.memory_space<hbm>> -> memref<40x128xi32, #tpu.memory_space<hbm>>
      tpu.wait_dma2 semaphore(%run_scoped3A : memref<!tpu.dma_semaphore, #tpu.memory_space<semaphore_mem>>) src(%dma_wait3A_150 : memref<40x128xi32, #tpu.memory_space<hbm>>) dst(%arg7 : memref<40x128xi32, #tpu.memory_space<vmem>>)
      tpu.yield
    }) : () -> ()
    %dma_start3A = arith.constant 0 : i32
    %dma_start3A_30 = arith.constant 0 : i32
    %dma_start3A_31 = arith.constant 0 : i32
    %dma_start3A_32 = tpu.memref_slice %arg8[%dma_start3A_30, %dma_start3A_31] : memref<128x128xf32, #tpu.memory_space<vmem>> -> memref<32x128xf32, #tpu.memory_space<vmem>>
    %dma_start3A_33 = arith.constant 0 : i32
    %dma_start3A_34 = tpu.memref_slice %arg6[%dma_start3A, %dma_start3A_33] : memref<40x128xi32, #tpu.memory_space<vmem>> -> memref<1x32xi32, #tpu.memory_space<vmem>>
    %dma_start3A_35 = tpu.memref_squeeze %dma_start3A_34 : memref<1x32xi32, #tpu.memory_space<vmem>> -> memref<32xi32, #tpu.memory_space<vmem>>
    %dma_start3A_36 = arith.constant 0 : i32
    %dma_start3A_37 = arith.constant 0 : i32
    %dma_start3A_38 = tpu.memref_slice %arg2[%dma_start3A_36, %dma_start3A_37] : memref<10000x128xf32, #tpu.memory_space<hbm>> -> memref<10000x128xf32, #tpu.memory_space<hbm>>
    tpu.enqueue_indirect_dma source(%dma_start3A_38 : memref<10000x128xf32, #tpu.memory_space<hbm>>) target(%dma_start3A_32 : memref<32x128xf32, #tpu.memory_space<vmem>>) offsets(%dma_start3A_35 : memref<32xi32, #tpu.memory_space<vmem>>) semaphore(%arg11 : memref<!tpu.dma_semaphore, #tpu.memory_space<semaphore_mem>>)
    %dma_start3A_39 = arith.constant 0 : i32
    %dma_start3A_40 = arith.constant 32 : i32
    %dma_start3A_41 = arith.constant 0 : i32
    %dma_start3A_42 = tpu.memref_slice %arg8[%dma_start3A_40, %dma_start3A_41] : memref<128x128xf32, #tpu.memory_space<vmem>> -> memref<32x128xf32, #tpu.memory_space<vmem>>
    %dma_start3A_43 = arith.constant 32 : i32
    %dma_start3A_44 = tpu.memref_slice %arg6[%dma_start3A_39, %dma_start3A_43] : memref<40x128xi32, #tpu.memory_space<vmem>> -> memref<1x32xi32, #tpu.memory_space<vmem>>
    %dma_start3A_45 = tpu.memref_squeeze %dma_start3A_44 : memref<1x32xi32, #tpu.memory_space<vmem>> -> memref<32xi32, #tpu.memory_space<vmem>>
    %dma_start3A_46 = arith.constant 0 : i32
    %dma_start3A_47 = arith.constant 0 : i32
    %dma_start3A_48 = tpu.memref_slice %arg2[%dma_start3A_46, %dma_start3A_47] : memref<10000x128xf32, #tpu.memory_space<hbm>> -> memref<10000x128xf32, #tpu.memory_space<hbm>>
    tpu.enqueue_indirect_dma source(%dma_start3A_48 : memref<10000x128xf32, #tpu.memory_space<hbm>>) target(%dma_start3A_42 : memref<32x128xf32, #tpu.memory_space<vmem>>) offsets(%dma_start3A_45 : memref<32xi32, #tpu.memory_space<vmem>>) semaphore(%arg11 : memref<!tpu.dma_semaphore, #tpu.memory_space<semaphore_mem>>)
    %dma_start3A_49 = arith.constant 0 : i32
    %dma_start3A_50 = arith.constant 64 : i32
    %dma_start3A_51 = arith.constant 0 : i32
    %dma_start3A_52 = tpu.memref_slice %arg8[%dma_start3A_50, %dma_start3A_51] : memref<128x128xf32, #tpu.memory_space<vmem>> -> memref<32x128xf32, #tpu.memory_space<vmem>>
    %dma_start3A_53 = arith.constant 64 : i32
    %dma_start3A_54 = tpu.memref_slice %arg6[%dma_start3A_49, %dma_start3A_53] : memref<40x128xi32, #tpu.memory_space<vmem>> -> memref<1x32xi32, #tpu.memory_space<vmem>>
    %dma_start3A_55 = tpu.memref_squeeze %dma_start3A_54 : memref<1x32xi32, #tpu.memory_space<vmem>> -> memref<32xi32, #tpu.memory_space<vmem>>
    %dma_start3A_56 = arith.constant 0 : i32
    %dma_start3A_57 = arith.constant 0 : i32
    %dma_start3A_58 = tpu.memref_slice %arg2[%dma_start3A_56, %dma_start3A_57] : memref<10000x128xf32, #tpu.memory_space<hbm>> -> memref<10000x128xf32, #tpu.memory_space<hbm>>
    tpu.enqueue_indirect_dma source(%dma_start3A_58 : memref<10000x128xf32, #tpu.memory_space<hbm>>) target(%dma_start3A_52 : memref<32x128xf32, #tpu.memory_space<vmem>>) offsets(%dma_start3A_55 : memref<32xi32, #tpu.memory_space<vmem>>) semaphore(%arg11 : memref<!tpu.dma_semaphore, #tpu.memory_space<semaphore_mem>>)
    %dma_start3A_59 = arith.constant 0 : i32
    %dma_start3A_60 = arith.constant 96 : i32
    %dma_start3A_61 = arith.constant 0 : i32
    %dma_start3A_62 = tpu.memref_slice %arg8[%dma_start3A_60, %dma_start3A_61] : memref<128x128xf32, #tpu.memory_space<vmem>> -> memref<32x128xf32, #tpu.memory_space<vmem>>
    %dma_start3A_63 = arith.constant 96 : i32
    %dma_start3A_64 = tpu.memref_slice %arg6[%dma_start3A_59, %dma_start3A_63] : memref<40x128xi32, #tpu.memory_space<vmem>> -> memref<1x32xi32, #tpu.memory_space<vmem>>
    %dma_start3A_65 = tpu.memref_squeeze %dma_start3A_64 : memref<1x32xi32, #tpu.memory_space<vmem>> -> memref<32xi32, #tpu.memory_space<vmem>>
    %dma_start3A_66 = arith.constant 0 : i32
    %dma_start3A_67 = arith.constant 0 : i32
    %dma_start3A_68 = tpu.memref_slice %arg2[%dma_start3A_66, %dma_start3A_67] : memref<10000x128xf32, #tpu.memory_space<hbm>> -> memref<10000x128xf32, #tpu.memory_space<hbm>>
    tpu.enqueue_indirect_dma source(%dma_start3A_68 : memref<10000x128xf32, #tpu.memory_space<hbm>>) target(%dma_start3A_62 : memref<32x128xf32, #tpu.memory_space<vmem>>) offsets(%dma_start3A_65 : memref<32xi32, #tpu.memory_space<vmem>>) semaphore(%arg11 : memref<!tpu.dma_semaphore, #tpu.memory_space<semaphore_mem>>)
    %scan3A_69 = arith.constant 0 : i32
    %scan3A_70 = arith.constant 0 : i32
    %scan3A_71 = arith.constant 20 : i32
    %scan3A_72 = arith.addi %scan3A_70, %scan3A_71 : i32
    %scan3A_73 = arith.constant 1 : i32
    %scan3A_74 = scf.for %scan3A_144 = %scan3A_70 to %scan3A_72 step %scan3A_73 iter_args(%scan3A_145 = %scan3A_69) -> (i32)  : i32 {
      %mul3A_146 = arith.constant 2 : i32
      %mul3A_147 = arith.muli %mul3A_146, %scan3A_144 : i32
      %add3A_148 = arith.constant 1 : i32
      %add3A_149 = arith.addi %mul3A_147, %add3A_148 : i32
      %dma_start3A_150 = arith.constant 0 : i32
      %dma_start3A_151 = arith.constant 0 : i32
      %dma_start3A_152 = tpu.memref_slice %arg9[%dma_start3A_150, %dma_start3A_151] : memref<128x128xf32, #tpu.memory_space<vmem>> -> memref<32x128xf32, #tpu.memory_space<vmem>>
      %dma_start3A_153 = arith.constant 0 : i32
      %dma_start3A_154 = tpu.memref_slice %arg6[%add3A_149, %dma_start3A_153] : memref<40x128xi32, #tpu.memory_space<vmem>> -> memref<1x32xi32, #tpu.memory_space<vmem>>
      %dma_start3A_155 = tpu.memref_squeeze %dma_start3A_154 : memref<1x32xi32, #tpu.memory_space<vmem>> -> memref<32xi32, #tpu.memory_space<vmem>>
      %dma_start3A_156 = arith.constant 0 : i32
      %dma_start3A_157 = arith.constant 0 : i32
      %dma_start3A_158 = tpu.memref_slice %arg2[%dma_start3A_156, %dma_start3A_157] : memref<10000x128xf32, #tpu.memory_space<hbm>> -> memref<10000x128xf32, #tpu.memory_space<hbm>>
      tpu.enqueue_indirect_dma source(%dma_start3A_158 : memref<10000x128xf32, #tpu.memory_space<hbm>>) target(%dma_start3A_152 : memref<32x128xf32, #tpu.memory_space<vmem>>) offsets(%dma_start3A_155 : memref<32xi32, #tpu.memory_space<vmem>>) semaphore(%arg12 : memref<!tpu.dma_semaphore, #tpu.memory_space<semaphore_mem>>)
      %dma_start3A_159 = arith.constant 32 : i32
      %dma_start3A_160 = arith.constant 0 : i32
      %dma_start3A_161 = tpu.memref_slice %arg9[%dma_start3A_159, %dma_start3A_160] : memref<128x128xf32, #tpu.memory_space<vmem>> -> memref<32x128xf32, #tpu.memory_space<vmem>>
      %dma_start3A_162 = arith.constant 32 : i32
      %dma_start3A_163 = tpu.memref_slice %arg6[%add3A_149, %dma_start3A_162] : memref<40x128xi32, #tpu.memory_space<vmem>> -> memref<1x32xi32, #tpu.memory_space<vmem>>
      %dma_start3A_164 = tpu.memref_squeeze %dma_start3A_163 : memref<1x32xi32, #tpu.memory_space<vmem>> -> memref<32xi32, #tpu.memory_space<vmem>>
      %dma_start3A_165 = arith.constant 0 : i32
      %dma_start3A_166 = arith.constant 0 : i32
      %dma_start3A_167 = tpu.memref_slice %arg2[%dma_start3A_165, %dma_start3A_166] : memref<10000x128xf32, #tpu.memory_space<hbm>> -> memref<10000x128xf32, #tpu.memory_space<hbm>>
      tpu.enqueue_indirect_dma source(%dma_start3A_167 : memref<10000x128xf32, #tpu.memory_space<hbm>>) target(%dma_start3A_161 : memref<32x128xf32, #tpu.memory_space<vmem>>) offsets(%dma_start3A_164 : memref<32xi32, #tpu.memory_space<vmem>>) semaphore(%arg12 : memref<!tpu.dma_semaphore, #tpu.memory_space<semaphore_mem>>)
      %dma_start3A_168 = arith.constant 64 : i32
      %dma_start3A_169 = arith.constant 0 : i32
      %dma_start3A_170 = tpu.memref_slice %arg9[%dma_start3A_168, %dma_start3A_169] : memref<128x128xf32, #tpu.memory_space<vmem>> -> memref<32x128xf32, #tpu.memory_space<vmem>>
      %dma_start3A_171 = arith.constant 64 : i32
      %dma_start3A_172 = tpu.memref_slice %arg6[%add3A_149, %dma_start3A_171] : memref<40x128xi32, #tpu.memory_space<vmem>> -> memref<1x32xi32, #tpu.memory_space<vmem>>
      %dma_start3A_173 = tpu.memref_squeeze %dma_start3A_172 : memref<1x32xi32, #tpu.memory_space<vmem>> -> memref<32xi32, #tpu.memory_space<vmem>>
      %dma_start3A_174 = arith.constant 0 : i32
      %dma_start3A_175 = arith.constant 0 : i32
      %dma_start3A_176 = tpu.memref_slice %arg2[%dma_start3A_174, %dma_start3A_175] : memref<10000x128xf32, #tpu.memory_space<hbm>> -> memref<10000x128xf32, #tpu.memory_space<hbm>>
      tpu.enqueue_indirect_dma source(%dma_start3A_176 : memref<10000x128xf32, #tpu.memory_space<hbm>>) target(%dma_start3A_170 : memref<32x128xf32, #tpu.memory_space<vmem>>) offsets(%dma_start3A_173 : memref<32xi32, #tpu.memory_space<vmem>>) semaphore(%arg12 : memref<!tpu.dma_semaphore, #tpu.memory_space<semaphore_mem>>)
      %dma_start3A_177 = arith.constant 96 : i32
      %dma_start3A_178 = arith.constant 0 : i32
      %dma_start3A_179 = tpu.memref_slice %arg9[%dma_start3A_177, %dma_start3A_178] : memref<128x128xf32, #tpu.memory_space<vmem>> -> memref<32x128xf32, #tpu.memory_space<vmem>>
      %dma_start3A_180 = arith.constant 96 : i32
      %dma_start3A_181 = tpu.memref_slice %arg6[%add3A_149, %dma_start3A_180] : memref<40x128xi32, #tpu.memory_space<vmem>> -> memref<1x32xi32, #tpu.memory_space<vmem>>
      %dma_start3A_182 = tpu.memref_squeeze %dma_start3A_181 : memref<1x32xi32, #tpu.memory_space<vmem>> -> memref<32xi32, #tpu.memory_space<vmem>>
      %dma_start3A_183 = arith.constant 0 : i32
      %dma_start3A_184 = arith.constant 0 : i32
      %dma_start3A_185 = tpu.memref_slice %arg2[%dma_start3A_183, %dma_start3A_184] : memref<10000x128xf32, #tpu.memory_space<hbm>> -> memref<10000x128xf32, #tpu.memory_space<hbm>>
      tpu.enqueue_indirect_dma source(%dma_start3A_185 : memref<10000x128xf32, #tpu.memory_space<hbm>>) target(%dma_start3A_179 : memref<32x128xf32, #tpu.memory_space<vmem>>) offsets(%dma_start3A_182 : memref<32xi32, #tpu.memory_space<vmem>>) semaphore(%arg12 : memref<!tpu.dma_semaphore, #tpu.memory_space<semaphore_mem>>)
      %dma_wait3A = arith.constant 0 : i32
      %dma_wait3A_186 = arith.constant 0 : i32
      %dma_wait3A_187 = tpu.memref_slice %arg2[%dma_wait3A, %dma_wait3A_186] : memref<10000x128xf32, #tpu.memory_space<hbm>> -> memref<128x128xf32, #tpu.memory_space<hbm>>
      %dma_wait3A_188 = arith.constant 0 : i32
      %dma_wait3A_189 = arith.constant 0 : i32
      %dma_wait3A_190 = tpu.memref_slice %arg2[%dma_wait3A_188, %dma_wait3A_189] : memref<10000x128xf32, #tpu.memory_space<hbm>> -> memref<128x128xf32, #tpu.memory_space<hbm>>
      tpu.wait_dma2 semaphore(%arg11 : memref<!tpu.dma_semaphore, #tpu.memory_space<semaphore_mem>>) src(%dma_wait3A_190 : memref<128x128xf32, #tpu.memory_space<hbm>>) dst(%arg8 : memref<128x128xf32, #tpu.memory_space<vmem>>)
      "tpu.region"() ({
        %run_scoped3A = tpu.sem_alloc : memref<!tpu.dma_semaphore, #tpu.memory_space<semaphore_mem>>
        %dma_start3A_206 = arith.constant 0 : i32
        %dma_start3A_207 = tpu.memref_slice %arg7[%mul3A_147, %dma_start3A_206] : memref<40x128xi32, #tpu.memory_space<vmem>> -> memref<1x128xi32, #tpu.memory_space<vmem>>
        %dma_start3A_208 = tpu.memref_squeeze %dma_start3A_207 : memref<1x128xi32, #tpu.memory_space<vmem>> -> memref<128xi32, #tpu.memory_space<vmem>>
        %dma_start3A_209 = arith.constant 0 : i32
        %dma_start3A_210 = arith.constant 0 : i32
        %dma_start3A_211 = tpu.memref_slice %arg10[%dma_start3A_209, %dma_start3A_210] : memref<10008x128xf32, #tpu.memory_space<vmem_shared>> -> memref<10008x128xf32, #tpu.memory_space<vmem_shared>>
        tpu.enqueue_indirect_dma source(%arg8 : memref<128x128xf32, #tpu.memory_space<vmem>>) target(%dma_start3A_211 : memref<10008x128xf32, #tpu.memory_space<vmem_shared>>) offsets(%dma_start3A_208 : memref<128xi32, #tpu.memory_space<vmem>>) semaphore(%run_scoped3A : memref<!tpu.dma_semaphore, #tpu.memory_space<semaphore_mem>>) {add = true}
        %dma_wait3A_212 = arith.constant 0 : i32
        %dma_wait3A_213 = tpu.memref_slice %arg7[%mul3A_147, %dma_wait3A_212] : memref<40x128xi32, #tpu.memory_space<vmem>> -> memref<1x128xi32, #tpu.memory_space<vmem>>
        %dma_wait3A_214 = tpu.memref_squeeze %dma_wait3A_213 : memref<1x128xi32, #tpu.memory_space<vmem>> -> memref<128xi32, #tpu.memory_space<vmem>>
        %dma_wait3A_215 = arith.constant 0 : i32
        %dma_wait3A_216 = arith.constant 0 : i32
        %dma_wait3A_217 = tpu.memref_slice %arg10[%dma_wait3A_215, %dma_wait3A_216] : memref<10008x128xf32, #tpu.memory_space<vmem_shared>> -> memref<10008x128xf32, #tpu.memory_space<vmem_shared>>
        tpu.wait_indirect_dma semaphore(%run_scoped3A : memref<!tpu.dma_semaphore, #tpu.memory_space<semaphore_mem>>) src(%arg8 : memref<128x128xf32, #tpu.memory_space<vmem>>) dst(%dma_wait3A_217 : memref<10008x128xf32, #tpu.memory_space<vmem_shared>>)
        tpu.yield
      }) : () -> ()
      %add3A_191 = arith.constant 2 : i32
      %add3A_192 = arith.addi %mul3A_147, %add3A_191 : i32
      %lt3A = arith.constant 40 : i32
      %lt3A_193 = arith.cmpi slt, %add3A_192, %lt3A : i32
      %convert_element_type3A_194 = arith.extui %lt3A_193 : i1 to i32
      %cond3A_195 = arith.constant 0 : i32
      %cond3A_196 = arith.cmpi ne, %convert_element_type3A_194, %cond3A_195 : i32
      scf.if %cond3A_196 {
        %add3A_206 = arith.constant 2 : i32
        %add3A_207 = arith.addi %mul3A_147, %add3A_206 : i32
        %dma_start3A_208 = arith.constant 0 : i32
        %dma_start3A_209 = arith.constant 0 : i32
        %dma_start3A_210 = tpu.memref_slice %arg8[%dma_start3A_208, %dma_start3A_209] : memref<128x128xf32, #tpu.memory_space<vmem>> -> memref<32x128xf32, #tpu.memory_space<vmem>>
        %dma_start3A_211 = arith.constant 0 : i32
        %dma_start3A_212 = tpu.memref_slice %arg6[%add3A_207, %dma_start3A_211] : memref<40x128xi32, #tpu.memory_space<vmem>> -> memref<1x32xi32, #tpu.memory_space<vmem>>
        %dma_start3A_213 = tpu.memref_squeeze %dma_start3A_212 : memref<1x32xi32, #tpu.memory_space<vmem>> -> memref<32xi32, #tpu.memory_space<vmem>>
        %dma_start3A_214 = arith.constant 0 : i32
        %dma_start3A_215 = arith.constant 0 : i32
        %dma_start3A_216 = tpu.memref_slice %arg2[%dma_start3A_214, %dma_start3A_215] : memref<10000x128xf32, #tpu.memory_space<hbm>> -> memref<10000x128xf32, #tpu.memory_space<hbm>>
        tpu.enqueue_indirect_dma source(%dma_start3A_216 : memref<10000x128xf32, #tpu.memory_space<hbm>>) target(%dma_start3A_210 : memref<32x128xf32, #tpu.memory_space<vmem>>) offsets(%dma_start3A_213 : memref<32xi32, #tpu.memory_space<vmem>>) semaphore(%arg11 : memref<!tpu.dma_semaphore, #tpu.memory_space<semaphore_mem>>)
        %dma_start3A_217 = arith.constant 32 : i32
        %dma_start3A_218 = arith.constant 0 : i32
        %dma_start3A_219 = tpu.memref_slice %arg8[%dma_start3A_217, %dma_start3A_218] : memref<128x128xf32, #tpu.memory_space<vmem>> -> memref<32x128xf32, #tpu.memory_space<vmem>>
        %dma_start3A_220 = arith.constant 32 : i32
        %dma_start3A_221 = tpu.memref_slice %arg6[%add3A_207, %dma_start3A_220] : memref<40x128xi32, #tpu.memory_space<vmem>> -> memref<1x32xi32, #tpu.memory_space<vmem>>
        %dma_start3A_222 = tpu.memref_squeeze %dma_start3A_221 : memref<1x32xi32, #tpu.memory_space<vmem>> -> memref<32xi32, #tpu.memory_space<vmem>>
        %dma_start3A_223 = arith.constant 0 : i32
        %dma_start3A_224 = arith.constant 0 : i32
        %dma_start3A_225 = tpu.memref_slice %arg2[%dma_start3A_223, %dma_start3A_224] : memref<10000x128xf32, #tpu.memory_space<hbm>> -> memref<10000x128xf32, #tpu.memory_space<hbm>>
        tpu.enqueue_indirect_dma source(%dma_start3A_225 : memref<10000x128xf32, #tpu.memory_space<hbm>>) target(%dma_start3A_219 : memref<32x128xf32, #tpu.memory_space<vmem>>) offsets(%dma_start3A_222 : memref<32xi32, #tpu.memory_space<vmem>>) semaphore(%arg11 : memref<!tpu.dma_semaphore, #tpu.memory_space<semaphore_mem>>)
        %dma_start3A_226 = arith.constant 64 : i32
        %dma_start3A_227 = arith.constant 0 : i32
        %dma_start3A_228 = tpu.memref_slice %arg8[%dma_start3A_226, %dma_start3A_227] : memref<128x128xf32, #tpu.memory_space<vmem>> -> memref<32x128xf32, #tpu.memory_space<vmem>>
        %dma_start3A_229 = arith.constant 64 : i32
        %dma_start3A_230 = tpu.memref_slice %arg6[%add3A_207, %dma_start3A_229] : memref<40x128xi32, #tpu.memory_space<vmem>> -> memref<1x32xi32, #tpu.memory_space<vmem>>
        %dma_start3A_231 = tpu.memref_squeeze %dma_start3A_230 : memref<1x32xi32, #tpu.memory_space<vmem>> -> memref<32xi32, #tpu.memory_space<vmem>>
        %dma_start3A_232 = arith.constant 0 : i32
        %dma_start3A_233 = arith.constant 0 : i32
        %dma_start3A_234 = tpu.memref_slice %arg2[%dma_start3A_232, %dma_start3A_233] : memref<10000x128xf32, #tpu.memory_space<hbm>> -> memref<10000x128xf32, #tpu.memory_space<hbm>>
        tpu.enqueue_indirect_dma source(%dma_start3A_234 : memref<10000x128xf32, #tpu.memory_space<hbm>>) target(%dma_start3A_228 : memref<32x128xf32, #tpu.memory_space<vmem>>) offsets(%dma_start3A_231 : memref<32xi32, #tpu.memory_space<vmem>>) semaphore(%arg11 : memref<!tpu.dma_semaphore, #tpu.memory_space<semaphore_mem>>)
        %dma_start3A_235 = arith.constant 96 : i32
        %dma_start3A_236 = arith.constant 0 : i32
        %dma_start3A_237 = tpu.memref_slice %arg8[%dma_start3A_235, %dma_start3A_236] : memref<128x128xf32, #tpu.memory_space<vmem>> -> memref<32x128xf32, #tpu.memory_space<vmem>>
        %dma_start3A_238 = arith.constant 96 : i32
        %dma_start3A_239 = tpu.memref_slice %arg6[%add3A_207, %dma_start3A_238] : memref<40x128xi32, #tpu.memory_space<vmem>> -> memref<1x32xi32, #tpu.memory_space<vmem>>
        %dma_start3A_240 = tpu.memref_squeeze %dma_start3A_239 : memref<1x32xi32, #tpu.memory_space<vmem>> -> memref<32xi32, #tpu.memory_space<vmem>>
        %dma_start3A_241 = arith.constant 0 : i32
        %dma_start3A_242 = arith.constant 0 : i32
        %dma_start3A_243 = tpu.memref_slice %arg2[%dma_start3A_241, %dma_start3A_242] : memref<10000x128xf32, #tpu.memory_space<hbm>> -> memref<10000x128xf32, #tpu.memory_space<hbm>>
        tpu.enqueue_indirect_dma source(%dma_start3A_243 : memref<10000x128xf32, #tpu.memory_space<hbm>>) target(%dma_start3A_237 : memref<32x128xf32, #tpu.memory_space<vmem>>) offsets(%dma_start3A_240 : memref<32xi32, #tpu.memory_space<vmem>>) semaphore(%arg11 : memref<!tpu.dma_semaphore, #tpu.memory_space<semaphore_mem>>)
      } else {
      }
      %dma_wait3A_197 = arith.constant 0 : i32
      %dma_wait3A_198 = arith.constant 0 : i32
      %dma_wait3A_199 = tpu.memref_slice %arg2[%dma_wait3A_197, %dma_wait3A_198] : memref<10000x128xf32, #tpu.memory_space<hbm>> -> memref<128x128xf32, #tpu.memory_space<hbm>>
      %dma_wait3A_200 = arith.constant 0 : i32
      %dma_wait3A_201 = arith.constant 0 : i32
      %dma_wait3A_202 = tpu.memref_slice %arg2[%dma_wait3A_200, %dma_wait3A_201] : memref<10000x128xf32, #tpu.memory_space<hbm>> -> memref<128x128xf32, #tpu.memory_space<hbm>>
      tpu.wait_dma2 semaphore(%arg12 : memref<!tpu.dma_semaphore, #tpu.memory_space<semaphore_mem>>) src(%dma_wait3A_202 : memref<128x128xf32, #tpu.memory_space<hbm>>) dst(%arg9 : memref<128x128xf32, #tpu.memory_space<vmem>>)
      %add3A_203 = arith.constant 1 : i32
      %add3A_204 = arith.addi %mul3A_147, %add3A_203 : i32
      "tpu.region"() ({
        %run_scoped3A = tpu.sem_alloc : memref<!tpu.dma_semaphore, #tpu.memory_space<semaphore_mem>>
        %dma_start3A_206 = arith.constant 0 : i32
        %dma_start3A_207 = tpu.memref_slice %arg7[%add3A_204, %dma_start3A_206] : memref<40x128xi32, #tpu.memory_space<vmem>> -> memref<1x128xi32, #tpu.memory_space<vmem>>
        %dma_start3A_208 = tpu.memref_squeeze %dma_start3A_207 : memref<1x128xi32, #tpu.memory_space<vmem>> -> memref<128xi32, #tpu.memory_space<vmem>>
        %dma_start3A_209 = arith.constant 0 : i32
        %dma_start3A_210 = arith.constant 0 : i32
        %dma_start3A_211 = tpu.memref_slice %arg10[%dma_start3A_209, %dma_start3A_210] : memref<10008x128xf32, #tpu.memory_space<vmem_shared>> -> memref<10008x128xf32, #tpu.memory_space<vmem_shared>>
        tpu.enqueue_indirect_dma source(%arg9 : memref<128x128xf32, #tpu.memory_space<vmem>>) target(%dma_start3A_211 : memref<10008x128xf32, #tpu.memory_space<vmem_shared>>) offsets(%dma_start3A_208 : memref<128xi32, #tpu.memory_space<vmem>>) semaphore(%run_scoped3A : memref<!tpu.dma_semaphore, #tpu.memory_space<semaphore_mem>>) {add = true}
        %dma_wait3A_212 = arith.constant 0 : i32
        %dma_wait3A_213 = tpu.memref_slice %arg7[%add3A_204, %dma_wait3A_212] : memref<40x128xi32, #tpu.memory_space<vmem>> -> memref<1x128xi32, #tpu.memory_space<vmem>>
        %dma_wait3A_214 = tpu.memref_squeeze %dma_wait3A_213 : memref<1x128xi32, #tpu.memory_space<vmem>> -> memref<128xi32, #tpu.memory_space<vmem>>
        %dma_wait3A_215 = arith.constant 0 : i32
        %dma_wait3A_216 = arith.constant 0 : i32
        %dma_wait3A_217 = tpu.memref_slice %arg10[%dma_wait3A_215, %dma_wait3A_216] : memref<10008x128xf32, #tpu.memory_space<vmem_shared>> -> memref<10008x128xf32, #tpu.memory_space<vmem_shared>>
        tpu.wait_indirect_dma semaphore(%run_scoped3A : memref<!tpu.dma_semaphore, #tpu.memory_space<semaphore_mem>>) src(%arg9 : memref<128x128xf32, #tpu.memory_space<vmem>>) dst(%dma_wait3A_217 : memref<10008x128xf32, #tpu.memory_space<vmem_shared>>)
        tpu.yield
      }) : () -> ()
      %scan3A_205 = arith.constant 0 : i32
      scf.yield %scan3A_205 : i32
    }
    %scan3A_75 = arith.constant 20 : i32
    %mul3A_76 = arith.constant 80 : i32
    %mul3A_77 = arith.muli %add3A, %mul3A_76 : i32
    %add3A_78 = arith.constant 40 : i32
    %add3A_79 = arith.addi %mul3A_77, %add3A_78 : i32
    "tpu.region"() ({
      %run_scoped3A = tpu.sem_alloc : memref<!tpu.dma_semaphore, #tpu.memory_space<semaphore_mem>>
      %dma_start3A_144 = arith.constant 0 : i32
      %dma_start3A_145 = tpu.memref_slice %arg3[%add3A_79, %dma_start3A_144] : memref<2560x128xi32, #tpu.memory_space<hbm>> -> memref<40x128xi32, #tpu.memory_space<hbm>>
      %dma_start3A_146 = arith.constant 0 : i32
      %dma_start3A_147 = tpu.memref_slice %arg3[%add3A_79, %dma_start3A_146] : memref<2560x128xi32, #tpu.memory_space<hbm>> -> memref<40x128xi32, #tpu.memory_space<hbm>>
      tpu.enqueue_dma source(%dma_start3A_147 : memref<40x128xi32, #tpu.memory_space<hbm>>) target(%arg6 : memref<40x128xi32, #tpu.memory_space<vmem>>) target_semaphore(%run_scoped3A : memref<!tpu.dma_semaphore, #tpu.memory_space<semaphore_mem>>)
      %dma_wait3A = arith.constant 0 : i32
      %dma_wait3A_148 = tpu.memref_slice %arg3[%add3A_79, %dma_wait3A] : memref<2560x128xi32, #tpu.memory_space<hbm>> -> memref<40x128xi32, #tpu.memory_space<hbm>>
      %dma_wait3A_149 = arith.constant 0 : i32
      %dma_wait3A_150 = tpu.memref_slice %arg3[%add3A_79, %dma_wait3A_149] : memref<2560x128xi32, #tpu.memory_space<hbm>> -> memref<40x128xi32, #tpu.memory_space<hbm>>
      tpu.wait_dma2 semaphore(%run_scoped3A : memref<!tpu.dma_semaphore, #tpu.memory_space<semaphore_mem>>) src(%dma_wait3A_150 : memref<40x128xi32, #tpu.memory_space<hbm>>) dst(%arg6 : memref<40x128xi32, #tpu.memory_space<vmem>>)
      tpu.yield
    }) : () -> ()
    %mul3A_80 = arith.constant 80 : i32
    %mul3A_81 = arith.muli %add3A, %mul3A_80 : i32
    %add3A_82 = arith.constant 40 : i32
    %add3A_83 = arith.addi %mul3A_81, %add3A_82 : i32
    "tpu.region"() ({
      %run_scoped3A = tpu.sem_alloc : memref<!tpu.dma_semaphore, #tpu.memory_space<semaphore_mem>>
      %dma_start3A_144 = arith.constant 0 : i32
      %dma_start3A_145 = tpu.memref_slice %arg4[%add3A_83, %dma_start3A_144] : memref<2560x128xi32, #tpu.memory_space<hbm>> -> memref<40x128xi32, #tpu.memory_space<hbm>>
      %dma_start3A_146 = arith.constant 0 : i32
      %dma_start3A_147 = tpu.memref_slice %arg4[%add3A_83, %dma_start3A_146] : memref<2560x128xi32, #tpu.memory_space<hbm>> -> memref<40x128xi32, #tpu.memory_space<hbm>>
      tpu.enqueue_dma source(%dma_start3A_147 : memref<40x128xi32, #tpu.memory_space<hbm>>) target(%arg7 : memref<40x128xi32, #tpu.memory_space<vmem>>) target_semaphore(%run_scoped3A : memref<!tpu.dma_semaphore, #tpu.memory_space<semaphore_mem>>)
      %dma_wait3A = arith.constant 0 : i32
      %dma_wait3A_148 = tpu.memref_slice %arg4[%add3A_83, %dma_wait3A] : memref<2560x128xi32, #tpu.memory_space<hbm>> -> memref<40x128xi32, #tpu.memory_space<hbm>>
      %dma_wait3A_149 = arith.constant 0 : i32
      %dma_wait3A_150 = tpu.memref_slice %arg4[%add3A_83, %dma_wait3A_149] : memref<2560x128xi32, #tpu.memory_space<hbm>> -> memref<40x128xi32, #tpu.memory_space<hbm>>
      tpu.wait_dma2 semaphore(%run_scoped3A : memref<!tpu.dma_semaphore, #tpu.memory_space<semaphore_mem>>) src(%dma_wait3A_150 : memref<40x128xi32, #tpu.memory_space<hbm>>) dst(%arg7 : memref<40x128xi32, #tpu.memory_space<vmem>>)
      tpu.yield
    }) : () -> ()
    %dma_start3A_84 = arith.constant 0 : i32
    %dma_start3A_85 = arith.constant 0 : i32
    %dma_start3A_86 = arith.constant 0 : i32
    %dma_start3A_87 = tpu.memref_slice %arg8[%dma_start3A_85, %dma_start3A_86] : memref<128x128xf32, #tpu.memory_space<vmem>> -> memref<32x128xf32, #tpu.memory_space<vmem>>
    %dma_start3A_88 = arith.constant 0 : i32
    %dma_start3A_89 = tpu.memref_slice %arg6[%dma_start3A_84, %dma_start3A_88] : memref<40x128xi32, #tpu.memory_space<vmem>> -> memref<1x32xi32, #tpu.memory_space<vmem>>
    %dma_start3A_90 = tpu.memref_squeeze %dma_start3A_89 : memref<1x32xi32, #tpu.memory_space<vmem>> -> memref<32xi32, #tpu.memory_space<vmem>>
    %dma_start3A_91 = arith.constant 0 : i32
    %dma_start3A_92 = arith.constant 0 : i32
    %dma_start3A_93 = tpu.memref_slice %arg2[%dma_start3A_91, %dma_start3A_92] : memref<10000x128xf32, #tpu.memory_space<hbm>> -> memref<10000x128xf32, #tpu.memory_space<hbm>>
    tpu.enqueue_indirect_dma source(%dma_start3A_93 : memref<10000x128xf32, #tpu.memory_space<hbm>>) target(%dma_start3A_87 : memref<32x128xf32, #tpu.memory_space<vmem>>) offsets(%dma_start3A_90 : memref<32xi32, #tpu.memory_space<vmem>>) semaphore(%arg11 : memref<!tpu.dma_semaphore, #tpu.memory_space<semaphore_mem>>)
    %dma_start3A_94 = arith.constant 0 : i32
    %dma_start3A_95 = arith.constant 32 : i32
    %dma_start3A_96 = arith.constant 0 : i32
    %dma_start3A_97 = tpu.memref_slice %arg8[%dma_start3A_95, %dma_start3A_96] : memref<128x128xf32, #tpu.memory_space<vmem>> -> memref<32x128xf32, #tpu.memory_space<vmem>>
    %dma_start3A_98 = arith.constant 32 : i32
    %dma_start3A_99 = tpu.memref_slice %arg6[%dma_start3A_94, %dma_start3A_98] : memref<40x128xi32, #tpu.memory_space<vmem>> -> memref<1x32xi32, #tpu.memory_space<vmem>>
    %dma_start3A_100 = tpu.memref_squeeze %dma_start3A_99 : memref<1x32xi32, #tpu.memory_space<vmem>> -> memref<32xi32, #tpu.memory_space<vmem>>
    %dma_start3A_101 = arith.constant 0 : i32
    %dma_start3A_102 = arith.constant 0 : i32
    %dma_start3A_103 = tpu.memref_slice %arg2[%dma_start3A_101, %dma_start3A_102] : memref<10000x128xf32, #tpu.memory_space<hbm>> -> memref<10000x128xf32, #tpu.memory_space<hbm>>
    tpu.enqueue_indirect_dma source(%dma_start3A_103 : memref<10000x128xf32, #tpu.memory_space<hbm>>) target(%dma_start3A_97 : memref<32x128xf32, #tpu.memory_space<vmem>>) offsets(%dma_start3A_100 : memref<32xi32, #tpu.memory_space<vmem>>) semaphore(%arg11 : memref<!tpu.dma_semaphore, #tpu.memory_space<semaphore_mem>>)
    %dma_start3A_104 = arith.constant 0 : i32
    %dma_start3A_105 = arith.constant 64 : i32
    %dma_start3A_106 = arith.constant 0 : i32
    %dma_start3A_107 = tpu.memref_slice %arg8[%dma_start3A_105, %dma_start3A_106] : memref<128x128xf32, #tpu.memory_space<vmem>> -> memref<32x128xf32, #tpu.memory_space<vmem>>
    %dma_start3A_108 = arith.constant 64 : i32
    %dma_start3A_109 = tpu.memref_slice %arg6[%dma_start3A_104, %dma_start3A_108] : memref<40x128xi32, #tpu.memory_space<vmem>> -> memref<1x32xi32, #tpu.memory_space<vmem>>
    %dma_start3A_110 = tpu.memref_squeeze %dma_start3A_109 : memref<1x32xi32, #tpu.memory_space<vmem>> -> memref<32xi32, #tpu.memory_space<vmem>>
    %dma_start3A_111 = arith.constant 0 : i32
    %dma_start3A_112 = arith.constant 0 : i32
    %dma_start3A_113 = tpu.memref_slice %arg2[%dma_start3A_111, %dma_start3A_112] : memref<10000x128xf32, #tpu.memory_space<hbm>> -> memref<10000x128xf32, #tpu.memory_space<hbm>>
    tpu.enqueue_indirect_dma source(%dma_start3A_113 : memref<10000x128xf32, #tpu.memory_space<hbm>>) target(%dma_start3A_107 : memref<32x128xf32, #tpu.memory_space<vmem>>) offsets(%dma_start3A_110 : memref<32xi32, #tpu.memory_space<vmem>>) semaphore(%arg11 : memref<!tpu.dma_semaphore, #tpu.memory_space<semaphore_mem>>)
    %dma_start3A_114 = arith.constant 0 : i32
    %dma_start3A_115 = arith.constant 96 : i32
    %dma_start3A_116 = arith.constant 0 : i32
    %dma_start3A_117 = tpu.memref_slice %arg8[%dma_start3A_115, %dma_start3A_116] : memref<128x128xf32, #tpu.memory_space<vmem>> -> memref<32x128xf32, #tpu.memory_space<vmem>>
    %dma_start3A_118 = arith.constant 96 : i32
    %dma_start3A_119 = tpu.memref_slice %arg6[%dma_start3A_114, %dma_start3A_118] : memref<40x128xi32, #tpu.memory_space<vmem>> -> memref<1x32xi32, #tpu.memory_space<vmem>>
    %dma_start3A_120 = tpu.memref_squeeze %dma_start3A_119 : memref<1x32xi32, #tpu.memory_space<vmem>> -> memref<32xi32, #tpu.memory_space<vmem>>
    %dma_start3A_121 = arith.constant 0 : i32
    %dma_start3A_122 = arith.constant 0 : i32
    %dma_start3A_123 = tpu.memref_slice %arg2[%dma_start3A_121, %dma_start3A_122] : memref<10000x128xf32, #tpu.memory_space<hbm>> -> memref<10000x128xf32, #tpu.memory_space<hbm>>
    tpu.enqueue_indirect_dma source(%dma_start3A_123 : memref<10000x128xf32, #tpu.memory_space<hbm>>) target(%dma_start3A_117 : memref<32x128xf32, #tpu.memory_space<vmem>>) offsets(%dma_start3A_120 : memref<32xi32, #tpu.memory_space<vmem>>) semaphore(%arg11 : memref<!tpu.dma_semaphore, #tpu.memory_space<semaphore_mem>>)
    %scan3A_124 = arith.constant 0 : i32
    %scan3A_125 = arith.constant 0 : i32
    %scan3A_126 = arith.constant 20 : i32
    %scan3A_127 = arith.addi %scan3A_125, %scan3A_126 : i32
    %scan3A_128 = arith.constant 1 : i32
    %scan3A_129 = scf.for %scan3A_144 = %scan3A_125 to %scan3A_127 step %scan3A_128 iter_args(%scan3A_145 = %scan3A_124) -> (i32)  : i32 {
      %mul3A_146 = arith.constant 2 : i32
      %mul3A_147 = arith.muli %mul3A_146, %scan3A_144 : i32
      %add3A_148 = arith.constant 1 : i32
      %add3A_149 = arith.addi %mul3A_147, %add3A_148 : i32
      %dma_start3A_150 = arith.constant 0 : i32
      %dma_start3A_151 = arith.constant 0 : i32
      %dma_start3A_152 = tpu.memref_slice %arg9[%dma_start3A_150, %dma_start3A_151] : memref<128x128xf32, #tpu.memory_space<vmem>> -> memref<32x128xf32, #tpu.memory_space<vmem>>
      %dma_start3A_153 = arith.constant 0 : i32
      %dma_start3A_154 = tpu.memref_slice %arg6[%add3A_149, %dma_start3A_153] : memref<40x128xi32, #tpu.memory_space<vmem>> -> memref<1x32xi32, #tpu.memory_space<vmem>>
      %dma_start3A_155 = tpu.memref_squeeze %dma_start3A_154 : memref<1x32xi32, #tpu.memory_space<vmem>> -> memref<32xi32, #tpu.memory_space<vmem>>
      %dma_start3A_156 = arith.constant 0 : i32
      %dma_start3A_157 = arith.constant 0 : i32
      %dma_start3A_158 = tpu.memref_slice %arg2[%dma_start3A_156, %dma_start3A_157] : memref<10000x128xf32, #tpu.memory_space<hbm>> -> memref<10000x128xf32, #tpu.memory_space<hbm>>
      tpu.enqueue_indirect_dma source(%dma_start3A_158 : memref<10000x128xf32, #tpu.memory_space<hbm>>) target(%dma_start3A_152 : memref<32x128xf32, #tpu.memory_space<vmem>>) offsets(%dma_start3A_155 : memref<32xi32, #tpu.memory_space<vmem>>) semaphore(%arg12 : memref<!tpu.dma_semaphore, #tpu.memory_space<semaphore_mem>>)
      %dma_start3A_159 = arith.constant 32 : i32
      %dma_start3A_160 = arith.constant 0 : i32
      %dma_start3A_161 = tpu.memref_slice %arg9[%dma_start3A_159, %dma_start3A_160] : memref<128x128xf32, #tpu.memory_space<vmem>> -> memref<32x128xf32, #tpu.memory_space<vmem>>
      %dma_start3A_162 = arith.constant 32 : i32
      %dma_start3A_163 = tpu.memref_slice %arg6[%add3A_149, %dma_start3A_162] : memref<40x128xi32, #tpu.memory_space<vmem>> -> memref<1x32xi32, #tpu.memory_space<vmem>>
      %dma_start3A_164 = tpu.memref_squeeze %dma_start3A_163 : memref<1x32xi32, #tpu.memory_space<vmem>> -> memref<32xi32, #tpu.memory_space<vmem>>
      %dma_start3A_165 = arith.constant 0 : i32
      %dma_start3A_166 = arith.constant 0 : i32
      %dma_start3A_167 = tpu.memref_slice %arg2[%dma_start3A_165, %dma_start3A_166] : memref<10000x128xf32, #tpu.memory_space<hbm>> -> memref<10000x128xf32, #tpu.memory_space<hbm>>
      tpu.enqueue_indirect_dma source(%dma_start3A_167 : memref<10000x128xf32, #tpu.memory_space<hbm>>) target(%dma_start3A_161 : memref<32x128xf32, #tpu.memory_space<vmem>>) offsets(%dma_start3A_164 : memref<32xi32, #tpu.memory_space<vmem>>) semaphore(%arg12 : memref<!tpu.dma_semaphore, #tpu.memory_space<semaphore_mem>>)
      %dma_start3A_168 = arith.constant 64 : i32
      %dma_start3A_169 = arith.constant 0 : i32
      %dma_start3A_170 = tpu.memref_slice %arg9[%dma_start3A_168, %dma_start3A_169] : memref<128x128xf32, #tpu.memory_space<vmem>> -> memref<32x128xf32, #tpu.memory_space<vmem>>
      %dma_start3A_171 = arith.constant 64 : i32
      %dma_start3A_172 = tpu.memref_slice %arg6[%add3A_149, %dma_start3A_171] : memref<40x128xi32, #tpu.memory_space<vmem>> -> memref<1x32xi32, #tpu.memory_space<vmem>>
      %dma_start3A_173 = tpu.memref_squeeze %dma_start3A_172 : memref<1x32xi32, #tpu.memory_space<vmem>> -> memref<32xi32, #tpu.memory_space<vmem>>
      %dma_start3A_174 = arith.constant 0 : i32
      %dma_start3A_175 = arith.constant 0 : i32
      %dma_start3A_176 = tpu.memref_slice %arg2[%dma_start3A_174, %dma_start3A_175] : memref<10000x128xf32, #tpu.memory_space<hbm>> -> memref<10000x128xf32, #tpu.memory_space<hbm>>
      tpu.enqueue_indirect_dma source(%dma_start3A_176 : memref<10000x128xf32, #tpu.memory_space<hbm>>) target(%dma_start3A_170 : memref<32x128xf32, #tpu.memory_space<vmem>>) offsets(%dma_start3A_173 : memref<32xi32, #tpu.memory_space<vmem>>) semaphore(%arg12 : memref<!tpu.dma_semaphore, #tpu.memory_space<semaphore_mem>>)
      %dma_start3A_177 = arith.constant 96 : i32
      %dma_start3A_178 = arith.constant 0 : i32
      %dma_start3A_179 = tpu.memref_slice %arg9[%dma_start3A_177, %dma_start3A_178] : memref<128x128xf32, #tpu.memory_space<vmem>> -> memref<32x128xf32, #tpu.memory_space<vmem>>
      %dma_start3A_180 = arith.constant 96 : i32
      %dma_start3A_181 = tpu.memref_slice %arg6[%add3A_149, %dma_start3A_180] : memref<40x128xi32, #tpu.memory_space<vmem>> -> memref<1x32xi32, #tpu.memory_space<vmem>>
      %dma_start3A_182 = tpu.memref_squeeze %dma_start3A_181 : memref<1x32xi32, #tpu.memory_space<vmem>> -> memref<32xi32, #tpu.memory_space<vmem>>
      %dma_start3A_183 = arith.constant 0 : i32
      %dma_start3A_184 = arith.constant 0 : i32
      %dma_start3A_185 = tpu.memref_slice %arg2[%dma_start3A_183, %dma_start3A_184] : memref<10000x128xf32, #tpu.memory_space<hbm>> -> memref<10000x128xf32, #tpu.memory_space<hbm>>
      tpu.enqueue_indirect_dma source(%dma_start3A_185 : memref<10000x128xf32, #tpu.memory_space<hbm>>) target(%dma_start3A_179 : memref<32x128xf32, #tpu.memory_space<vmem>>) offsets(%dma_start3A_182 : memref<32xi32, #tpu.memory_space<vmem>>) semaphore(%arg12 : memref<!tpu.dma_semaphore, #tpu.memory_space<semaphore_mem>>)
      %dma_wait3A = arith.constant 0 : i32
      %dma_wait3A_186 = arith.constant 0 : i32
      %dma_wait3A_187 = tpu.memref_slice %arg2[%dma_wait3A, %dma_wait3A_186] : memref<10000x128xf32, #tpu.memory_space<hbm>> -> memref<128x128xf32, #tpu.memory_space<hbm>>
      %dma_wait3A_188 = arith.constant 0 : i32
      %dma_wait3A_189 = arith.constant 0 : i32
      %dma_wait3A_190 = tpu.memref_slice %arg2[%dma_wait3A_188, %dma_wait3A_189] : memref<10000x128xf32, #tpu.memory_space<hbm>> -> memref<128x128xf32, #tpu.memory_space<hbm>>
      tpu.wait_dma2 semaphore(%arg11 : memref<!tpu.dma_semaphore, #tpu.memory_space<semaphore_mem>>) src(%dma_wait3A_190 : memref<128x128xf32, #tpu.memory_space<hbm>>) dst(%arg8 : memref<128x128xf32, #tpu.memory_space<vmem>>)
      "tpu.region"() ({
        %run_scoped3A = tpu.sem_alloc : memref<!tpu.dma_semaphore, #tpu.memory_space<semaphore_mem>>
        %dma_start3A_206 = arith.constant 0 : i32
        %dma_start3A_207 = tpu.memref_slice %arg7[%mul3A_147, %dma_start3A_206] : memref<40x128xi32, #tpu.memory_space<vmem>> -> memref<1x128xi32, #tpu.memory_space<vmem>>
        %dma_start3A_208 = tpu.memref_squeeze %dma_start3A_207 : memref<1x128xi32, #tpu.memory_space<vmem>> -> memref<128xi32, #tpu.memory_space<vmem>>
        %dma_start3A_209 = arith.constant 0 : i32
        %dma_start3A_210 = arith.constant 0 : i32
        %dma_start3A_211 = tpu.memref_slice %arg10[%dma_start3A_209, %dma_start3A_210] : memref<10008x128xf32, #tpu.memory_space<vmem_shared>> -> memref<10008x128xf32, #tpu.memory_space<vmem_shared>>
        tpu.enqueue_indirect_dma source(%arg8 : memref<128x128xf32, #tpu.memory_space<vmem>>) target(%dma_start3A_211 : memref<10008x128xf32, #tpu.memory_space<vmem_shared>>) offsets(%dma_start3A_208 : memref<128xi32, #tpu.memory_space<vmem>>) semaphore(%run_scoped3A : memref<!tpu.dma_semaphore, #tpu.memory_space<semaphore_mem>>) {add = true}
        %dma_wait3A_212 = arith.constant 0 : i32
        %dma_wait3A_213 = tpu.memref_slice %arg7[%mul3A_147, %dma_wait3A_212] : memref<40x128xi32, #tpu.memory_space<vmem>> -> memref<1x128xi32, #tpu.memory_space<vmem>>
        %dma_wait3A_214 = tpu.memref_squeeze %dma_wait3A_213 : memref<1x128xi32, #tpu.memory_space<vmem>> -> memref<128xi32, #tpu.memory_space<vmem>>
        %dma_wait3A_215 = arith.constant 0 : i32
        %dma_wait3A_216 = arith.constant 0 : i32
        %dma_wait3A_217 = tpu.memref_slice %arg10[%dma_wait3A_215, %dma_wait3A_216] : memref<10008x128xf32, #tpu.memory_space<vmem_shared>> -> memref<10008x128xf32, #tpu.memory_space<vmem_shared>>
        tpu.wait_indirect_dma semaphore(%run_scoped3A : memref<!tpu.dma_semaphore, #tpu.memory_space<semaphore_mem>>) src(%arg8 : memref<128x128xf32, #tpu.memory_space<vmem>>) dst(%dma_wait3A_217 : memref<10008x128xf32, #tpu.memory_space<vmem_shared>>)
        tpu.yield
      }) : () -> ()
      %add3A_191 = arith.constant 2 : i32
      %add3A_192 = arith.addi %mul3A_147, %add3A_191 : i32
      %lt3A = arith.constant 40 : i32
      %lt3A_193 = arith.cmpi slt, %add3A_192, %lt3A : i32
      %convert_element_type3A_194 = arith.extui %lt3A_193 : i1 to i32
      %cond3A_195 = arith.constant 0 : i32
      %cond3A_196 = arith.cmpi ne, %convert_element_type3A_194, %cond3A_195 : i32
      scf.if %cond3A_196 {
        %add3A_206 = arith.constant 2 : i32
        %add3A_207 = arith.addi %mul3A_147, %add3A_206 : i32
        %dma_start3A_208 = arith.constant 0 : i32
        %dma_start3A_209 = arith.constant 0 : i32
        %dma_start3A_210 = tpu.memref_slice %arg8[%dma_start3A_208, %dma_start3A_209] : memref<128x128xf32, #tpu.memory_space<vmem>> -> memref<32x128xf32, #tpu.memory_space<vmem>>
        %dma_start3A_211 = arith.constant 0 : i32
        %dma_start3A_212 = tpu.memref_slice %arg6[%add3A_207, %dma_start3A_211] : memref<40x128xi32, #tpu.memory_space<vmem>> -> memref<1x32xi32, #tpu.memory_space<vmem>>
        %dma_start3A_213 = tpu.memref_squeeze %dma_start3A_212 : memref<1x32xi32, #tpu.memory_space<vmem>> -> memref<32xi32, #tpu.memory_space<vmem>>
        %dma_start3A_214 = arith.constant 0 : i32
        %dma_start3A_215 = arith.constant 0 : i32
        %dma_start3A_216 = tpu.memref_slice %arg2[%dma_start3A_214, %dma_start3A_215] : memref<10000x128xf32, #tpu.memory_space<hbm>> -> memref<10000x128xf32, #tpu.memory_space<hbm>>
        tpu.enqueue_indirect_dma source(%dma_start3A_216 : memref<10000x128xf32, #tpu.memory_space<hbm>>) target(%dma_start3A_210 : memref<32x128xf32, #tpu.memory_space<vmem>>) offsets(%dma_start3A_213 : memref<32xi32, #tpu.memory_space<vmem>>) semaphore(%arg11 : memref<!tpu.dma_semaphore, #tpu.memory_space<semaphore_mem>>)
        %dma_start3A_217 = arith.constant 32 : i32
        %dma_start3A_218 = arith.constant 0 : i32
        %dma_start3A_219 = tpu.memref_slice %arg8[%dma_start3A_217, %dma_start3A_218] : memref<128x128xf32, #tpu.memory_space<vmem>> -> memref<32x128xf32, #tpu.memory_space<vmem>>
        %dma_start3A_220 = arith.constant 32 : i32
        %dma_start3A_221 = tpu.memref_slice %arg6[%add3A_207, %dma_start3A_220] : memref<40x128xi32, #tpu.memory_space<vmem>> -> memref<1x32xi32, #tpu.memory_space<vmem>>
        %dma_start3A_222 = tpu.memref_squeeze %dma_start3A_221 : memref<1x32xi32, #tpu.memory_space<vmem>> -> memref<32xi32, #tpu.memory_space<vmem>>
        %dma_start3A_223 = arith.constant 0 : i32
        %dma_start3A_224 = arith.constant 0 : i32
        %dma_start3A_225 = tpu.memref_slice %arg2[%dma_start3A_223, %dma_start3A_224] : memref<10000x128xf32, #tpu.memory_space<hbm>> -> memref<10000x128xf32, #tpu.memory_space<hbm>>
        tpu.enqueue_indirect_dma source(%dma_start3A_225 : memref<10000x128xf32, #tpu.memory_space<hbm>>) target(%dma_start3A_219 : memref<32x128xf32, #tpu.memory_space<vmem>>) offsets(%dma_start3A_222 : memref<32xi32, #tpu.memory_space<vmem>>) semaphore(%arg11 : memref<!tpu.dma_semaphore, #tpu.memory_space<semaphore_mem>>)
        %dma_start3A_226 = arith.constant 64 : i32
        %dma_start3A_227 = arith.constant 0 : i32
        %dma_start3A_228 = tpu.memref_slice %arg8[%dma_start3A_226, %dma_start3A_227] : memref<128x128xf32, #tpu.memory_space<vmem>> -> memref<32x128xf32, #tpu.memory_space<vmem>>
        %dma_start3A_229 = arith.constant 64 : i32
        %dma_start3A_230 = tpu.memref_slice %arg6[%add3A_207, %dma_start3A_229] : memref<40x128xi32, #tpu.memory_space<vmem>> -> memref<1x32xi32, #tpu.memory_space<vmem>>
        %dma_start3A_231 = tpu.memref_squeeze %dma_start3A_230 : memref<1x32xi32, #tpu.memory_space<vmem>> -> memref<32xi32, #tpu.memory_space<vmem>>
        %dma_start3A_232 = arith.constant 0 : i32
        %dma_start3A_233 = arith.constant 0 : i32
        %dma_start3A_234 = tpu.memref_slice %arg2[%dma_start3A_232, %dma_start3A_233] : memref<10000x128xf32, #tpu.memory_space<hbm>> -> memref<10000x128xf32, #tpu.memory_space<hbm>>
        tpu.enqueue_indirect_dma source(%dma_start3A_234 : memref<10000x128xf32, #tpu.memory_space<hbm>>) target(%dma_start3A_228 : memref<32x128xf32, #tpu.memory_space<vmem>>) offsets(%dma_start3A_231 : memref<32xi32, #tpu.memory_space<vmem>>) semaphore(%arg11 : memref<!tpu.dma_semaphore, #tpu.memory_space<semaphore_mem>>)
        %dma_start3A_235 = arith.constant 96 : i32
        %dma_start3A_236 = arith.constant 0 : i32
        %dma_start3A_237 = tpu.memref_slice %arg8[%dma_start3A_235, %dma_start3A_236] : memref<128x128xf32, #tpu.memory_space<vmem>> -> memref<32x128xf32, #tpu.memory_space<vmem>>
        %dma_start3A_238 = arith.constant 96 : i32
        %dma_start3A_239 = tpu.memref_slice %arg6[%add3A_207, %dma_start3A_238] : memref<40x128xi32, #tpu.memory_space<vmem>> -> memref<1x32xi32, #tpu.memory_space<vmem>>
        %dma_start3A_240 = tpu.memref_squeeze %dma_start3A_239 : memref<1x32xi32, #tpu.memory_space<vmem>> -> memref<32xi32, #tpu.memory_space<vmem>>
        %dma_start3A_241 = arith.constant 0 : i32
        %dma_start3A_242 = arith.constant 0 : i32
        %dma_start3A_243 = tpu.memref_slice %arg2[%dma_start3A_241, %dma_start3A_242] : memref<10000x128xf32, #tpu.memory_space<hbm>> -> memref<10000x128xf32, #tpu.memory_space<hbm>>
        tpu.enqueue_indirect_dma source(%dma_start3A_243 : memref<10000x128xf32, #tpu.memory_space<hbm>>) target(%dma_start3A_237 : memref<32x128xf32, #tpu.memory_space<vmem>>) offsets(%dma_start3A_240 : memref<32xi32, #tpu.memory_space<vmem>>) semaphore(%arg11 : memref<!tpu.dma_semaphore, #tpu.memory_space<semaphore_mem>>)
      } else {
      }
      %dma_wait3A_197 = arith.constant 0 : i32
      %dma_wait3A_198 = arith.constant 0 : i32
      %dma_wait3A_199 = tpu.memref_slice %arg2[%dma_wait3A_197, %dma_wait3A_198] : memref<10000x128xf32, #tpu.memory_space<hbm>> -> memref<128x128xf32, #tpu.memory_space<hbm>>
      %dma_wait3A_200 = arith.constant 0 : i32
      %dma_wait3A_201 = arith.constant 0 : i32
      %dma_wait3A_202 = tpu.memref_slice %arg2[%dma_wait3A_200, %dma_wait3A_201] : memref<10000x128xf32, #tpu.memory_space<hbm>> -> memref<128x128xf32, #tpu.memory_space<hbm>>
      tpu.wait_dma2 semaphore(%arg12 : memref<!tpu.dma_semaphore, #tpu.memory_space<semaphore_mem>>) src(%dma_wait3A_202 : memref<128x128xf32, #tpu.memory_space<hbm>>) dst(%arg9 : memref<128x128xf32, #tpu.memory_space<vmem>>)
      %add3A_203 = arith.constant 1 : i32
      %add3A_204 = arith.addi %mul3A_147, %add3A_203 : i32
      "tpu.region"() ({
        %run_scoped3A = tpu.sem_alloc : memref<!tpu.dma_semaphore, #tpu.memory_space<semaphore_mem>>
        %dma_start3A_206 = arith.constant 0 : i32
        %dma_start3A_207 = tpu.memref_slice %arg7[%add3A_204, %dma_start3A_206] : memref<40x128xi32, #tpu.memory_space<vmem>> -> memref<1x128xi32, #tpu.memory_space<vmem>>
        %dma_start3A_208 = tpu.memref_squeeze %dma_start3A_207 : memref<1x128xi32, #tpu.memory_space<vmem>> -> memref<128xi32, #tpu.memory_space<vmem>>
        %dma_start3A_209 = arith.constant 0 : i32
        %dma_start3A_210 = arith.constant 0 : i32
        %dma_start3A_211 = tpu.memref_slice %arg10[%dma_start3A_209, %dma_start3A_210] : memref<10008x128xf32, #tpu.memory_space<vmem_shared>> -> memref<10008x128xf32, #tpu.memory_space<vmem_shared>>
        tpu.enqueue_indirect_dma source(%arg9 : memref<128x128xf32, #tpu.memory_space<vmem>>) target(%dma_start3A_211 : memref<10008x128xf32, #tpu.memory_space<vmem_shared>>) offsets(%dma_start3A_208 : memref<128xi32, #tpu.memory_space<vmem>>) semaphore(%run_scoped3A : memref<!tpu.dma_semaphore, #tpu.memory_space<semaphore_mem>>) {add = true}
        %dma_wait3A_212 = arith.constant 0 : i32
        %dma_wait3A_213 = tpu.memref_slice %arg7[%add3A_204, %dma_wait3A_212] : memref<40x128xi32, #tpu.memory_space<vmem>> -> memref<1x128xi32, #tpu.memory_space<vmem>>
        %dma_wait3A_214 = tpu.memref_squeeze %dma_wait3A_213 : memref<1x128xi32, #tpu.memory_space<vmem>> -> memref<128xi32, #tpu.memory_space<vmem>>
        %dma_wait3A_215 = arith.constant 0 : i32
        %dma_wait3A_216 = arith.constant 0 : i32
        %dma_wait3A_217 = tpu.memref_slice %arg10[%dma_wait3A_215, %dma_wait3A_216] : memref<10008x128xf32, #tpu.memory_space<vmem_shared>> -> memref<10008x128xf32, #tpu.memory_space<vmem_shared>>
        tpu.wait_indirect_dma semaphore(%run_scoped3A : memref<!tpu.dma_semaphore, #tpu.memory_space<semaphore_mem>>) src(%arg9 : memref<128x128xf32, #tpu.memory_space<vmem>>) dst(%dma_wait3A_217 : memref<10008x128xf32, #tpu.memory_space<vmem_shared>>)
        tpu.yield
      }) : () -> ()
      %scan3A_205 = arith.constant 0 : i32
      scf.yield %scan3A_205 : i32
    }
    %scan3A_130 = arith.constant 20 : i32
    %barrier3A_131 = arith.constant 0 : index
    tpu.barrier barrier_id(%barrier3A_131)
    %scan3A_132 = arith.constant 0 : i32
    %scan3A_133 = arith.constant 0 : i32
    %scan3A_134 = arith.constant 5 : i32
    %scan3A_135 = arith.addi %scan3A_133, %scan3A_134 : i32
    %scan3A_136 = arith.constant 1 : i32
    %scan3A_137 = scf.for %scan3A_144 = %scan3A_133 to %scan3A_135 step %scan3A_136 iter_args(%scan3A_145 = %scan3A_132) -> (i32)  : i32 {
      %mul3A_146 = arith.constant 5 : i32
      %mul3A_147 = arith.muli %arg1, %mul3A_146 : i32
      %add3A_148 = arith.addi %mul3A_147, %scan3A_144 : i32
      %lt3A = arith.constant 78 : i32
      %lt3A_149 = arith.cmpi slt, %add3A_148, %lt3A : i32
      %convert_element_type3A_150 = arith.extui %lt3A_149 : i1 to i32
      %cond3A_151 = arith.constant 0 : i32
      %cond3A_152 = arith.cmpi ne, %convert_element_type3A_150, %cond3A_151 : i32
      scf.if %cond3A_152 {
        %mul3A_154 = arith.constant 128 : i32
        %mul3A_155 = arith.muli %add3A_148, %mul3A_154 : i32
        "tpu.region"() ({
          %run_scoped3A = tpu.sem_alloc : memref<!tpu.dma_semaphore, #tpu.memory_space<semaphore_mem>>
          %dma_start3A_156 = arith.constant 0 : i32
          %dma_start3A_157 = tpu.memref_slice %arg5[%arg0, %mul3A_155, %dma_start3A_156] : memref<2x10000x128xf32, #tpu.memory_space<hbm>> -> memref<1x128x128xf32, #tpu.memory_space<hbm>>
          %dma_start3A_158 = tpu.memref_squeeze %dma_start3A_157 : memref<1x128x128xf32, #tpu.memory_space<hbm>> -> memref<128x128xf32, #tpu.memory_space<hbm>>
          %dma_start3A_159 = arith.constant 0 : i32
          %dma_start3A_160 = tpu.memref_slice %arg10[%mul3A_155, %dma_start3A_159] : memref<10008x128xf32, #tpu.memory_space<vmem_shared>> -> memref<128x128xf32, #tpu.memory_space<vmem_shared>>
          tpu.enqueue_dma source(%dma_start3A_160 : memref<128x128xf32, #tpu.memory_space<vmem_shared>>) target(%dma_start3A_158 : memref<128x128xf32, #tpu.memory_space<hbm>>) target_semaphore(%run_scoped3A : memref<!tpu.dma_semaphore, #tpu.memory_space<semaphore_mem>>)
          %dma_wait3A = arith.constant 0 : i32
          %dma_wait3A_161 = tpu.memref_slice %arg5[%arg0, %mul3A_155, %dma_wait3A] : memref<2x10000x128xf32, #tpu.memory_space<hbm>> -> memref<1x128x128xf32, #tpu.memory_space<hbm>>
          %dma_wait3A_162 = tpu.memref_squeeze %dma_wait3A_161 : memref<1x128x128xf32, #tpu.memory_space<hbm>> -> memref<128x128xf32, #tpu.memory_space<hbm>>
          %dma_wait3A_163 = arith.constant 0 : i32
          %dma_wait3A_164 = tpu.memref_slice %arg10[%mul3A_155, %dma_wait3A_163] : memref<10008x128xf32, #tpu.memory_space<vmem_shared>> -> memref<128x128xf32, #tpu.memory_space<vmem_shared>>
          tpu.wait_dma2 semaphore(%run_scoped3A : memref<!tpu.dma_semaphore, #tpu.memory_space<semaphore_mem>>) src(%dma_wait3A_164 : memref<128x128xf32, #tpu.memory_space<vmem_shared>>) dst(%dma_wait3A_162 : memref<128x128xf32, #tpu.memory_space<hbm>>)
          tpu.yield
        }) : () -> ()
      } else {
      }
      %scan3A_153 = arith.constant 0 : i32
      scf.yield %scan3A_153 : i32
    }
    %scan3A_138 = arith.constant 5 : i32
    %eq3A_139 = arith.constant 15 : i32
    %eq3A_140 = arith.cmpi eq, %arg1, %eq3A_139 : i32
    %convert_element_type3A_141 = arith.extui %eq3A_140 : i1 to i32
    %cond3A_142 = arith.constant 0 : i32
    %cond3A_143 = arith.cmpi ne, %convert_element_type3A_141, %cond3A_142 : i32
    scf.if %cond3A_143 {
      "tpu.region"() ({
        %run_scoped3A = tpu.sem_alloc : memref<!tpu.dma_semaphore, #tpu.memory_space<semaphore_mem>>
        %dma_start3A_144 = arith.constant 9984 : i32
        %dma_start3A_145 = arith.constant 0 : i32
        %dma_start3A_146 = tpu.memref_slice %arg5[%arg0, %dma_start3A_144, %dma_start3A_145] : memref<2x10000x128xf32, #tpu.memory_space<hbm>> -> memref<1x16x128xf32, #tpu.memory_space<hbm>>
        %dma_start3A_147 = tpu.memref_squeeze %dma_start3A_146 : memref<1x16x128xf32, #tpu.memory_space<hbm>> -> memref<16x128xf32, #tpu.memory_space<hbm>>
        %dma_start3A_148 = arith.constant 9984 : i32
        %dma_start3A_149 = arith.constant 0 : i32
        %dma_start3A_150 = tpu.memref_slice %arg10[%dma_start3A_148, %dma_start3A_149] : memref<10008x128xf32, #tpu.memory_space<vmem_shared>> -> memref<16x128xf32, #tpu.memory_space<vmem_shared>>
        tpu.enqueue_dma source(%dma_start3A_150 : memref<16x128xf32, #tpu.memory_space<vmem_shared>>) target(%dma_start3A_147 : memref<16x128xf32, #tpu.memory_space<hbm>>) target_semaphore(%run_scoped3A : memref<!tpu.dma_semaphore, #tpu.memory_space<semaphore_mem>>)
        %dma_wait3A = arith.constant 9984 : i32
        %dma_wait3A_151 = arith.constant 0 : i32
        %dma_wait3A_152 = tpu.memref_slice %arg5[%arg0, %dma_wait3A, %dma_wait3A_151] : memref<2x10000x128xf32, #tpu.memory_space<hbm>> -> memref<1x16x128xf32, #tpu.memory_space<hbm>>
        %dma_wait3A_153 = tpu.memref_squeeze %dma_wait3A_152 : memref<1x16x128xf32, #tpu.memory_space<hbm>> -> memref<16x128xf32, #tpu.memory_space<hbm>>
        %dma_wait3A_154 = arith.constant 9984 : i32
        %dma_wait3A_155 = arith.constant 0 : i32
        %dma_wait3A_156 = tpu.memref_slice %arg10[%dma_wait3A_154, %dma_wait3A_155] : memref<10008x128xf32, #tpu.memory_space<vmem_shared>> -> memref<16x128xf32, #tpu.memory_space<vmem_shared>>
        tpu.wait_dma2 semaphore(%run_scoped3A : memref<!tpu.dma_semaphore, #tpu.memory_space<semaphore_mem>>) src(%dma_wait3A_156 : memref<16x128xf32, #tpu.memory_space<vmem_shared>>) dst(%dma_wait3A_153 : memref<16x128xf32, #tpu.memory_space<hbm>>)
        tpu.yield
      }) : () -> ()
    } else {
    }
    return
  }
}

module attributes {stable_mosaic.version = 14 : i64} {
  func.func @_tc_first_body(%arg0: i32, %arg1: memref<1000x128xf32, #tpu.memory_space<vmem>>, %arg2: memref<128x128xf32, #tpu.memory_space<vmem>>, %arg3: memref<2x1000x128xf32, #tpu.memory_space<vmem>>, %arg4: memref<1000x128xf32, #tpu.memory_space<vmem>>) attributes {dimension_semantics = [#tpu.dimension_semantics<arbitrary>], iteration_bounds = array<i64: 10>, scalar_prefetch = 0 : i64, scratch_operands = 0 : i64, tpu.core_type = #tpu.core_type<tc>, window_params = [{transform_indices = @transform_0, window_bounds = array<i64: 1000, 128>}, {pipeline_mode = #tpu.pipeline_mode<synchronous>, transform_indices = @transform_1, window_bounds = array<i64: 128, 128>}, {transform_indices = @transform_2, window_bounds = array<i64: 2, 1000, 128>}, {transform_indices = @transform_3, window_bounds = array<i64: 1000, 128>}]} {
    %get3A = arith.constant 0 : index
    %get3A_0 = arith.constant 0 : index
    %get3A_1 = arith.constant 0 : index
    %get3A_2 = vector.load %arg3[%get3A, %get3A_0, %get3A_1] : memref<2x1000x128xf32, #tpu.memory_space<vmem>>, vector<2x1000x128xf32>
    %slice3A = vector.extract_strided_slice %get3A_2 {offsets = [0, 0, 0], sizes = [1, 1000, 1], strides = [1, 1, 1]} : vector<2x1000x128xf32> to vector<1x1000x1xf32>
    %squeeze3A = vector.shape_cast %slice3A : vector<1x1000x1xf32> to vector<1000x1xf32>
    %slice3A_3 = vector.extract_strided_slice %get3A_2 {offsets = [1, 0, 0], sizes = [1, 1000, 1], strides = [1, 1, 1]} : vector<2x1000x128xf32> to vector<1x1000x1xf32>
    %squeeze3A_4 = vector.shape_cast %slice3A_3 : vector<1x1000x1xf32> to vector<1000x1xf32>
    %add3A = arith.addf %squeeze3A, %squeeze3A_4 : vector<1000x1xf32>
    %add3A_5 = arith.constant 1.000000e+00 : f32
    %add3A_6 = vector.broadcast %add3A_5 : f32 to vector<1000x1xf32>
    %add3A_7 = arith.addf %add3A, %add3A_6 : vector<1000x1xf32>
    %rsqrt3A = math.rsqrt %add3A_7 : vector<1000x1xf32>
    %get3A_8 = arith.constant 0 : index
    %get3A_9 = arith.constant 0 : index
    %get3A_10 = vector.load %arg1[%get3A_8, %get3A_9] : memref<1000x128xf32, #tpu.memory_space<vmem>>, vector<1000x128xf32>
    %get3A_11 = arith.constant 0 : index
    %get3A_12 = arith.constant 0 : index
    %get3A_13 = vector.load %arg2[%get3A_11, %get3A_12] : memref<128x128xf32, #tpu.memory_space<vmem>>, vector<128x128xf32>
    %dot_general3A = arith.constant dense<0.000000e+00> : vector<1000x128xf32>
    %dot_general3A_14 = tpu.matmul %get3A_10, %get3A_13, %dot_general3A {dimension_numbers = #tpu.dot_dimension_numbers<[1], [0], [0], [1], [0, 0, 1, 1], [], []>, transpose_lhs_hint = false} : vector<1000x128xf32>, vector<128x128xf32>, vector<1000x128xf32> -> vector<1000x128xf32>
    %mul3A = vector.broadcast %rsqrt3A : vector<1000x1xf32> to vector<1000x128xf32>
    %mul3A_15 = arith.mulf %dot_general3A_14, %mul3A : vector<1000x128xf32>
    %swap3A = arith.constant 0 : index
    %swap3A_16 = arith.constant 0 : index
    %swap3A_17 = vector.load %arg4[%swap3A, %swap3A_16] : memref<1000x128xf32, #tpu.memory_space<vmem>>, vector<1000x128xf32>
    tpu.vector_store %arg4[%swap3A, %swap3A_16], %mul3A_15 {strides = array<i32>} : memref<1000x128xf32, #tpu.memory_space<vmem>>, vector<1000x128xf32>,
    return
  }
  func.func @transform_0(%arg0: i32) -> (i32, i32) {
    %c0_i32 = arith.constant 0 : i32
    %c0_i32_0 = arith.constant 0 : i32
    return %arg0, %c0_i32 : i32, i32
  }
  func.func @transform_1(%arg0: i32) -> (i32, i32) {
    %c0_i32 = arith.constant 0 : i32
    %c0_i32_0 = arith.constant 0 : i32
    %c0_i32_1 = arith.constant 0 : i32
    return %c0_i32, %c0_i32_0 : i32, i32
  }
  func.func @transform_2(%arg0: i32) -> (i32, i32, i32) {
    %c0_i32 = arith.constant 0 : i32
    %c0_i32_0 = arith.constant 0 : i32
    %c0_i32_1 = arith.constant 0 : i32
    return %c0_i32, %arg0, %c0_i32_0 : i32, i32, i32
  }
  func.func @transform_3(%arg0: i32) -> (i32, i32) {
    %c0_i32 = arith.constant 0 : i32
    %c0_i32_0 = arith.constant 0 : i32
    return %arg0, %c0_i32 : i32, i32
  }
}

module attributes {stable_mosaic.version = 14 : i64} {
  func.func @_tc_mid_body(%arg0: i32, %arg1: memref<2x1000x128xf32, #tpu.memory_space<vmem>>, %arg2: memref<1000x128xf32, #tpu.memory_space<vmem>>, %arg3: memref<2x1000x128xf32, #tpu.memory_space<vmem>>, %arg4: memref<1x128xf32, #tpu.memory_space<vmem>>, %arg5: memref<128x128xf32, #tpu.memory_space<vmem>>, %arg6: memref<1000x128xf32, #tpu.memory_space<vmem>>) attributes {dimension_semantics = [#tpu.dimension_semantics<arbitrary>], iteration_bounds = array<i64: 10>, scalar_prefetch = 0 : i64, scratch_operands = 0 : i64, tpu.core_type = #tpu.core_type<tc>, window_params = [{transform_indices = @transform_0, window_bounds = array<i64: 2, 1000, 128>}, {transform_indices = @transform_1, window_bounds = array<i64: 1000, 128>}, {transform_indices = @transform_2, window_bounds = array<i64: 2, 1000, 128>}, {pipeline_mode = #tpu.pipeline_mode<synchronous>, transform_indices = @transform_3, window_bounds = array<i64: 1, 128>}, {pipeline_mode = #tpu.pipeline_mode<synchronous>, transform_indices = @transform_4, window_bounds = array<i64: 128, 128>}, {transform_indices = @transform_5, window_bounds = array<i64: 1000, 128>}]} {
    %get3A = arith.constant 0 : index
    %get3A_0 = arith.constant 0 : index
    %get3A_1 = arith.constant 0 : index
    %get3A_2 = vector.load %arg3[%get3A, %get3A_0, %get3A_1] : memref<2x1000x128xf32, #tpu.memory_space<vmem>>, vector<2x1000x128xf32>
    %slice3A = vector.extract_strided_slice %get3A_2 {offsets = [0, 0, 0], sizes = [1, 1000, 1], strides = [1, 1, 1]} : vector<2x1000x128xf32> to vector<1x1000x1xf32>
    %squeeze3A = vector.shape_cast %slice3A : vector<1x1000x1xf32> to vector<1000x1xf32>
    %slice3A_3 = vector.extract_strided_slice %get3A_2 {offsets = [1, 0, 0], sizes = [1, 1000, 1], strides = [1, 1, 1]} : vector<2x1000x128xf32> to vector<1x1000x1xf32>
    %squeeze3A_4 = vector.shape_cast %slice3A_3 : vector<1x1000x1xf32> to vector<1000x1xf32>
    %add3A = arith.addf %squeeze3A, %squeeze3A_4 : vector<1000x1xf32>
    %add3A_5 = arith.constant 1.000000e+00 : f32
    %add3A_6 = vector.broadcast %add3A_5 : f32 to vector<1000x1xf32>
    %add3A_7 = arith.addf %add3A, %add3A_6 : vector<1000x1xf32>
    %rsqrt3A = math.rsqrt %add3A_7 : vector<1000x1xf32>
    %get3A_8 = arith.constant 0 : index
    %get3A_9 = arith.constant 0 : index
    %get3A_10 = arith.constant 0 : index
    %get3A_11 = vector.load %arg1[%get3A_8, %get3A_9, %get3A_10] : memref<2x1000x128xf32, #tpu.memory_space<vmem>>, vector<1x1000x128xf32>
    %get3A_12 = vector.shape_cast %get3A_11 : vector<1x1000x128xf32> to vector<1000x128xf32>
    %get3A_13 = arith.constant 1 : index
    %get3A_14 = arith.constant 0 : index
    %get3A_15 = arith.constant 0 : index
    %get3A_16 = vector.load %arg1[%get3A_13, %get3A_14, %get3A_15] : memref<2x1000x128xf32, #tpu.memory_space<vmem>>, vector<1x1000x128xf32>
    %get3A_17 = vector.shape_cast %get3A_16 : vector<1x1000x128xf32> to vector<1000x128xf32>
    %add3A_18 = arith.addf %get3A_12, %get3A_17 : vector<1000x128xf32>
    %get3A_19 = arith.constant 0 : index
    %get3A_20 = arith.constant 0 : index
    %get3A_21 = vector.load %arg2[%get3A_19, %get3A_20] : memref<1000x128xf32, #tpu.memory_space<vmem>>, vector<1000x128xf32>
    %add3A_22 = arith.addf %add3A_18, %get3A_21 : vector<1000x128xf32>
    %mul3A = vector.broadcast %rsqrt3A : vector<1000x1xf32> to vector<1000x128xf32>
    %mul3A_23 = arith.mulf %add3A_22, %mul3A : vector<1000x128xf32>
    %get3A_24 = arith.constant 0 : index
    %get3A_25 = arith.constant 0 : index
    %get3A_26 = vector.load %arg4[%get3A_24, %get3A_25] : memref<1x128xf32, #tpu.memory_space<vmem>>, vector<1x128xf32>
    %add3A_27 = vector.broadcast %get3A_26 : vector<1x128xf32> to vector<1000x128xf32>
    %add3A_28 = arith.addf %mul3A_23, %add3A_27 : vector<1000x128xf32>
    %max3A = arith.constant 0.000000e+00 : f32
    %max3A_29 = vector.broadcast %max3A : f32 to vector<1000x128xf32>
    %max3A_30 = arith.maximumf %add3A_28, %max3A_29 : vector<1000x128xf32>
    %get3A_31 = arith.constant 0 : index
    %get3A_32 = arith.constant 0 : index
    %get3A_33 = vector.load %arg5[%get3A_31, %get3A_32] : memref<128x128xf32, #tpu.memory_space<vmem>>, vector<128x128xf32>
    %dot_general3A = arith.constant dense<0.000000e+00> : vector<1000x128xf32>
    %dot_general3A_34 = tpu.matmul %max3A_30, %get3A_33, %dot_general3A {dimension_numbers = #tpu.dot_dimension_numbers<[1], [0], [0], [1], [0, 0, 1, 1], [], []>, transpose_lhs_hint = false} : vector<1000x128xf32>, vector<128x128xf32>, vector<1000x128xf32> -> vector<1000x128xf32>
    %mul3A_35 = vector.broadcast %rsqrt3A : vector<1000x1xf32> to vector<1000x128xf32>
    %mul3A_36 = arith.mulf %dot_general3A_34, %mul3A_35 : vector<1000x128xf32>
    %swap3A = arith.constant 0 : index
    %swap3A_37 = arith.constant 0 : index
    %swap3A_38 = vector.load %arg6[%swap3A, %swap3A_37] : memref<1000x128xf32, #tpu.memory_space<vmem>>, vector<1000x128xf32>
    tpu.vector_store %arg6[%swap3A, %swap3A_37], %mul3A_36 {strides = array<i32>} : memref<1000x128xf32, #tpu.memory_space<vmem>>, vector<1000x128xf32>,
    return
  }
  func.func @transform_0(%arg0: i32) -> (i32, i32, i32) {
    %c0_i32 = arith.constant 0 : i32
    %c0_i32_0 = arith.constant 0 : i32
    %c0_i32_1 = arith.constant 0 : i32
    return %c0_i32, %arg0, %c0_i32_0 : i32, i32, i32
  }
  func.func @transform_1(%arg0: i32) -> (i32, i32) {
    %c0_i32 = arith.constant 0 : i32
    %c0_i32_0 = arith.constant 0 : i32
    return %arg0, %c0_i32 : i32, i32
  }
  func.func @transform_2(%arg0: i32) -> (i32, i32, i32) {
    %c0_i32 = arith.constant 0 : i32
    %c0_i32_0 = arith.constant 0 : i32
    %c0_i32_1 = arith.constant 0 : i32
    return %c0_i32, %arg0, %c0_i32_0 : i32, i32, i32
  }
  func.func @transform_3(%arg0: i32) -> (i32, i32) {
    %c0_i32 = arith.constant 0 : i32
    %c0_i32_0 = arith.constant 0 : i32
    %c0_i32_1 = arith.constant 0 : i32
    return %c0_i32, %c0_i32_0 : i32, i32
  }
  func.func @transform_4(%arg0: i32) -> (i32, i32) {
    %c0_i32 = arith.constant 0 : i32
    %c0_i32_0 = arith.constant 0 : i32
    %c0_i32_1 = arith.constant 0 : i32
    return %c0_i32, %c0_i32_0 : i32, i32
  }
  func.func @transform_5(%arg0: i32) -> (i32, i32) {
    %c0_i32 = arith.constant 0 : i32
    %c0_i32_0 = arith.constant 0 : i32
    return %arg0, %c0_i32 : i32, i32
  }
}

module attributes {stable_mosaic.version = 14 : i64} {
  func.func @_tc_final_body(%arg0: i32, %arg1: memref<2x1000x128xf32, #tpu.memory_space<vmem>>, %arg2: memref<1000x128xf32, #tpu.memory_space<vmem>>, %arg3: memref<2x1000x128xf32, #tpu.memory_space<vmem>>, %arg4: memref<1x128xf32, #tpu.memory_space<vmem>>, %arg5: memref<1000x128xf32, #tpu.memory_space<vmem>>) attributes {dimension_semantics = [#tpu.dimension_semantics<arbitrary>], iteration_bounds = array<i64: 10>, scalar_prefetch = 0 : i64, scratch_operands = 0 : i64, tpu.core_type = #tpu.core_type<tc>, window_params = [{transform_indices = @transform_0, window_bounds = array<i64: 2, 1000, 128>}, {transform_indices = @transform_1, window_bounds = array<i64: 1000, 128>}, {transform_indices = @transform_2, window_bounds = array<i64: 2, 1000, 128>}, {pipeline_mode = #tpu.pipeline_mode<synchronous>, transform_indices = @transform_3, window_bounds = array<i64: 1, 128>}, {transform_indices = @transform_4, window_bounds = array<i64: 1000, 128>}]} {
    %get3A = arith.constant 0 : index
    %get3A_0 = arith.constant 0 : index
    %get3A_1 = arith.constant 0 : index
    %get3A_2 = vector.load %arg3[%get3A, %get3A_0, %get3A_1] : memref<2x1000x128xf32, #tpu.memory_space<vmem>>, vector<2x1000x128xf32>
    %slice3A = vector.extract_strided_slice %get3A_2 {offsets = [0, 0, 0], sizes = [1, 1000, 1], strides = [1, 1, 1]} : vector<2x1000x128xf32> to vector<1x1000x1xf32>
    %squeeze3A = vector.shape_cast %slice3A : vector<1x1000x1xf32> to vector<1000x1xf32>
    %slice3A_3 = vector.extract_strided_slice %get3A_2 {offsets = [1, 0, 0], sizes = [1, 1000, 1], strides = [1, 1, 1]} : vector<2x1000x128xf32> to vector<1x1000x1xf32>
    %squeeze3A_4 = vector.shape_cast %slice3A_3 : vector<1x1000x1xf32> to vector<1000x1xf32>
    %add3A = arith.addf %squeeze3A, %squeeze3A_4 : vector<1000x1xf32>
    %add3A_5 = arith.constant 1.000000e+00 : f32
    %add3A_6 = vector.broadcast %add3A_5 : f32 to vector<1000x1xf32>
    %add3A_7 = arith.addf %add3A, %add3A_6 : vector<1000x1xf32>
    %rsqrt3A = math.rsqrt %add3A_7 : vector<1000x1xf32>
    %get3A_8 = arith.constant 0 : index
    %get3A_9 = arith.constant 0 : index
    %get3A_10 = arith.constant 0 : index
    %get3A_11 = vector.load %arg1[%get3A_8, %get3A_9, %get3A_10] : memref<2x1000x128xf32, #tpu.memory_space<vmem>>, vector<1x1000x128xf32>
    %get3A_12 = vector.shape_cast %get3A_11 : vector<1x1000x128xf32> to vector<1000x128xf32>
    %get3A_13 = arith.constant 1 : index
    %get3A_14 = arith.constant 0 : index
    %get3A_15 = arith.constant 0 : index
    %get3A_16 = vector.load %arg1[%get3A_13, %get3A_14, %get3A_15] : memref<2x1000x128xf32, #tpu.memory_space<vmem>>, vector<1x1000x128xf32>
    %get3A_17 = vector.shape_cast %get3A_16 : vector<1x1000x128xf32> to vector<1000x128xf32>
    %add3A_18 = arith.addf %get3A_12, %get3A_17 : vector<1000x128xf32>
    %get3A_19 = arith.constant 0 : index
    %get3A_20 = arith.constant 0 : index
    %get3A_21 = vector.load %arg2[%get3A_19, %get3A_20] : memref<1000x128xf32, #tpu.memory_space<vmem>>, vector<1000x128xf32>
    %add3A_22 = arith.addf %add3A_18, %get3A_21 : vector<1000x128xf32>
    %mul3A = vector.broadcast %rsqrt3A : vector<1000x1xf32> to vector<1000x128xf32>
    %mul3A_23 = arith.mulf %add3A_22, %mul3A : vector<1000x128xf32>
    %get3A_24 = arith.constant 0 : index
    %get3A_25 = arith.constant 0 : index
    %get3A_26 = vector.load %arg4[%get3A_24, %get3A_25] : memref<1x128xf32, #tpu.memory_space<vmem>>, vector<1x128xf32>
    %add3A_27 = vector.broadcast %get3A_26 : vector<1x128xf32> to vector<1000x128xf32>
    %add3A_28 = arith.addf %mul3A_23, %add3A_27 : vector<1000x128xf32>
    %reduce_max3A = arith.constant dense<0xFF800000> : vector<1000xf32>
    %reduce_max3A_29 = vector.multi_reduction <maximumf>, %add3A_28, %reduce_max3A [1] : vector<1000x128xf32> to vector<1000xf32>
    %broadcast_in_dim3A = vector.shape_cast %reduce_max3A_29 : vector<1000xf32> to vector<1000x1xf32>
    %sub3A = vector.broadcast %broadcast_in_dim3A : vector<1000x1xf32> to vector<1000x128xf32>
    %sub3A_30 = arith.subf %add3A_28, %sub3A : vector<1000x128xf32>
    %exp3A = math.exp %sub3A_30 : vector<1000x128xf32>
    %reduce_sum3A = arith.constant dense<0.000000e+00> : vector<1000xf32>
    %reduce_sum3A_31 = vector.multi_reduction <add>, %exp3A, %reduce_sum3A [1] : vector<1000x128xf32> to vector<1000xf32>
    %broadcast_in_dim3A_32 = vector.shape_cast %reduce_sum3A_31 : vector<1000xf32> to vector<1000x1xf32>
    %div3A = vector.broadcast %broadcast_in_dim3A_32 : vector<1000x1xf32> to vector<1000x128xf32>
    %div3A_33 = arith.divf %exp3A, %div3A : vector<1000x128xf32>
    %swap3A = arith.constant 0 : index
    %swap3A_34 = arith.constant 0 : index
    %swap3A_35 = vector.load %arg5[%swap3A, %swap3A_34] : memref<1000x128xf32, #tpu.memory_space<vmem>>, vector<1000x128xf32>
    tpu.vector_store %arg5[%swap3A, %swap3A_34], %div3A_33 {strides = array<i32>} : memref<1000x128xf32, #tpu.memory_space<vmem>>, vector<1000x128xf32>,
    return
  }
  func.func @transform_0(%arg0: i32) -> (i32, i32, i32) {
    %c0_i32 = arith.constant 0 : i32
    %c0_i32_0 = arith.constant 0 : i32
    %c0_i32_1 = arith.constant 0 : i32
    return %c0_i32, %arg0, %c0_i32_0 : i32, i32, i32
  }
  func.func @transform_1(%arg0: i32) -> (i32, i32) {
    %c0_i32 = arith.constant 0 : i32
    %c0_i32_0 = arith.constant 0 : i32
    return %arg0, %c0_i32 : i32, i32
  }
  func.func @transform_2(%arg0: i32) -> (i32, i32, i32) {
    %c0_i32 = arith.constant 0 : i32
    %c0_i32_0 = arith.constant 0 : i32
    %c0_i32_1 = arith.constant 0 : i32
    return %c0_i32, %arg0, %c0_i32_0 : i32, i32, i32
  }
  func.func @transform_3(%arg0: i32) -> (i32, i32) {
    %c0_i32 = arith.constant 0 : i32
    %c0_i32_0 = arith.constant 0 : i32
    %c0_i32_1 = arith.constant 0 : i32
    return %c0_i32, %c0_i32_0 : i32, i32
  }
  func.func @transform_4(%arg0: i32) -> (i32, i32) {
    %c0_i32 = arith.constant 0 : i32
    %c0_i32_0 = arith.constant 0 : i32
    return %arg0, %c0_i32 : i32, i32
  }
}

</mosaic_0001>

<sc_bundles>
// kernel: kernel.11.cloned.1.call-start
scs
__scs_entry_jumppad:
0x0: {  	(pc) =	sbr.rel $0x88, $3  }
0x1: {  	(tag) =	ssettag $0x0;
	lr =	simm.s32 $0x1  }
0x2: {  	[smem:$0x3F9B] =	sst lr;
	_ =	strace $0xD0000000  }
0x3: {  	_ = 	snop  }
0x4: {  	_ = 	snop  }
0x5: {  	_ = 	snop  }
0x6: {  	_ = 	snop  }
0x7: {  	_ = 	snop  }
__scs_overlays_trampoline_lowered:
0x8: {  	[smem:$0x3FAA] =	sst s0  }
0x9: {  	[smem:$0x3FAB] =	sst s1  }
0xa: {  	[smem:$0x3FAC] =	sst s2  }
0xb: {  	[smem:$0x3FAD] =	sst s3  }
0xc: {  	[smem:$0x3FAE] =	sst s4  }
0xd: {  	[smem:$0x3FAF] =	sst s5  }
0xe: {  	[smem:$0x3FB0] =	sst s6  }
0xf: {  	[smem:$0x3FB1] =	sst s7  }
0x10: {  	[smem:$0x3FB2] =	sst s8  }
0x11: {  	[smem:$0x3FB3] =	sst s9;
	s0 =	simm.s32 @!p0 $0x0  }
0x12: {  	s1 =	sld [smem:$0x3F99];
	s0 =	simm.s32 @p0 $0x1  }
0x13: {  	[smem:$0x3FB4] =	sst s0;
	s0 =	simm.s32 @!p1 $0x0  }
0x14: {  	s2 =	sld [smem:$0x3F98];
	s0 =	simm.s32 @p1 $0x1  }
0x15: {  	[smem:$0x3FB5] =	sst s0;
	s0 =	simm.s32 @!p2 $0x0  }
0x16: {  	s3 =	sld [smem:$0x3FDB];
	s0 =	simm.s32 @p2 $0x1  }
0x17: {  	s4 =	simm.s32 $0x1BF5;
	[smem:$0x3FB7] =	sst s0  }
0x18: {  	s0 =	sld [smem:$0x3F9A];
	_ =	swait.ge [sflag:s4], $0x0  }
0x19: {  	s7 =	sld [smem:$0x3F9B]  }
0x1a: {  	s8 =	sadd.s32 $0xFFFFE003, lr  }
0x1b: {  	s9 =	sadd.s32 $0xFFFFFEF7, lr;
	s5 =	simm.s32 $0xFFFFFFFF;
	p2 =	slt.u32 s8, $0xFFFFF086  }
0x1c: {  	p1 =	slt.u32 s9, $0xF7A;
	s5 =	simm.s32 @!p2 $0x0  }
0x1d: {  	s5 =	simm.s32 @p1 $0x1;
	p0 =	seq.s32 s7, s2  }
0x1e: {  	s7 =	smul.u32 @!p0 $0xF7A, s2;
	p2 =	seq.s32 @!p0 s5, $0x0  }
0x1f: {  	s9 =	smul.u32 $0xF7A, s1;
	s8 =	simm.s32 @!p0 $0x1BF5;
	p2 =	por !p2, p0  }
0x20: {  	[sflag:s8] =	ssyncset.s32 @!p0 $0xFFFFF086;
	s6 =	sadd.s32 @!p0 s3, s7;
	s7 =	simm.s32 @!p0 $0x108  }
0x21: {  	s3 =	sadd.s32 s3, s9;
	s6 =	sadd.s32 @!p0 $0x88, s6;
	s7 =	simm.s32 @p2 $0x1082  }
0x22: {  	[simem:s7], [sflag:s8] =	dma.local @!p0 [hbm:s6], $0xF7A  }
0x23: {  	s9 =	sor.u32 $0xD0000000, s2;
	s6 =	simm.s32 $0x108;
	_ =	swait.ge @!p0 [sflag:s8], $0x0  }
0x24: {  	s3 =	sadd.s32 $0x88, s3;
	s6 =	simm.s32 @!p1 $0x1082;
	[sflag:s4] =	ssyncset.s32 $0xFFFFF086  }
0x25: {  	[simem:s6], [sflag:s4] =	dma.local [hbm:s3], $0xF7A  }
0x26: {  	[smem:$0x3F9B] =	sst s1;
	(tag) =	ssettag s2;
	_ =	strace s9  }
0x27: {  	s1 =	sld [smem:$0x3FAB]  }
0x28: {  	s2 =	sld [smem:$0x3FAC]  }
0x29: {  	s4 =	sld [smem:$0x3FAE]  }
0x2a: {  	p0 =	seq.s32 s5, $0x0;
	s5 =	sld [smem:$0x3FAF]  }
0x2b: {  	s6 =	sld [smem:$0x3FB0]  }
0x2c: {  	s7 =	sld [smem:$0x3FB1]  }
0x2d: {  	s3 =	simm.s32 $0x108;
	s8 =	sld [smem:$0x3FB2]  }
0x2e: {  	s3 =	simm.s32 @!p0 $0x1082;
	s9 =	sld [smem:$0x3FB3]  }
0x2f: {  	lr =	sadd.s32 s0, s3;
	s0 =	sld [smem:$0x3FAA]  }
0x30: {  	s3 =	sld [smem:$0x3FAD]  }
0x31: {  	[smem:$0x3FB6] =	sst s10  }
0x32: {  	s10 =	sld [smem:$0x3FB4];
	_ =	sdelay $0x3  }
0x33: {  	p0 =	seq.s32 s10, $0x1;
	s10 =	sld [smem:$0x3FB6];
	_ =	sdelay $0x3  }
0x34: {  	[smem:$0x3FB6] =	sst s10  }
0x35: {  	s10 =	sld [smem:$0x3FB5];
	_ =	sdelay $0x3  }
0x36: {  	p1 =	seq.s32 s10, $0x1;
	s10 =	sld [smem:$0x3FB6];
	_ =	sdelay $0x3  }
0x37: {  	[smem:$0x3FB6] =	sst s10  }
0x38: {  	s10 =	sld [smem:$0x3FB7]  }
0x39: {  	_ = 	snop;
	(pc) =	sbr.ind lr, $3  }
0x3a: {  	_ = 	snop  }
0x3b: {  	_ = 	snop  }
0x3c: {  	p2 =	seq.s32 s10, $0x1;
	s10 =	sld [smem:$0x3FB6]  }
0x3d: {  	_ =	shalt  }
0x3e: {  	_ =	shalt  }
0x3f: {  	_ =	shalt  }
0x40: {  	_ =	shalt  }
0x41: {  	_ =	shalt  }
0x42: {  	_ =	shalt  }
0x43: {  	_ =	shalt  }
0x44: {  	_ =	shalt  }
0x45: {  	_ =	shalt  }
0x46: {  	_ =	shalt  }
0x47: {  	_ =	shalt  }
0x48: {  	_ =	shalt  }
0x49: {  	_ =	shalt  }
0x4a: {  	_ =	shalt  }
0x4b: {  	_ =	shalt  }
0x4c: {  	_ =	shalt  }
0x4d: {  	_ =	shalt  }
0x4e: {  	_ =	shalt  }
0x4f: {  	_ =	shalt  }
0x50: {  	_ =	shalt  }
0x51: {  	_ =	shalt  }
0x52: {  	_ =	shalt  }
0x53: {  	_ =	shalt  }
0x54: {  	_ =	shalt  }
0x55: {  	_ =	shalt  }
0x56: {  	_ =	shalt  }
0x57: {  	_ =	shalt  }
0x58: {  	_ =	shalt  }
0x59: {  	_ =	shalt  }
0x5a: {  	_ =	shalt  }
0x5b: {  	_ =	shalt  }
0x5c: {  	_ =	shalt  }
0x5d: {  	_ =	shalt  }
0x5e: {  	_ =	shalt  }
0x5f: {  	_ =	shalt  }
0x60: {  	_ =	shalt  }
0x61: {  	_ =	shalt  }
0x62: {  	_ =	shalt  }
0x63: {  	_ =	shalt  }
0x64: {  	_ =	shalt  }
0x65: {  	_ =	shalt  }
0x66: {  	_ =	shalt  }
0x67: {  	_ =	shalt  }
0x68: {  	_ =	shalt  }
0x69: {  	_ =	shalt  }
0x6a: {  	_ =	shalt  }
0x6b: {  	_ =	shalt  }
0x6c: {  	_ =	shalt  }
0x6d: {  	_ =	shalt  }
0x6e: {  	_ =	shalt  }
0x6f: {  	_ =	shalt  }
0x70: {  	_ =	shalt  }
0x71: {  	_ =	shalt  }
0x72: {  	_ =	shalt  }
0x73: {  	_ =	shalt  }
0x74: {  	_ =	shalt  }
0x75: {  	_ =	shalt  }
0x76: {  	_ =	shalt  }
0x77: {  	_ =	shalt  }
0x78: {  	_ =	shalt  }
0x79: {  	_ =	shalt  }
0x7a: {  	_ =	shalt  }
0x7b: {  	_ =	shalt  }
0x7c: {  	_ =	shalt  }
0x7d: {  	_ =	shalt  }
0x7e: {  	_ =	shalt  }
0x7f: {  	_ =	shalt  }
0x80: {  	_ =	shalt  }
0x81: {  	_ =	shalt  }
0x82: {  	_ =	shalt  }
0x83: {  	_ =	shalt  }
0x84: {  	_ =	shalt  }
0x85: {  	_ =	shalt  }
0x86: {  	_ =	shalt  }
0x87: {  	_ =	shalt  }
.Lfunc_end0:
.L_simem_size_0:
called_computation.1_lowered:
.L_overlay_start_0:
0x88: {  	s2 =	sld [smem:$0x3FD9]  }
0x89: {  	s3 =	sld [smem:$0x3FFE];
	_ =	sdelay $0x1  }
0x8a: {  	s1 =	srdreg.scid  }
0x8b: {  	s0 =	sand.u32 $0x1, s1  }
0x8c: {  	s17 =	sshll.u32 s0, $0xA;
	s2 =	sadd.s32 s3, s2  }
0x8d: {  	s2 =	sadd.s32 s2, s17  }
0x8e: {  	[smem:$0x3FC2] =	sst s2  }
0x8f: {  	_ = 	snop  }
0x90: {  	s2 =	sld [smem:$0x3FD0];
	(tm) =	ssettm $0x1  }
0x91: {  	s18 =	sld [smem:$0x3FFB];
	_ =	sdelay $0x3  }
0x92: {  	_ =	strace s18  }
0x93: {  	s3 =	sld [smem:$0x3FFC];
	_ =	sdelay $0x3  }
0x94: {  	_ =	strace s3  }
0x95: {  	s3 =	sld [smem:$0x3FFD];
	_ =	sdelay $0x3  }
0x96: {  	_ =	strace s3  }
0x97: {  	_ =	strace $0x8FFFFFFF  }
0x98: {  	s19 =	sld [smem:$0x3FDB];
	_ =	sdelay $0x1  }
0x99: {  	s4 =	simm.s32 $_scs_section_size  }
0x9a: {  	s5 =	simm.s32 $_size__tile_overlayer_lowered;
	s6 =	simm.s32 $_tile_overlayer_lowered  }
0x9b: {  	s22 =	simm.s32 $0x1BFF;
	s21 =	sshll.u32 s6, $0x1;
	s3 =	sadd.s32 s4, s19  }
0x9c: {  	s7 =	simm.s32 $0x0;
	s20 =	sshll.u32 s5, $0x1;
	s5 =	sadd.s32 s21, s3  }
0x9d: {  	[timem:s7], [sflag:s22] =	dma.local [hbm:s5], s20  }
0x9e: {  	_ =	swait.ge [sflag:s22], s20  }
0x9f: {  	s4 =	ssub.s32 $0x0, s20;
	[sflag:s22] =	ssyncset.done $0x0  }
0xa0: {  	[sflag:s22] =	ssyncadd.s32 s4;
	_ =	sdelay $0x1  }
0xa1: {  	s23 =	simm.s32 $0x1B8B  }
0xa2: {  	_ =	swait.ge [sflag:s23], $0x1  }
0xa3: {  	[sflag:s23] =	ssyncset.done $0x0  }
0xa4: {  	s25 =	simm.s32 $0x1B8E;
	s24 =	sld [smem:$0x3FFE];
	[sflag:s23] =	ssyncadd.s32 $0xFFFFFFFF  }
0xa5: {  	s26 =	simm.s32 $execute0_lowered;
	[smem:$0x3FD2] =	sst s25  }
0xa6: {  	s5 =	sshll.u32 s26, $0x1;
	_ =	strace $0x80000049;
	[dreg:$0x1] =	wrdreg $0xFFFFFFFF  }
0xa7: {  	s28 =	simm.s32 $_size_execute0_lowered;
	s3 =	sadd.s32 s3, s5;
	[dreg:$0x0] =	wrdreg $0x0  }
0xa8: {  	s5 =	sshll.u32 s28, $0x1;
	[dreg:$0x2] =	wrdreg s3  }
0xa9: {  	[dreg:$0x3] =	wrdreg s5  }
0xaa: {  	[dreg:$0x4] =	wrdreg $0xC0  }
0xab: {  	_ =	task [dreg:s7], $0x5FFFF  }
0xac: {  	[dreg:$0x1] =	wrdreg $0xFFFFFFFF  }
0xad: {  	[dreg:$0x0] =	wrdreg $0x60  }
0xae: {  	[dreg:$0x2] =	wrdreg s2  }
0xaf: {  	[dreg:$0x3] =	wrdreg s24  }
0xb0: {  	[dreg:$0x4] =	wrdreg $0xA8000  }
0xb1: {  	[dreg:$0x5] =	wrdreg $0x9  }
0xb2: {  	_ =	task.clear_ibuf [dreg:s7], $0x6FFFF;
	_ =	strace $0x90000049  }
0xb3: {  	s29 =	simm.s32 $0x9;
	_ =	strace $0x8000004B  }
0xb4: {  	_ =	swait.ge [sflag:s29], $0x1  }
0xb5: {  	[sflag:s29] =	ssyncadd.s32 $0xFFFFFFFF  }
0xb6: {  	_ =	strace $0x9000004B  }
0xb7: {  	_ =	sfence  }
0xb8: {  	s30 =	sld [smem:$0x0];
	_ =	sdelay $0x2  }
0xb9: {  	s31 =	sshll.u32 s1, $0xD;
	s1 =	sshrl.u32 s1, $0x2  }
0xba: {  	s3 =	sand.u32 $0x4000, s31;
	s1 =	sadd.s32 s1, s30  }
0xbb: {  	s0 =	sor.u32 s3, s0;
	s1 =	sshll.u32 s1, $0x11  }
0xbc: {  	s0 =	sor.u32 s1, s0  }
0xbd: {  	s0 =	sadd.s32 $0x8F2B, s0  }
0xbe: {  	[sflag:s0] =	ssyncadd.remote.s32 $0x1  }
0xbf: {  	_ =	sfence.sel $0xFFFF  }
0xc0: {  	[dreg:$0x0] =	wrdreg $0xFFFFFFFF;
	(pc) =	sbr.abs _section_cstart, $3  }
0xc1: {  	[dreg:$0x1] =	wrdreg $0xFFFFFFFF  }
0xc2: {  	_ =	task.clear_ibuf [dreg:s7], $0x2FFFF;
	_ =	strace $0x9FFFFFFF  }
0xc3: {  	(tm) =	ssettm $0x7FFFFFFF  }
tec
execute0_lowered:
.L_overlay_start_1:
0x0: {  	(tag) =	ssettag $0x1  }
0x1: {  	s1 =	rddreg [dreg:$0x0]  }
0x2: {  	s0 =	rddreg [dreg:$0x1]  }
0x3: {  	s2 =	rddreg [dreg:$0x2];
	s3 =	simm.s32 $0x0  }
0x4: {  	s4 =	srdreg.scid;
	s14 =	stileid.u32;
	s29 =	simm.s32 $0x20  }
0x5: {  	s30 =	simm.s32 $0x3800;
	s31 =	simm.s32 $0x2780;
	[smem:$0x7FF] =	sst s3  }
0x6: {  	s4 =	sand.u32 $0x1, s4;
	s6 =	sadd.s32 $0x2A00, s0;
	s9 =	smul.u32 $0x5, s14  }
0x7: {  	s10 =	sadd.s32 $0xCA00, s0;
	s23 =	smul.u32 $0x14000, s14;
	p0 =	sne.s32 s14, $0xF  }
0x8: {  	p2 =	seq.s32 s14, $0xF;
	_ =	strace $0x8000004A;
	s5 =	sshll.u32 s4, $0x4  }
0x9: {  	s8 =	ssub.s32 $0x2, s4;
	p1 =	sne.s32 @p0 s14, $0x0;
	s7 =	sor.u32 s14, s5  }
0xa: {  	s5 =	sadd.s32 $0x64C00, s0;
	s28 =	sshrl.u32 s8, $0x1;
	s20 =	sshll.u32 s9, $0xE  }
0xb: {  	s24 =	sadd.s32 $0x4, s9;
	p1 =	por p1, !p0;
	s11 =	smul.u32 $0x500, s7  }
0xc: {  	s12 =	smul.u32 $0x2800, s7;
	s0 =	ssub.s32 s8, s28;
	s8 =	sadd.s32 $0x138800, s2  }
0xd: {  	s7 =	smul.u32 $0x138800, s4;
	s21 =	sadd.s32 $0x4000, s20;
	s22 =	sadd.s32 $0x8000, s20  }
0xe: {  	[dreg:$0xb] =	wrdreg s24;
	s26 =	sshll.u32 s24, $0xE;
	s24 =	simm.s32 $0x2700  }
0xf: {  	[dreg:$0x4] =	wrdreg s8;
	s8 =	sadd.s32 $0x138000, s2;
	s0 =	smax.u32 s0, $0x1  }
0x10: {  	s13 =	sadd.s32 s6, s11;
	s15 =	sshrl.u32 s12, $0x3;
	s16 =	sshrl.u32 s7, $0x3  }
0x11: {  	s11 =	sadd.s32 s10, s11;
	[dreg:$0xa] =	wrdreg s0;
	s0 =	sadd.s32 $0xC000, s20  }
0x12: {  	s25 =	sadd.s32 s7, s23;
	s28 =	sadd.s32 s7, s22;
	s12 =	simm.s32 $0x9800  }
0x13: {  	s20 =	simm.s32 $0x2;
	[dreg:$0x5] =	wrdreg s13;
	s4 =	sadd.s32 $0x280, s15  }
0x14: {  	s13 =	smul.u32 $0x50000, s14;
	[dreg:$0x6] =	wrdreg s11;
	s17 =	sadd.s32 s5, s16  }
0x15: {  	s16 =	sadd.s32 s21, s2;
	s9 =	sshrl.u32 s25, $0x3;
	s25 =	simm.s32 $0x2800  }
0x16: {  	s11 =	simm.s32 $0x8800;
	s14 =	simm.s32 $0x80;
	s6 =	sadd.s32 s6, s4  }
0x17: {  	s4 =	sadd.s32 s10, s4;
	s18 =	sadd.s32 $0x27000, s17;
	[dreg:$0x7] =	wrdreg s6  }
0x18: {  	s17 =	sadd.s32 s22, s2;
	s10 =	sadd.s32 s26, s2;
	[dreg:$0x8] =	wrdreg s4  }
0x19: {  	s9 =	sadd.s32 s5, s9;
	s26 =	simm.s32 $0x3;
	[dreg:$0x9] =	wrdreg s18  }
0x1a: {  	s19 =	sshrl.u32 s13, $0x2;
	s18 =	sadd.s32 s0, s2;
	[dreg:$0xc] =	wrdreg s10  }
0x1b: {  	s4 =	sadd.s32 s7, s21;
	[dreg:$0xd] =	wrdreg s9;
	s0 =	sadd.s32 s7, s0  }
0x1c: {  	s6 =	simm.s32 $0x5800;
	s9 =	simm.s32 $0x6800;
	s4 =	sshrl.u32 s4, $0x3  }
0x1d: {  	s10 =	simm.s32 $0x7800;
	s0 =	sshrl.u32 s0, $0x3;
	s4 =	sadd.s32 s5, s4  }
0x1e: {  	s0 =	sadd.s32 s5, s0;
	[dreg:$0xe] =	wrdreg s4;
	s4 =	sshrl.u32 s28, $0x3  }
0x1f: {  	s13 =	simm.s32 $0x1;
	[dreg:$0x10] =	wrdreg s0;
	s4 =	sadd.s32 s5, s4  }
0x20: {  	v0 =	vimm.f32 $0.0e+00;
	s15 =	sadd.s32 s19, s2;
	s0 =	simm.s32 $0x4800;
	[dreg:$0xf] =	wrdreg s4  }
.LBB2_1:
0x21: {  	s4 =	simm.s32 $0x0;
	s19 =	simm.s32 $0x200  }
.LBB2_2:
0x22: {  	p3 =	sne.s32 s19, $0xFE00;
	[tilespmem:s4+$0x2870] =	vst v0  }
0x23: {  	[tilespmem:s4+$0x2800] =	vst v0  }
0x24: {  	[tilespmem:s4+$0x2810] =	vst v0  }
.Ltmp0:
0x25: {  	[tilespmem:s4+$0x2820] =	vst v0;
	(pc) =	sbr.rel @p3 .LBB2_2-.Ltmp0, $4  }
0x26: {  	[tilespmem:s4+$0x2830] =	vst v0  }
0x27: {  	[tilespmem:s4+$0x2840] =	vst v0  }
0x28: {  	[tilespmem:s4+$0x2850] =	vst v0  }
0x29: {  	[tilespmem:s4+$0x2860] =	vst v0;
	s4 =	sshra.s32 s19, $0x2;
	s19 =	sadd.s32 $0x200, s19  }
0x2a: {  	[tilespmem:s4+$0x2870] =	vst v0  }
0x2b: {  	[tilespmem:s4+$0x2800] =	vst v0  }
0x2c: {  	[tilespmem:s4+$0x2810] =	vst v0  }
0x2d: {  	[tilespmem:s4+$0x2820] =	vst v0  }
0x2e: {  	[tilespmem:s4+$0x2830] =	vst v0  }
0x2f: {  	[tilespmem:s4+$0x2840] =	vst v0  }
0x30: {  	[tilespmem:s4+$0x2850] =	vst v0  }
0x31: {  	[tilespmem:s4+$0x2860] =	vst v0  }
0x32: {  	[spmem:s15] =	stream.linear.scatter [tilespmem:s25], [sflag:$0x3], $0x4000, $0x38;
	[tilespmem:$0x1E0C0] =	vst v63  }
0x33: {  	_ =	swait.ge [sflag:s26], $0x4000  }
0x34: {  	[sflag:s26] =	ssyncset.done $0x0  }
0x35: {  	[sflag:s26] =	ssyncadd.s32 $0xFFFFC000  }
0x36: {  	[spmem:s16] =	stream.linear.scatter [tilespmem:s25], [sflag:$0x3], $0x4000, $0x38;
	[tilespmem:$0x1E0C0] =	vst v63  }
0x37: {  	_ =	swait.ge [sflag:s26], $0x4000  }
0x38: {  	[sflag:s26] =	ssyncset.done $0x0  }
0x39: {  	[sflag:s26] =	ssyncadd.s32 $0xFFFFC000  }
0x3a: {  	[spmem:s17] =	stream.linear.scatter [tilespmem:s25], [sflag:$0x3], $0x4000, $0x38;
	[tilespmem:$0x1E0C0] =	vst v63  }
0x3b: {  	_ =	swait.ge [sflag:s26], $0x4000  }
0x3c: {  	[sflag:s26] =	ssyncset.done $0x0  }
0x3d: {  	s4 =	simm.s32 @p0 $0x2800;
	s19 =	simm.s32 @p0 $0x3;
	[sflag:s26] =	ssyncadd.s32 $0xFFFFC000  }
0x3e: {  	[spmem:s18] =	stream.linear.scatter @p0 [tilespmem:s4], [sflag:$0x3], $0x4000, $0x38;
	[tilespmem:$0x1E0C0] =	vst v63  }
0x3f: {  	_ =	swait.ge @p0 [sflag:s19], $0x4000  }
0x40: {  	[sflag:s19] =	ssyncset.done @p0 $0x0  }
0x41: {  	s21 =	rddreg [dreg:$0xc];
	[sflag:s19] =	ssyncadd.s32 @p0 $0xFFFFC000  }
0x42: {  	[spmem:s21] =	stream.linear.scatter @p0 [tilespmem:s4], [sflag:$0x3], $0x4000, $0x38;
	[tilespmem:$0x1E0C0] =	vst v63  }
0x43: {  	_ =	swait.ge @p0 [sflag:s19], $0x4000  }
0x44: {  	[sflag:s19] =	ssyncset.done @p0 $0x0  }
0x45: {  	s4 =	simm.s32 @!p1 $0x2800;
	[sflag:s19] =	ssyncadd.s32 @p0 $0xFFFFC000;
	s19 =	rddreg [dreg:$0x4]  }
0x46: {  	[spmem:s19] =	stream.linear.scatter @!p1 [tilespmem:s4], [sflag:$0x3], $0x400, $0x38;
	[tilespmem:$0x1E0C0] =	vst v63  }
0x47: {  	s4 =	simm.s32 @!p1 $0x3  }
0x48: {  	_ =	swait.ge @!p1 [sflag:s4], $0x400  }
0x49: {  	[sflag:s4] =	ssyncset.done @!p1 $0x0  }
0x4a: {  	[sflag:s4] =	ssyncadd.s32 @!p1 $0xFFFFFC00;
	s4 =	simm.s32 @!p0 $0x2800  }
0x4b: {  	[spmem:s8] =	stream.linear.scatter @!p0 [tilespmem:s4], [sflag:$0x3], $0x800, $0x38;
	[tilespmem:$0x1E0C0] =	vst v63  }
0x4c: {  	s4 =	simm.s32 @!p0 $0x3  }
0x4d: {  	_ =	swait.ge @!p0 [sflag:s4], $0x800  }
0x4e: {  	[sflag:s4] =	ssyncset.done @!p0 $0x0  }
0x4f: {  	[sflag:s4] =	ssyncadd.s32 @!p0 $0xFFFFF800  }
0x50: {  	[bflag:$0x0] =	sbarrier.arrive $0xFFFF  }
0x51: {  	s23 =	simm.s32 $0x0;
	s28 =	rddreg [dreg:$0x5]  }
0x52: {  	[tilespmem:s23], [sflag:$0x3] =	stream.linear.gather [hbm4b:s28+s23], $0x1400, $0x38;
	[tilespmem:$0x1E0C0] =	vst v63  }
0x53: {  	_ =	swait.ge [sflag:s26], $0x1400  }
0x54: {  	[sflag:s26] =	ssyncset.done $0x0  }
0x55: {  	s22 =	simm.s32 $0x1400;
	s21 =	rddreg [dreg:$0x6];
	[sflag:s26] =	ssyncadd.s32 $0xFFFFEC00  }
0x56: {  	[tilespmem:s22], [sflag:$0x3] =	stream.linear.gather [hbm4b:s21+s23], $0x1400, $0x38;
	[tilespmem:$0x1E0C0] =	vst v63  }
0x57: {  	_ =	swait.ge [sflag:s26], $0x1400  }
0x58: {  	[sflag:s26] =	ssyncset.done $0x0  }
0x59: {  	[sflag:s26] =	ssyncadd.s32 $0xFFFFEC00  }
0x5a: {  	[tilespmem:s25], [sflag:$0x1] =	stream.indirect.gather [hbm4b:s1+s29], $0x80, s23, s29, $0xb8;
	[tilespmem:$0x1E0C0] =	vst v63  }
0x5b: {  	_ = 	snop  }
0x5c: {  	[tilespmem:s30], [sflag:$0x1] =	stream.indirect.gather [hbm4b:s1+s29], $0x80, s29, s29, $0xb8;
	[tilespmem:$0x1E0C0] =	vst v63  }
0x5d: {  	s23 =	simm.s32 $0x40  }
0x5e: {  	[tilespmem:s0], [sflag:$0x1] =	stream.indirect.gather [hbm4b:s1+s29], $0x80, s23, s29, $0xb8;
	[tilespmem:$0x1E0C0] =	vst v63  }
0x5f: {  	s28 =	simm.s32 $0x60  }
0x60: {  	[tilespmem:s6], [sflag:$0x1] =	stream.indirect.gather [hbm4b:s1+s29], $0x80, s28, s29, $0xb8;
	[tilespmem:$0x1E0C0] =	vst v63  }
0x61: {  	s19 =	simm.s32 $0x80  }
0x62: {  	[tilespmem:s9], [sflag:$0x2] =	stream.indirect.gather [hbm4b:s1+s29], $0x80, s19, s29, $0xb8;
	[tilespmem:$0x1E0C0] =	vst v63  }
0x63: {  	s21 =	simm.s32 $0xA0  }
0x64: {  	[tilespmem:s10], [sflag:$0x2] =	stream.indirect.gather [hbm4b:s1+s29], $0x80, s21, s29, $0xb8;
	[tilespmem:$0x1E0C0] =	vst v63  }
0x65: {  	s22 =	simm.s32 $0xC0  }
0x66: {  	[tilespmem:s11], [sflag:$0x2] =	stream.indirect.gather [hbm4b:s1+s29], $0x80, s22, s29, $0xb8;
	[tilespmem:$0x1E0C0] =	vst v63  }
0x67: {  	s23 =	simm.s32 $0xE0  }
0x68: {  	[tilespmem:s12], [sflag:$0x2] =	stream.indirect.gather [hbm4b:s1+s29], $0x80, s23, s29, $0xb8;
	[tilespmem:$0x1E0C0] =	vst v63  }
0x69: {  	_ =	swait.ge [sflag:s13], $0x4000  }
0x6a: {  	[sflag:s13] =	ssyncset.done $0x0  }
0x6b: {  	s28 =	simm.s32 $0x1400;
	[sflag:s13] =	ssyncadd.s32 $0xFFFFC000  }
0x6c: {  	[spmem:s2] =	stream.indirect.scatter.add.f32 [tilespmem:s25], [sflag:$0x3], $0x80, s28, s14, $0xb8;
	[tilespmem:$0x1E0C0] =	vst v63  }
0x6d: {  	_ =	swait.ge [sflag:s26], $0x4000  }
0x6e: {  	[sflag:s26] =	ssyncset.done $0x0  }
0x6f: {  	s19 =	simm.s32 $0x100;
	[sflag:s26] =	ssyncadd.s32 $0xFFFFC000  }
0x70: {  	[tilespmem:s25], [sflag:$0x1] =	stream.indirect.gather [hbm4b:s1+s29], $0x80, s19, s29, $0xb8;
	[tilespmem:$0x1E0C0] =	vst v63  }
0x71: {  	s21 =	simm.s32 $0x120  }
0x72: {  	[tilespmem:s30], [sflag:$0x1] =	stream.indirect.gather [hbm4b:s1+s29], $0x80, s21, s29, $0xb8;
	[tilespmem:$0x1E0C0] =	vst v63  }
0x73: {  	s22 =	simm.s32 $0x140  }
0x74: {  	[tilespmem:s0], [sflag:$0x1] =	stream.indirect.gather [hbm4b:s1+s29], $0x80, s22, s29, $0xb8;
	[tilespmem:$0x1E0C0] =	vst v63  }
0x75: {  	s23 =	simm.s32 $0x160  }
0x76: {  	[tilespmem:s6], [sflag:$0x1] =	stream.indirect.gather [hbm4b:s1+s29], $0x80, s23, s29, $0xb8;
	[tilespmem:$0x1E0C0] =	vst v63  }
0x77: {  	_ =	swait.ge [sflag:s20], $0x4000  }
0x78: {  	[sflag:s20] =	ssyncset.done $0x0  }
0x79: {  	s28 =	simm.s32 $0x1480;
	[sflag:s20] =	ssyncadd.s32 $0xFFFFC000  }
0x7a: {  	[spmem:s2] =	stream.indirect.scatter.add.f32 [tilespmem:s9], [sflag:$0x3], $0x80, s28, s14, $0xb8;
	[tilespmem:$0x1E0C0] =	vst v63  }
0x7b: {  	s4 =	simm.s32 $0x100;
	s19 =	rddreg [dreg:$0xb];
	_ =	swait.ge [sflag:s26], $0x4000  }
0x7c: {  	s21 =	simm.s32 $0x800;
	s19 =	simm.s32 @!p0 $0x4F;
	[sflag:s26] =	ssyncset.done $0x0  }
.LBB2_4:
0x7d: {  	s22 =	sadd.s32 $0x80, s4  }
0x7e: {  	[sflag:s26] =	ssyncadd.s32 $0xFFFFC000;
	s28 =	smov.u32 s21;
	s23 =	sadd.s32 $0x400, s21  }
0x7f: {  	[tilespmem:s9], [sflag:$0x2] =	stream.indirect.gather [hbm4b:s1+s29], $0x80, s22, s29, $0xb8;
	[tilespmem:$0x1E0C0] =	vst v63  }
0x80: {  	p3 =	sne.s32 s21, $0x4800;
	s21 =	sadd.s32 $0xA0, s4  }
0x81: {  	[tilespmem:s10], [sflag:$0x2] =	stream.indirect.gather [hbm4b:s1+s29], $0x80, s21, s29, $0xb8;
	[tilespmem:$0x1E0C0] =	vst v63  }
0x82: {  	s21 =	sadd.s32 $0xC0, s4  }
0x83: {  	[tilespmem:s11], [sflag:$0x2] =	stream.indirect.gather [hbm4b:s1+s29], $0x80, s21, s29, $0xb8;
	[tilespmem:$0x1E0C0] =	vst v63  }
0x84: {  	s21 =	sadd.s32 $0xE0, s4  }
0x85: {  	[tilespmem:s12], [sflag:$0x2] =	stream.indirect.gather [hbm4b:s1+s29], $0x80, s21, s29, $0xb8;
	[tilespmem:$0x1E0C0] =	vst v63  }
0x86: {  	_ =	swait.ge [sflag:s13], $0x4000  }
0x87: {  	[sflag:s13] =	ssyncset.done $0x0  }
0x88: {  	s21 =	sadd.s32 $0x1400, s4;
	[sflag:s13] =	ssyncadd.s32 $0xFFFFC000  }
0x89: {  	[spmem:s2] =	stream.indirect.scatter.add.f32 [tilespmem:s25], [sflag:$0x3], $0x80, s21, s14, $0xb8;
	[tilespmem:$0x1E0C0] =	vst v63  }
0x8a: {  	_ =	swait.ge [sflag:s26], $0x4000  }
0x8b: {  	[sflag:s26] =	ssyncset.done $0x0  }
0x8c: {  	s21 =	sadd.s32 $0x100, s4;
	[sflag:s26] =	ssyncadd.s32 $0xFFFFC000  }
0x8d: {  	[tilespmem:s25], [sflag:$0x1] =	stream.indirect.gather [hbm4b:s1+s29], $0x80, s21, s29, $0xb8;
	[tilespmem:$0x1E0C0] =	vst v63  }
0x8e: {  	s21 =	sadd.s32 $0x120, s4  }
0x8f: {  	[tilespmem:s30], [sflag:$0x1] =	stream.indirect.gather [hbm4b:s1+s29], $0x80, s21, s29, $0xb8;
	[tilespmem:$0x1E0C0] =	vst v63  }
0x90: {  	s21 =	sadd.s32 $0x140, s4  }
0x91: {  	[tilespmem:s0], [sflag:$0x1] =	stream.indirect.gather [hbm4b:s1+s29], $0x80, s21, s29, $0xb8;
	[tilespmem:$0x1E0C0] =	vst v63  }
0x92: {  	s21 =	sadd.s32 $0x160, s4  }
0x93: {  	[tilespmem:s6], [sflag:$0x1] =	stream.indirect.gather [hbm4b:s1+s29], $0x80, s21, s29, $0xb8;
	[tilespmem:$0x1E0C0] =	vst v63  }
0x94: {  	_ =	swait.ge [sflag:s20], $0x4000  }
.Ltmp1:
0x95: {  	[sflag:s20] =	ssyncset.done $0x0;
	(pc) =	sbr.rel @p3 .LBB2_4-.Ltmp1, $4  }
0x96: {  	s4 =	sadd.s32 $0x1480, s4;
	[sflag:s20] =	ssyncadd.s32 $0xFFFFC000  }
0x97: {  	[spmem:s2] =	stream.indirect.scatter.add.f32 [tilespmem:s9], [sflag:$0x3], $0x80, s4, s14, $0xb8;
	[tilespmem:$0x1E0C0] =	vst v63  }
0x98: {  	_ =	swait.ge [sflag:s26], $0x4000  }
0x99: {  	s21 =	smov.u32 s23;
	s4 =	sshra.s32 s28, $0x2;
	[sflag:s26] =	ssyncset.done $0x0  }
0x9a: {  	s21 =	sadd.s32 $0x80, s4;
	[sflag:s26] =	ssyncadd.s32 $0xFFFFC000  }
0x9b: {  	[tilespmem:s9], [sflag:$0x2] =	stream.indirect.gather [hbm4b:s1+s29], $0x80, s21, s29, $0xb8;
	[tilespmem:$0x1E0C0] =	vst v63  }
0x9c: {  	s23 =	sadd.s32 $0xA0, s4  }
0x9d: {  	[tilespmem:s10], [sflag:$0x2] =	stream.indirect.gather [hbm4b:s1+s29], $0x80, s23, s29, $0xb8;
	[tilespmem:$0x1E0C0] =	vst v63  }
0x9e: {  	s28 =	sadd.s32 $0xC0, s4  }
0x9f: {  	[tilespmem:s11], [sflag:$0x2] =	stream.indirect.gather [hbm4b:s1+s29], $0x80, s28, s29, $0xb8;
	[tilespmem:$0x1E0C0] =	vst v63  }
0xa0: {  	s22 =	sadd.s32 $0xE0, s4  }
0xa1: {  	[tilespmem:s12], [sflag:$0x2] =	stream.indirect.gather [hbm4b:s1+s29], $0x80, s22, s29, $0xb8;
	[tilespmem:$0x1E0C0] =	vst v63  }
0xa2: {  	_ =	swait.ge [sflag:s13], $0x4000  }
0xa3: {  	[sflag:s13] =	ssyncset.done $0x0  }
0xa4: {  	s23 =	sadd.s32 $0x1400, s4;
	[sflag:s13] =	ssyncadd.s32 $0xFFFFC000  }
0xa5: {  	[spmem:s2] =	stream.indirect.scatter.add.f32 [tilespmem:s25], [sflag:$0x3], $0x80, s23, s14, $0xb8;
	[tilespmem:$0x1E0C0] =	vst v63  }
0xa6: {  	_ =	swait.ge [sflag:s26], $0x4000  }
0xa7: {  	[sflag:s26] =	ssyncset.done $0x0  }
0xa8: {  	s28 =	sadd.s32 $0x100, s4;
	[sflag:s26] =	ssyncadd.s32 $0xFFFFC000  }
0xa9: {  	[tilespmem:s25], [sflag:$0x1] =	stream.indirect.gather [hbm4b:s1+s29], $0x80, s28, s29, $0xb8;
	[tilespmem:$0x1E0C0] =	vst v63  }
0xaa: {  	s22 =	sadd.s32 $0x120, s4  }
0xab: {  	[tilespmem:s30], [sflag:$0x1] =	stream.indirect.gather [hbm4b:s1+s29], $0x80, s22, s29, $0xb8;
	[tilespmem:$0x1E0C0] =	vst v63  }
0xac: {  	s23 =	sadd.s32 $0x140, s4  }
0xad: {  	[tilespmem:s0], [sflag:$0x1] =	stream.indirect.gather [hbm4b:s1+s29], $0x80, s23, s29, $0xb8;
	[tilespmem:$0x1E0C0] =	vst v63  }
0xae: {  	s28 =	sadd.s32 $0x160, s4  }
0xaf: {  	[tilespmem:s6], [sflag:$0x1] =	stream.indirect.gather [hbm4b:s1+s29], $0x80, s28, s29, $0xb8;
	[tilespmem:$0x1E0C0] =	vst v63  }
0xb0: {  	_ =	swait.ge [sflag:s20], $0x4000  }
0xb1: {  	[sflag:s20] =	ssyncset.done $0x0  }
0xb2: {  	s22 =	sadd.s32 $0x1480, s4;
	[sflag:s20] =	ssyncadd.s32 $0xFFFFC000  }
0xb3: {  	[spmem:s2] =	stream.indirect.scatter.add.f32 [tilespmem:s9], [sflag:$0x3], $0x80, s22, s14, $0xb8;
	[tilespmem:$0x1E0C0] =	vst v63  }
0xb4: {  	_ =	swait.ge [sflag:s26], $0x4000  }
0xb5: {  	[sflag:s26] =	ssyncset.done $0x0  }
0xb6: {  	s23 =	simm.s32 $0x1380;
	[sflag:s26] =	ssyncadd.s32 $0xFFFFC000  }
0xb7: {  	[tilespmem:s9], [sflag:$0x2] =	stream.indirect.gather [hbm4b:s1+s29], $0x80, s23, s29, $0xb8;
	[tilespmem:$0x1E0C0] =	vst v63  }
0xb8: {  	s28 =	simm.s32 $0x13A0  }
0xb9: {  	[tilespmem:s10], [sflag:$0x2] =	stream.indirect.gather [hbm4b:s1+s29], $0x80, s28, s29, $0xb8;
	[tilespmem:$0x1E0C0] =	vst v63  }
0xba: {  	s21 =	simm.s32 $0x13C0  }
0xbb: {  	[tilespmem:s11], [sflag:$0x2] =	stream.indirect.gather [hbm4b:s1+s29], $0x80, s21, s29, $0xb8;
	[tilespmem:$0x1E0C0] =	vst v63  }
0xbc: {  	s22 =	simm.s32 $0x13E0  }
0xbd: {  	[tilespmem:s12], [sflag:$0x2] =	stream.indirect.gather [hbm4b:s1+s29], $0x80, s22, s29, $0xb8;
	[tilespmem:$0x1E0C0] =	vst v63  }
0xbe: {  	_ =	swait.ge [sflag:s13], $0x4000  }
0xbf: {  	[sflag:s13] =	ssyncset.done $0x0  }
0xc0: {  	[sflag:s13] =	ssyncadd.s32 $0xFFFFC000  }
0xc1: {  	[spmem:s2] =	stream.indirect.scatter.add.f32 [tilespmem:s25], [sflag:$0x3], $0x80, s24, s14, $0xb8;
	[tilespmem:$0x1E0C0] =	vst v63  }
0xc2: {  	_ =	swait.ge [sflag:s26], $0x4000  }
0xc3: {  	[sflag:s26] =	ssyncset.done $0x0  }
0xc4: {  	[sflag:s26] =	ssyncadd.s32 $0xFFFFC000  }
0xc5: {  	_ =	swait.ge [sflag:s20], $0x4000  }
0xc6: {  	[sflag:s20] =	ssyncset.done $0x0  }
0xc7: {  	[sflag:s20] =	ssyncadd.s32 $0xFFFFC000  }
0xc8: {  	[spmem:s2] =	stream.indirect.scatter.add.f32 [tilespmem:s9], [sflag:$0x3], $0x80, s31, s14, $0xb8;
	[tilespmem:$0x1E0C0] =	vst v63  }
0xc9: {  	_ =	swait.ge [sflag:s26], $0x4000  }
0xca: {  	[sflag:s26] =	ssyncset.done $0x0  }
0xcb: {  	s4 =	simm.s32 $0x0;
	s23 =	rddreg [dreg:$0x7];
	[sflag:s26] =	ssyncadd.s32 $0xFFFFC000  }
0xcc: {  	[tilespmem:s4], [sflag:$0x3] =	stream.linear.gather [hbm4b:s23+s4], $0x1400, $0x38;
	[tilespmem:$0x1E0C0] =	vst v63  }
0xcd: {  	_ =	swait.ge [sflag:s26], $0x1400  }
0xce: {  	[sflag:s26] =	ssyncset.done $0x0  }
0xcf: {  	s22 =	simm.s32 $0x1400;
	s28 =	rddreg [dreg:$0x8];
	[sflag:s26] =	ssyncadd.s32 $0xFFFFEC00  }
0xd0: {  	[tilespmem:s22], [sflag:$0x3] =	stream.linear.gather [hbm4b:s28+s4], $0x1400, $0x38;
	[tilespmem:$0x1E0C0] =	vst v63  }
0xd1: {  	_ =	swait.ge [sflag:s26], $0x1400  }
0xd2: {  	[sflag:s26] =	ssyncset.done $0x0  }
0xd3: {  	[sflag:s26] =	ssyncadd.s32 $0xFFFFEC00  }
0xd4: {  	[tilespmem:s25], [sflag:$0x1] =	stream.indirect.gather [hbm4b:s1+s29], $0x80, s4, s29, $0xb8;
	[tilespmem:$0x1E0C0] =	vst v63  }
0xd5: {  	_ = 	snop  }
0xd6: {  	[tilespmem:s30], [sflag:$0x1] =	stream.indirect.gather [hbm4b:s1+s29], $0x80, s29, s29, $0xb8;
	[tilespmem:$0x1E0C0] =	vst v63  }
0xd7: {  	s21 =	simm.s32 $0x40  }
0xd8: {  	[tilespmem:s0], [sflag:$0x1] =	stream.indirect.gather [hbm4b:s1+s29], $0x80, s21, s29, $0xb8;
	[tilespmem:$0x1E0C0] =	vst v63  }
0xd9: {  	s22 =	simm.s32 $0x60  }
0xda: {  	[tilespmem:s6], [sflag:$0x1] =	stream.indirect.gather [hbm4b:s1+s29], $0x80, s22, s29, $0xb8;
	[tilespmem:$0x1E0C0] =	vst v63  }
0xdb: {  	s23 =	simm.s32 $0x80  }
0xdc: {  	[tilespmem:s9], [sflag:$0x2] =	stream.indirect.gather [hbm4b:s1+s29], $0x80, s23, s29, $0xb8;
	[tilespmem:$0x1E0C0] =	vst v63  }
0xdd: {  	s28 =	simm.s32 $0xA0  }
0xde: {  	[tilespmem:s10], [sflag:$0x2] =	stream.indirect.gather [hbm4b:s1+s29], $0x80, s28, s29, $0xb8;
	[tilespmem:$0x1E0C0] =	vst v63  }
0xdf: {  	s21 =	simm.s32 $0xC0  }
0xe0: {  	[tilespmem:s11], [sflag:$0x2] =	stream.indirect.gather [hbm4b:s1+s29], $0x80, s21, s29, $0xb8;
	[tilespmem:$0x1E0C0] =	vst v63  }
0xe1: {  	s22 =	simm.s32 $0xE0  }
0xe2: {  	[tilespmem:s12], [sflag:$0x2] =	stream.indirect.gather [hbm4b:s1+s29], $0x80, s22, s29, $0xb8;
	[tilespmem:$0x1E0C0] =	vst v63  }
0xe3: {  	_ =	swait.ge [sflag:s13], $0x4000  }
0xe4: {  	[sflag:s13] =	ssyncset.done $0x0  }
0xe5: {  	s23 =	simm.s32 $0x1400;
	[sflag:s13] =	ssyncadd.s32 $0xFFFFC000  }
0xe6: {  	[spmem:s2] =	stream.indirect.scatter.add.f32 [tilespmem:s25], [sflag:$0x3], $0x80, s23, s14, $0xb8;
	[tilespmem:$0x1E0C0] =	vst v63  }
0xe7: {  	_ =	swait.ge [sflag:s26], $0x4000  }
0xe8: {  	[sflag:s26] =	ssyncset.done $0x0  }
0xe9: {  	s28 =	simm.s32 $0x100;
	[sflag:s26] =	ssyncadd.s32 $0xFFFFC000  }
0xea: {  	[tilespmem:s25], [sflag:$0x1] =	stream.indirect.gather [hbm4b:s1+s29], $0x80, s28, s29, $0xb8;
	[tilespmem:$0x1E0C0] =	vst v63  }
0xeb: {  	s21 =	simm.s32 $0x120  }
0xec: {  	[tilespmem:s30], [sflag:$0x1] =	stream.indirect.gather [hbm4b:s1+s29], $0x80, s21, s29, $0xb8;
	[tilespmem:$0x1E0C0] =	vst v63  }
0xed: {  	s22 =	simm.s32 $0x140  }
0xee: {  	[tilespmem:s0], [sflag:$0x1] =	stream.indirect.gather [hbm4b:s1+s29], $0x80, s22, s29, $0xb8;
	[tilespmem:$0x1E0C0] =	vst v63  }
0xef: {  	s23 =	simm.s32 $0x160  }
0xf0: {  	[tilespmem:s6], [sflag:$0x1] =	stream.indirect.gather [hbm4b:s1+s29], $0x80, s23, s29, $0xb8;
	[tilespmem:$0x1E0C0] =	vst v63  }
0xf1: {  	_ =	swait.ge [sflag:s20], $0x4000  }
0xf2: {  	[sflag:s20] =	ssyncset.done $0x0  }
0xf3: {  	s28 =	simm.s32 $0x1480;
	[sflag:s20] =	ssyncadd.s32 $0xFFFFC000  }
0xf4: {  	[spmem:s2] =	stream.indirect.scatter.add.f32 [tilespmem:s9], [sflag:$0x3], $0x80, s28, s14, $0xb8;
	[tilespmem:$0x1E0C0] =	vst v63  }
0xf5: {  	_ =	swait.ge [sflag:s26], $0x4000  }
0xf6: {  	s4 =	simm.s32 $0x100;
	s21 =	simm.s32 $0x800;
	[sflag:s26] =	ssyncset.done $0x0  }
.LBB2_6:
0xf7: {  	s22 =	sadd.s32 $0x80, s4  }
0xf8: {  	[sflag:s26] =	ssyncadd.s32 $0xFFFFC000;
	s23 =	smov.u32 s21;
	s28 =	sadd.s32 $0x400, s21  }
0xf9: {  	[tilespmem:s9], [sflag:$0x2] =	stream.indirect.gather [hbm4b:s1+s29], $0x80, s22, s29, $0xb8;
	[tilespmem:$0x1E0C0] =	vst v63  }
0xfa: {  	p3 =	sne.s32 s21, $0x4800;
	s21 =	sadd.s32 $0xA0, s4  }
0xfb: {  	[tilespmem:s10], [sflag:$0x2] =	stream.indirect.gather [hbm4b:s1+s29], $0x80, s21, s29, $0xb8;
	[tilespmem:$0x1E0C0] =	vst v63  }
0xfc: {  	s21 =	sadd.s32 $0xC0, s4  }
0xfd: {  	[tilespmem:s11], [sflag:$0x2] =	stream.indirect.gather [hbm4b:s1+s29], $0x80, s21, s29, $0xb8;
	[tilespmem:$0x1E0C0] =	vst v63  }
0xfe: {  	s21 =	sadd.s32 $0xE0, s4  }
0xff: {  	[tilespmem:s12], [sflag:$0x2] =	stream.indirect.gather [hbm4b:s1+s29], $0x80, s21, s29, $0xb8;
	[tilespmem:$0x1E0C0] =	vst v63  }
0x100: {  	_ =	swait.ge [sflag:s13], $0x4000  }
0x101: {  	[sflag:s13] =	ssyncset.done $0x0  }
0x102: {  	s21 =	sadd.s32 $0x1400, s4;
	[sflag:s13] =	ssyncadd.s32 $0xFFFFC000  }
0x103: {  	[spmem:s2] =	stream.indirect.scatter.add.f32 [tilespmem:s25], [sflag:$0x3], $0x80, s21, s14, $0xb8;
	[tilespmem:$0x1E0C0] =	vst v63  }
0x104: {  	_ =	swait.ge [sflag:s26], $0x4000  }
0x105: {  	[sflag:s26] =	ssyncset.done $0x0  }
0x106: {  	s21 =	sadd.s32 $0x100, s4;
	[sflag:s26] =	ssyncadd.s32 $0xFFFFC000  }
0x107: {  	[tilespmem:s25], [sflag:$0x1] =	stream.indirect.gather [hbm4b:s1+s29], $0x80, s21, s29, $0xb8;
	[tilespmem:$0x1E0C0] =	vst v63  }
0x108: {  	s21 =	sadd.s32 $0x120, s4  }
0x109: {  	[tilespmem:s30], [sflag:$0x1] =	stream.indirect.gather [hbm4b:s1+s29], $0x80, s21, s29, $0xb8;
	[tilespmem:$0x1E0C0] =	vst v63  }
0x10a: {  	s21 =	sadd.s32 $0x140, s4  }
0x10b: {  	[tilespmem:s0], [sflag:$0x1] =	stream.indirect.gather [hbm4b:s1+s29], $0x80, s21, s29, $0xb8;
	[tilespmem:$0x1E0C0] =	vst v63  }
0x10c: {  	s21 =	sadd.s32 $0x160, s4  }
0x10d: {  	[tilespmem:s6], [sflag:$0x1] =	stream.indirect.gather [hbm4b:s1+s29], $0x80, s21, s29, $0xb8;
	[tilespmem:$0x1E0C0] =	vst v63  }
0x10e: {  	_ =	swait.ge [sflag:s20], $0x4000  }
.Ltmp2:
0x10f: {  	[sflag:s20] =	ssyncset.done $0x0;
	(pc) =	sbr.rel @p3 .LBB2_6-.Ltmp2, $4  }
0x110: {  	s4 =	sadd.s32 $0x1480, s4;
	[sflag:s20] =	ssyncadd.s32 $0xFFFFC000  }
0x111: {  	[spmem:s2] =	stream.indirect.scatter.add.f32 [tilespmem:s9], [sflag:$0x3], $0x80, s4, s14, $0xb8;
	[tilespmem:$0x1E0C0] =	vst v63  }
0x112: {  	_ =	swait.ge [sflag:s26], $0x4000  }
0x113: {  	s21 =	smov.u32 s28;
	s4 =	sshra.s32 s23, $0x2;
	[sflag:s26] =	ssyncset.done $0x0  }
0x114: {  	s21 =	sadd.s32 $0x80, s4;
	[sflag:s26] =	ssyncadd.s32 $0xFFFFC000  }
0x115: {  	[tilespmem:s9], [sflag:$0x2] =	stream.indirect.gather [hbm4b:s1+s29], $0x80, s21, s29, $0xb8;
	[tilespmem:$0x1E0C0] =	vst v63  }
0x116: {  	s23 =	sadd.s32 $0xA0, s4  }
0x117: {  	[tilespmem:s10], [sflag:$0x2] =	stream.indirect.gather [hbm4b:s1+s29], $0x80, s23, s29, $0xb8;
	[tilespmem:$0x1E0C0] =	vst v63  }
0x118: {  	s28 =	sadd.s32 $0xC0, s4  }
0x119: {  	[tilespmem:s11], [sflag:$0x2] =	stream.indirect.gather [hbm4b:s1+s29], $0x80, s28, s29, $0xb8;
	[tilespmem:$0x1E0C0] =	vst v63  }
0x11a: {  	s22 =	sadd.s32 $0xE0, s4  }
0x11b: {  	[tilespmem:s12], [sflag:$0x2] =	stream.indirect.gather [hbm4b:s1+s29], $0x80, s22, s29, $0xb8;
	[tilespmem:$0x1E0C0] =	vst v63  }
0x11c: {  	_ =	swait.ge [sflag:s13], $0x4000  }
0x11d: {  	[sflag:s13] =	ssyncset.done $0x0  }
0x11e: {  	s23 =	sadd.s32 $0x1400, s4;
	[sflag:s13] =	ssyncadd.s32 $0xFFFFC000  }
0x11f: {  	[spmem:s2] =	stream.indirect.scatter.add.f32 [tilespmem:s25], [sflag:$0x3], $0x80, s23, s14, $0xb8;
	[tilespmem:$0x1E0C0] =	vst v63  }
0x120: {  	_ =	swait.ge [sflag:s26], $0x4000  }
0x121: {  	[sflag:s26] =	ssyncset.done $0x0  }
0x122: {  	s28 =	sadd.s32 $0x100, s4;
	[sflag:s26] =	ssyncadd.s32 $0xFFFFC000  }
0x123: {  	[tilespmem:s25], [sflag:$0x1] =	stream.indirect.gather [hbm4b:s1+s29], $0x80, s28, s29, $0xb8;
	[tilespmem:$0x1E0C0] =	vst v63  }
0x124: {  	s22 =	sadd.s32 $0x120, s4  }
0x125: {  	[tilespmem:s30], [sflag:$0x1] =	stream.indirect.gather [hbm4b:s1+s29], $0x80, s22, s29, $0xb8;
	[tilespmem:$0x1E0C0] =	vst v63  }
0x126: {  	s23 =	sadd.s32 $0x140, s4  }
0x127: {  	[tilespmem:s0], [sflag:$0x1] =	stream.indirect.gather [hbm4b:s1+s29], $0x80, s23, s29, $0xb8;
	[tilespmem:$0x1E0C0] =	vst v63  }
0x128: {  	s28 =	sadd.s32 $0x160, s4  }
0x129: {  	[tilespmem:s6], [sflag:$0x1] =	stream.indirect.gather [hbm4b:s1+s29], $0x80, s28, s29, $0xb8;
	[tilespmem:$0x1E0C0] =	vst v63  }
0x12a: {  	_ =	swait.ge [sflag:s20], $0x4000  }
0x12b: {  	[sflag:s20] =	ssyncset.done $0x0  }
0x12c: {  	s22 =	sadd.s32 $0x1480, s4;
	[sflag:s20] =	ssyncadd.s32 $0xFFFFC000  }
0x12d: {  	[spmem:s2] =	stream.indirect.scatter.add.f32 [tilespmem:s9], [sflag:$0x3], $0x80, s22, s14, $0xb8;
	[tilespmem:$0x1E0C0] =	vst v63  }
0x12e: {  	_ =	swait.ge [sflag:s26], $0x4000  }
0x12f: {  	[sflag:s26] =	ssyncset.done $0x0  }
0x130: {  	s23 =	simm.s32 $0x1380;
	[sflag:s26] =	ssyncadd.s32 $0xFFFFC000  }
0x131: {  	[tilespmem:s9], [sflag:$0x2] =	stream.indirect.gather [hbm4b:s1+s29], $0x80, s23, s29, $0xb8;
	[tilespmem:$0x1E0C0] =	vst v63  }
0x132: {  	s28 =	simm.s32 $0x13A0  }
0x133: {  	[tilespmem:s10], [sflag:$0x2] =	stream.indirect.gather [hbm4b:s1+s29], $0x80, s28, s29, $0xb8;
	[tilespmem:$0x1E0C0] =	vst v63  }
0x134: {  	s21 =	simm.s32 $0x13C0  }
0x135: {  	[tilespmem:s11], [sflag:$0x2] =	stream.indirect.gather [hbm4b:s1+s29], $0x80, s21, s29, $0xb8;
	[tilespmem:$0x1E0C0] =	vst v63  }
0x136: {  	s22 =	simm.s32 $0x13E0  }
0x137: {  	[tilespmem:s12], [sflag:$0x2] =	stream.indirect.gather [hbm4b:s1+s29], $0x80, s22, s29, $0xb8;
	[tilespmem:$0x1E0C0] =	vst v63  }
0x138: {  	_ =	swait.ge [sflag:s13], $0x4000  }
0x139: {  	[sflag:s13] =	ssyncset.done $0x0  }
0x13a: {  	[sflag:s13] =	ssyncadd.s32 $0xFFFFC000  }
0x13b: {  	[spmem:s2] =	stream.indirect.scatter.add.f32 [tilespmem:s25], [sflag:$0x3], $0x80, s24, s14, $0xb8;
	[tilespmem:$0x1E0C0] =	vst v63  }
0x13c: {  	_ =	swait.ge [sflag:s26], $0x4000  }
0x13d: {  	[sflag:s26] =	ssyncset.done $0x0  }
0x13e: {  	[sflag:s26] =	ssyncadd.s32 $0xFFFFC000  }
0x13f: {  	_ =	swait.ge [sflag:s20], $0x4000  }
0x140: {  	[sflag:s20] =	ssyncset.done $0x0  }
0x141: {  	[sflag:s20] =	ssyncadd.s32 $0xFFFFC000  }
0x142: {  	[spmem:s2] =	stream.indirect.scatter.add.f32 [tilespmem:s9], [sflag:$0x3], $0x80, s31, s14, $0xb8;
	[tilespmem:$0x1E0C0] =	vst v63  }
0x143: {  	_ =	swait.ge [sflag:s26], $0x4000  }
0x144: {  	[sflag:s26] =	ssyncset.done $0x0  }
0x145: {  	s23 =	stileid.u32;
	[sflag:s26] =	ssyncadd.s32 $0xFFFFC000  }
0x146: {  	s4 =	sshll.u32 s23, $0x6;
	[bflag:$0x0] =	sbarrier.arrive $0xFFFF  }
0x147: {  	s4 =	sor.u32 $0x1C03, s4;
	s28 =	sshrl.u32 s15, $0x3;
	s22 =	rddreg [dreg:$0xd]  }
0x148: {  	[hbm:s22], [sflag:s4] =	dma.local [spmem:s28], $0x800  }
0x149: {  	_ =	swait.ge [sflag:s26], $0x800  }
0x14a: {  	[sflag:s26] =	ssyncset.done $0x0  }
0x14b: {  	s23 =	sshrl.u32 s16, $0x3;
	s28 =	rddreg [dreg:$0xe];
	[sflag:s26] =	ssyncadd.s32 $0xFFFFF800  }
0x14c: {  	[hbm:s28], [sflag:s4] =	dma.local [spmem:s23], $0x800  }
0x14d: {  	_ =	swait.ge [sflag:s26], $0x800  }
0x14e: {  	[sflag:s26] =	ssyncset.done $0x0  }
0x14f: {  	s22 =	sshrl.u32 s17, $0x3;
	s23 =	rddreg [dreg:$0xf];
	[sflag:s26] =	ssyncadd.s32 $0xFFFFF800  }
0x150: {  	[hbm:s23], [sflag:s4] =	dma.local [spmem:s22], $0x800  }
0x151: {  	_ =	swait.ge [sflag:s26], $0x800  }
0x152: {  	s21 =	sshrl.u32 @p2 s8, $0x3;
	[sflag:s26] =	ssyncset.done $0x0  }
0x153: {  	s22 =	simm.s32 @p2 $0x1FC3;
	s23 =	rddreg [dreg:$0x9];
	[sflag:s26] =	ssyncadd.s32 $0xFFFFF800  }
0x154: {  	[hbm:s23], [sflag:s22] =	dma.local @p2 [spmem:s21], $0x100  }
0x155: {  	s21 =	simm.s32 @p2 $0x3  }
0x156: {  	_ =	swait.ge @p2 [sflag:s21], $0x100  }
0x157: {  	[sflag:s21] =	ssyncset.done @p2 $0x0  }
0x158: {  	s22 =	rddreg [dreg:$0x10];
	[sflag:s21] =	ssyncadd.s32 @p2 $0xFFFFFF00;
	s21 =	sshrl.u32 @!p2 s18, $0x3  }
0x159: {  	[hbm:s22], [sflag:s4] =	dma.local @!p2 [spmem:s21], $0x800  }
0x15a: {  	s19 =	sshll.u32 @!p2 s19, $0xE;
	s21 =	simm.s32 @!p2 $0x3  }
0x15b: {  	s22 =	sadd.s32 @!p2 s7, s19;
	_ =	swait.ge @!p2 [sflag:s21], $0x800  }
0x15c: {  	s19 =	sadd.s32 @!p2 s19, s2;
	s22 =	sshrl.u32 @!p2 s22, $0x3;
	[sflag:s21] =	ssyncset.done @!p2 $0x0  }
0x15d: {  	s19 =	sshrl.u32 @!p2 s19, $0x3;
	s22 =	sadd.s32 @!p2 s5, s22;
	[sflag:s21] =	ssyncadd.s32 @!p2 $0xFFFFF800  }
0x15e: {  	[hbm:s22], [sflag:s4] =	dma.local @!p2 [spmem:s19], $0x800  }
0x15f: {  	_ =	swait.ge @!p2 [sflag:s21], $0x800  }
0x160: {  	s3 =	sadd.s32 $0x1, s3;
	s28 =	rddreg [dreg:$0xa]  }
0x161: {  	p3 =	sne.s32 s3, s28  }
.Ltmp3:
0x162: {  	_ = 	snop;
	(pc) =	sbr.rel @p3 .LBB2_1-.Ltmp3, $3  }
0x163: {  	_ =	sdelay $0x1  }
0x164: {  	[sflag:s21] =	ssyncset.done @!p2 $0x0  }
0x165: {  	[sflag:s21] =	ssyncadd.s32 @!p2 $0xFFFFF800  }
0x166: {  	_ =	sfence.sel $0x180000  }
0x167: {  	[bflag:$0x0] =	sbarrier.arrive $0xFFFF  }
0x168: {  	_ =	strace $0x9000004A  }
0x169: {  	s0 =	stileid.u32;
	[bflag:$0x2] =	sbarrier.arrive $0xFFFF  }
0x16a: {  	p0 =	sne.s32 s0, $0x0;
	s0 =	rddreg [dreg:$0x3]  }
0x16b: {  	s0 =	sadd.s32 @!p0 $0x100000, s0  }
0x16c: {  	[sflag:s0] =	ssyncadd.tile.s32 @!p0 $0x1;
	_ =	shalt  }
.Lfunc_end2:
_tile_overlayer_lowered:
.L_overlay_start_2:
0x16d: {  	(tag) =	ssettag $0x2  }
0x16e: {  	s0 =	rddreg [dreg:$0x0];
	s2 =	stileid.u32  }
0x16f: {  	s1 =	rddreg [dreg:$0x1];
	p0 =	sne.s32 s2, $0x0  }
0x170: {  	s3 =	rddreg [dreg:$0x2];
	[bflag:$0x3] =	sbarrier.arrive $0xFFFF;
	s2 =	simm.s32 @!p0 $0x1C03  }
0x171: {  	[timem:s3], [sflag:s2] =	dma.local @!p0 [hbm:s0], s1  }
0x172: {  	s0 =	simm.s32 @!p0 $0x3  }
0x173: {  	_ =	swait.ge @!p0 [sflag:s0], s1  }
0x174: {  	s1 =	ssub.s32 @!p0 $0x0, s1;
	[sflag:s0] =	ssyncset.done @!p0 $0x0  }
0x175: {  	[sflag:s0] =	ssyncadd.s32 @!p0 s1  }
0x176: {  	[bflag:$0x3] =	sbarrier.arrive $0xFFFF  }
0x177: {  	_ =	shalt  }

// kernel: kernel.14.cloned.1.call-start
scs
__scs_entry_jumppad:
0x0: {  	(pc) =	sbr.rel $0x88, $3  }
0x1: {  	(tag) =	ssettag $0x0;
	lr =	simm.s32 $0x1  }
0x2: {  	[smem:$0x3F9B] =	sst lr;
	_ =	strace $0xD0000000  }
0x3: {  	_ = 	snop  }
0x4: {  	_ = 	snop  }
0x5: {  	_ = 	snop  }
0x6: {  	_ = 	snop  }
0x7: {  	_ = 	snop  }
__scs_overlays_trampoline_lowered:
0x8: {  	[smem:$0x3FAA] =	sst s0  }
0x9: {  	[smem:$0x3FAB] =	sst s1  }
0xa: {  	[smem:$0x3FAC] =	sst s2  }
0xb: {  	[smem:$0x3FAD] =	sst s3  }
0xc: {  	[smem:$0x3FAE] =	sst s4  }
0xd: {  	[smem:$0x3FAF] =	sst s5  }
0xe: {  	[smem:$0x3FB0] =	sst s6  }
0xf: {  	[smem:$0x3FB1] =	sst s7  }
0x10: {  	[smem:$0x3FB2] =	sst s8  }
0x11: {  	[smem:$0x3FB3] =	sst s9;
	s0 =	simm.s32 @!p0 $0x0  }
0x12: {  	s1 =	sld [smem:$0x3F99];
	s0 =	simm.s32 @p0 $0x1  }
0x13: {  	[smem:$0x3FB4] =	sst s0;
	s0 =	simm.s32 @!p1 $0x0  }
0x14: {  	s2 =	sld [smem:$0x3F98];
	s0 =	simm.s32 @p1 $0x1  }
0x15: {  	[smem:$0x3FB5] =	sst s0;
	s0 =	simm.s32 @!p2 $0x0  }
0x16: {  	s3 =	sld [smem:$0x3FDB];
	s0 =	simm.s32 @p2 $0x1  }
0x17: {  	s4 =	simm.s32 $0x1BF5;
	[smem:$0x3FB7] =	sst s0  }
0x18: {  	s0 =	sld [smem:$0x3F9A];
	_ =	swait.ge [sflag:s4], $0x0  }
0x19: {  	s7 =	sld [smem:$0x3F9B]  }
0x1a: {  	s8 =	sadd.s32 $0xFFFFE003, lr  }
0x1b: {  	s9 =	sadd.s32 $0xFFFFFEF7, lr;
	s5 =	simm.s32 $0xFFFFFFFF;
	p2 =	slt.u32 s8, $0xFFFFF086  }
0x1c: {  	p1 =	slt.u32 s9, $0xF7A;
	s5 =	simm.s32 @!p2 $0x0  }
0x1d: {  	s5 =	simm.s32 @p1 $0x1;
	p0 =	seq.s32 s7, s2  }
0x1e: {  	s7 =	smul.u32 @!p0 $0xF7A, s2;
	p2 =	seq.s32 @!p0 s5, $0x0  }
0x1f: {  	s9 =	smul.u32 $0xF7A, s1;
	s8 =	simm.s32 @!p0 $0x1BF5;
	p2 =	por !p2, p0  }
0x20: {  	[sflag:s8] =	ssyncset.s32 @!p0 $0xFFFFF086;
	s6 =	sadd.s32 @!p0 s3, s7;
	s7 =	simm.s32 @!p0 $0x108  }
0x21: {  	s3 =	sadd.s32 s3, s9;
	s6 =	sadd.s32 @!p0 $0x88, s6;
	s7 =	simm.s32 @p2 $0x1082  }
0x22: {  	[simem:s7], [sflag:s8] =	dma.local @!p0 [hbm:s6], $0xF7A  }
0x23: {  	s9 =	sor.u32 $0xD0000000, s2;
	s6 =	simm.s32 $0x108;
	_ =	swait.ge @!p0 [sflag:s8], $0x0  }
0x24: {  	s3 =	sadd.s32 $0x88, s3;
	s6 =	simm.s32 @!p1 $0x1082;
	[sflag:s4] =	ssyncset.s32 $0xFFFFF086  }
0x25: {  	[simem:s6], [sflag:s4] =	dma.local [hbm:s3], $0xF7A  }
0x26: {  	[smem:$0x3F9B] =	sst s1;
	(tag) =	ssettag s2;
	_ =	strace s9  }
0x27: {  	s1 =	sld [smem:$0x3FAB]  }
0x28: {  	s2 =	sld [smem:$0x3FAC]  }
0x29: {  	s4 =	sld [smem:$0x3FAE]  }
0x2a: {  	p0 =	seq.s32 s5, $0x0;
	s5 =	sld [smem:$0x3FAF]  }
0x2b: {  	s6 =	sld [smem:$0x3FB0]  }
0x2c: {  	s7 =	sld [smem:$0x3FB1]  }
0x2d: {  	s3 =	simm.s32 $0x108;
	s8 =	sld [smem:$0x3FB2]  }
0x2e: {  	s3 =	simm.s32 @!p0 $0x1082;
	s9 =	sld [smem:$0x3FB3]  }
0x2f: {  	lr =	sadd.s32 s0, s3;
	s0 =	sld [smem:$0x3FAA]  }
0x30: {  	s3 =	sld [smem:$0x3FAD]  }
0x31: {  	[smem:$0x3FB6] =	sst s10  }
0x32: {  	s10 =	sld [smem:$0x3FB4];
	_ =	sdelay $0x3  }
0x33: {  	p0 =	seq.s32 s10, $0x1;
	s10 =	sld [smem:$0x3FB6];
	_ =	sdelay $0x3  }
0x34: {  	[smem:$0x3FB6] =	sst s10  }
0x35: {  	s10 =	sld [smem:$0x3FB5];
	_ =	sdelay $0x3  }
0x36: {  	p1 =	seq.s32 s10, $0x1;
	s10 =	sld [smem:$0x3FB6];
	_ =	sdelay $0x3  }
0x37: {  	[smem:$0x3FB6] =	sst s10  }
0x38: {  	s10 =	sld [smem:$0x3FB7]  }
0x39: {  	_ = 	snop;
	(pc) =	sbr.ind lr, $3  }
0x3a: {  	_ = 	snop  }
0x3b: {  	_ = 	snop  }
0x3c: {  	p2 =	seq.s32 s10, $0x1;
	s10 =	sld [smem:$0x3FB6]  }
0x3d: {  	_ =	shalt  }
0x3e: {  	_ =	shalt  }
0x3f: {  	_ =	shalt  }
0x40: {  	_ =	shalt  }
0x41: {  	_ =	shalt  }
0x42: {  	_ =	shalt  }
0x43: {  	_ =	shalt  }
0x44: {  	_ =	shalt  }
0x45: {  	_ =	shalt  }
0x46: {  	_ =	shalt  }
0x47: {  	_ =	shalt  }
0x48: {  	_ =	shalt  }
0x49: {  	_ =	shalt  }
0x4a: {  	_ =	shalt  }
0x4b: {  	_ =	shalt  }
0x4c: {  	_ =	shalt  }
0x4d: {  	_ =	shalt  }
0x4e: {  	_ =	shalt  }
0x4f: {  	_ =	shalt  }
0x50: {  	_ =	shalt  }
0x51: {  	_ =	shalt  }
0x52: {  	_ =	shalt  }
0x53: {  	_ =	shalt  }
0x54: {  	_ =	shalt  }
0x55: {  	_ =	shalt  }
0x56: {  	_ =	shalt  }
0x57: {  	_ =	shalt  }
0x58: {  	_ =	shalt  }
0x59: {  	_ =	shalt  }
0x5a: {  	_ =	shalt  }
0x5b: {  	_ =	shalt  }
0x5c: {  	_ =	shalt  }
0x5d: {  	_ =	shalt  }
0x5e: {  	_ =	shalt  }
0x5f: {  	_ =	shalt  }
0x60: {  	_ =	shalt  }
0x61: {  	_ =	shalt  }
0x62: {  	_ =	shalt  }
0x63: {  	_ =	shalt  }
0x64: {  	_ =	shalt  }
0x65: {  	_ =	shalt  }
0x66: {  	_ =	shalt  }
0x67: {  	_ =	shalt  }
0x68: {  	_ =	shalt  }
0x69: {  	_ =	shalt  }
0x6a: {  	_ =	shalt  }
0x6b: {  	_ =	shalt  }
0x6c: {  	_ =	shalt  }
0x6d: {  	_ =	shalt  }
0x6e: {  	_ =	shalt  }
0x6f: {  	_ =	shalt  }
0x70: {  	_ =	shalt  }
0x71: {  	_ =	shalt  }
0x72: {  	_ =	shalt  }
0x73: {  	_ =	shalt  }
0x74: {  	_ =	shalt  }
0x75: {  	_ =	shalt  }
0x76: {  	_ =	shalt  }
0x77: {  	_ =	shalt  }
0x78: {  	_ =	shalt  }
0x79: {  	_ =	shalt  }
0x7a: {  	_ =	shalt  }
0x7b: {  	_ =	shalt  }
0x7c: {  	_ =	shalt  }
0x7d: {  	_ =	shalt  }
0x7e: {  	_ =	shalt  }
0x7f: {  	_ =	shalt  }
0x80: {  	_ =	shalt  }
0x81: {  	_ =	shalt  }
0x82: {  	_ =	shalt  }
0x83: {  	_ =	shalt  }
0x84: {  	_ =	shalt  }
0x85: {  	_ =	shalt  }
0x86: {  	_ =	shalt  }
0x87: {  	_ =	shalt  }
.Lfunc_end0:
.L_simem_size_0:
called_computation.2_lowered:
.L_overlay_start_0:
0x88: {  	s2 =	sld [smem:$0x3FD9]  }
0x89: {  	s3 =	sld [smem:$0x3FFE];
	_ =	sdelay $0x1  }
0x8a: {  	s1 =	srdreg.scid  }
0x8b: {  	s0 =	sand.u32 $0x1, s1  }
0x8c: {  	s17 =	sshll.u32 s0, $0xA;
	s2 =	sadd.s32 s3, s2  }
0x8d: {  	s2 =	sadd.s32 s2, s17  }
0x8e: {  	[smem:$0x3FC2] =	sst s2  }
0x8f: {  	_ = 	snop  }
0x90: {  	s2 =	sld [smem:$0x3FD0];
	(tm) =	ssettm $0x1  }
0x91: {  	s18 =	sld [smem:$0x3FFB];
	_ =	sdelay $0x3  }
0x92: {  	_ =	strace s18  }
0x93: {  	s3 =	sld [smem:$0x3FFC];
	_ =	sdelay $0x3  }
0x94: {  	_ =	strace s3  }
0x95: {  	s3 =	sld [smem:$0x3FFD];
	_ =	sdelay $0x3  }
0x96: {  	_ =	strace s3  }
0x97: {  	_ =	strace $0x8FFFFFFF  }
0x98: {  	s19 =	sld [smem:$0x3FDB];
	_ =	sdelay $0x1  }
0x99: {  	s4 =	simm.s32 $_scs_section_size  }
0x9a: {  	s5 =	simm.s32 $_size__tile_overlayer_lowered;
	s6 =	simm.s32 $_tile_overlayer_lowered  }
0x9b: {  	s22 =	simm.s32 $0x1BFF;
	s21 =	sshll.u32 s6, $0x1;
	s3 =	sadd.s32 s4, s19  }
0x9c: {  	s7 =	simm.s32 $0x0;
	s20 =	sshll.u32 s5, $0x1;
	s5 =	sadd.s32 s21, s3  }
0x9d: {  	[timem:s7], [sflag:s22] =	dma.local [hbm:s5], s20  }
0x9e: {  	_ =	swait.ge [sflag:s22], s20  }
0x9f: {  	s4 =	ssub.s32 $0x0, s20;
	[sflag:s22] =	ssyncset.done $0x0  }
0xa0: {  	[sflag:s22] =	ssyncadd.s32 s4;
	_ =	sdelay $0x1  }
0xa1: {  	s23 =	simm.s32 $0x1B8B  }
0xa2: {  	_ =	swait.ge [sflag:s23], $0x1  }
0xa3: {  	[sflag:s23] =	ssyncset.done $0x0  }
0xa4: {  	s25 =	simm.s32 $0x1B8E;
	s24 =	sld [smem:$0x3FFE];
	[sflag:s23] =	ssyncadd.s32 $0xFFFFFFFF  }
0xa5: {  	s26 =	simm.s32 $execute0_lowered;
	[smem:$0x3FD2] =	sst s25  }
0xa6: {  	s5 =	sshll.u32 s26, $0x1;
	_ =	strace $0x8000004C;
	[dreg:$0x1] =	wrdreg $0xFFFFFFFF  }
0xa7: {  	s28 =	simm.s32 $_size_execute0_lowered;
	s3 =	sadd.s32 s3, s5;
	[dreg:$0x0] =	wrdreg $0x0  }
0xa8: {  	s5 =	sshll.u32 s28, $0x1;
	[dreg:$0x2] =	wrdreg s3  }
0xa9: {  	[dreg:$0x3] =	wrdreg s5  }
0xaa: {  	[dreg:$0x4] =	wrdreg $0xC0  }
0xab: {  	_ =	task [dreg:s7], $0x5FFFF  }
0xac: {  	[dreg:$0x1] =	wrdreg $0xFFFFFFFF  }
0xad: {  	[dreg:$0x0] =	wrdreg $0x60  }
0xae: {  	[dreg:$0x2] =	wrdreg s2  }
0xaf: {  	[dreg:$0x3] =	wrdreg s24  }
0xb0: {  	[dreg:$0x4] =	wrdreg $0xA8000  }
0xb1: {  	[dreg:$0x5] =	wrdreg $0x9  }
0xb2: {  	_ =	task.clear_ibuf [dreg:s7], $0x6FFFF;
	_ =	strace $0x9000004C  }
0xb3: {  	s29 =	simm.s32 $0x9;
	_ =	strace $0x8000004E  }
0xb4: {  	_ =	swait.ge [sflag:s29], $0x1  }
0xb5: {  	[sflag:s29] =	ssyncadd.s32 $0xFFFFFFFF  }
0xb6: {  	_ =	strace $0x9000004E  }
0xb7: {  	_ =	sfence  }
0xb8: {  	s30 =	sld [smem:$0x0];
	_ =	sdelay $0x2  }
0xb9: {  	s31 =	sshll.u32 s1, $0xD;
	s1 =	sshrl.u32 s1, $0x2  }
0xba: {  	s3 =	sand.u32 $0x4000, s31;
	s1 =	sadd.s32 s1, s30  }
0xbb: {  	s0 =	sor.u32 s3, s0;
	s1 =	sshll.u32 s1, $0x11  }
0xbc: {  	s0 =	sor.u32 s1, s0  }
0xbd: {  	s0 =	sadd.s32 $0x8F2B, s0  }
0xbe: {  	[sflag:s0] =	ssyncadd.remote.s32 $0x1  }
0xbf: {  	_ =	sfence.sel $0xFFFF  }
0xc0: {  	[dreg:$0x0] =	wrdreg $0xFFFFFFFF;
	(pc) =	sbr.abs _section_cstart, $3  }
0xc1: {  	[dreg:$0x1] =	wrdreg $0xFFFFFFFF  }
0xc2: {  	_ =	task.clear_ibuf [dreg:s7], $0x2FFFF;
	_ =	strace $0x9FFFFFFF  }
0xc3: {  	(tm) =	ssettm $0x7FFFFFFF  }
tec
execute0_lowered:
.L_overlay_start_1:
0x0: {  	(tag) =	ssettag $0x1  }
0x1: {  	s1 =	rddreg [dreg:$0x0]  }
0x2: {  	s0 =	rddreg [dreg:$0x1]  }
0x3: {  	s2 =	rddreg [dreg:$0x2];
	s3 =	simm.s32 $0x0  }
0x4: {  	s4 =	srdreg.scid;
	s14 =	stileid.u32;
	s29 =	simm.s32 $0x20  }
0x5: {  	s30 =	simm.s32 $0x3800;
	s31 =	simm.s32 $0x2780;
	[smem:$0x7FF] =	sst s3  }
0x6: {  	s4 =	sand.u32 $0x1, s4;
	s6 =	sadd.s32 $0x2A00, s0;
	s9 =	smul.u32 $0x5, s14  }
0x7: {  	s10 =	sadd.s32 $0xCA00, s0;
	s23 =	smul.u32 $0x14000, s14;
	p0 =	sne.s32 s14, $0xF  }
0x8: {  	p2 =	seq.s32 s14, $0xF;
	_ =	strace $0x8000004D;
	s5 =	sshll.u32 s4, $0x4  }
0x9: {  	s8 =	ssub.s32 $0x2, s4;
	p1 =	sne.s32 @p0 s14, $0x0;
	s7 =	sor.u32 s14, s5  }
0xa: {  	s5 =	sadd.s32 $0x64C00, s0;
	s28 =	sshrl.u32 s8, $0x1;
	s20 =	sshll.u32 s9, $0xE  }
0xb: {  	s24 =	sadd.s32 $0x4, s9;
	p1 =	por p1, !p0;
	s11 =	smul.u32 $0x500, s7  }
0xc: {  	s12 =	smul.u32 $0x2800, s7;
	s0 =	ssub.s32 s8, s28;
	s8 =	sadd.s32 $0x138800, s2  }
0xd: {  	s7 =	smul.u32 $0x138800, s4;
	s21 =	sadd.s32 $0x4000, s20;
	s22 =	sadd.s32 $0x8000, s20  }
0xe: {  	[dreg:$0xb] =	wrdreg s24;
	s26 =	sshll.u32 s24, $0xE;
	s24 =	simm.s32 $0x2700  }
0xf: {  	[dreg:$0x4] =	wrdreg s8;
	s8 =	sadd.s32 $0x138000, s2;
	s0 =	smax.u32 s0, $0x1  }
0x10: {  	s13 =	sadd.s32 s6, s11;
	s15 =	sshrl.u32 s12, $0x3;
	s16 =	sshrl.u32 s7, $0x3  }
0x11: {  	s11 =	sadd.s32 s10, s11;
	[dreg:$0xa] =	wrdreg s0;
	s0 =	sadd.s32 $0xC000, s20  }
0x12: {  	s25 =	sadd.s32 s7, s23;
	s28 =	sadd.s32 s7, s22;
	s12 =	simm.s32 $0x9800  }
0x13: {  	s20 =	simm.s32 $0x2;
	[dreg:$0x5] =	wrdreg s13;
	s4 =	sadd.s32 $0x280, s15  }
0x14: {  	s13 =	smul.u32 $0x50000, s14;
	[dreg:$0x6] =	wrdreg s11;
	s17 =	sadd.s32 s5, s16  }
0x15: {  	s16 =	sadd.s32 s21, s2;
	s9 =	sshrl.u32 s25, $0x3;
	s25 =	simm.s32 $0x2800  }
0x16: {  	s11 =	simm.s32 $0x8800;
	s14 =	simm.s32 $0x80;
	s6 =	sadd.s32 s6, s4  }
0x17: {  	s4 =	sadd.s32 s10, s4;
	s18 =	sadd.s32 $0x27000, s17;
	[dreg:$0x7] =	wrdreg s6  }
0x18: {  	s17 =	sadd.s32 s22, s2;
	s10 =	sadd.s32 s26, s2;
	[dreg:$0x8] =	wrdreg s4  }
0x19: {  	s9 =	sadd.s32 s5, s9;
	s26 =	simm.s32 $0x3;
	[dreg:$0x9] =	wrdreg s18  }
0x1a: {  	s19 =	sshrl.u32 s13, $0x2;
	s18 =	sadd.s32 s0, s2;
	[dreg:$0xc] =	wrdreg s10  }
0x1b: {  	s4 =	sadd.s32 s7, s21;
	[dreg:$0xd] =	wrdreg s9;
	s0 =	sadd.s32 s7, s0  }
0x1c: {  	s6 =	simm.s32 $0x5800;
	s9 =	simm.s32 $0x6800;
	s4 =	sshrl.u32 s4, $0x3  }
0x1d: {  	s10 =	simm.s32 $0x7800;
	s0 =	sshrl.u32 s0, $0x3;
	s4 =	sadd.s32 s5, s4  }
0x1e: {  	s0 =	sadd.s32 s5, s0;
	[dreg:$0xe] =	wrdreg s4;
	s4 =	sshrl.u32 s28, $0x3  }
0x1f: {  	s13 =	simm.s32 $0x1;
	[dreg:$0x10] =	wrdreg s0;
	s4 =	sadd.s32 s5, s4  }
0x20: {  	v0 =	vimm.f32 $0.0e+00;
	s15 =	sadd.s32 s19, s2;
	s0 =	simm.s32 $0x4800;
	[dreg:$0xf] =	wrdreg s4  }
.LBB2_1:
0x21: {  	s4 =	simm.s32 $0x0;
	s19 =	simm.s32 $0x200  }
.LBB2_2:
0x22: {  	p3 =	sne.s32 s19, $0xFE00;
	[tilespmem:s4+$0x2870] =	vst v0  }
0x23: {  	[tilespmem:s4+$0x2800] =	vst v0  }
0x24: {  	[tilespmem:s4+$0x2810] =	vst v0  }
.Ltmp0:
0x25: {  	[tilespmem:s4+$0x2820] =	vst v0;
	(pc) =	sbr.rel @p3 .LBB2_2-.Ltmp0, $4  }
0x26: {  	[tilespmem:s4+$0x2830] =	vst v0  }
0x27: {  	[tilespmem:s4+$0x2840] =	vst v0  }
0x28: {  	[tilespmem:s4+$0x2850] =	vst v0  }
0x29: {  	[tilespmem:s4+$0x2860] =	vst v0;
	s4 =	sshra.s32 s19, $0x2;
	s19 =	sadd.s32 $0x200, s19  }
0x2a: {  	[tilespmem:s4+$0x2870] =	vst v0  }
0x2b: {  	[tilespmem:s4+$0x2800] =	vst v0  }
0x2c: {  	[tilespmem:s4+$0x2810] =	vst v0  }
0x2d: {  	[tilespmem:s4+$0x2820] =	vst v0  }
0x2e: {  	[tilespmem:s4+$0x2830] =	vst v0  }
0x2f: {  	[tilespmem:s4+$0x2840] =	vst v0  }
0x30: {  	[tilespmem:s4+$0x2850] =	vst v0  }
0x31: {  	[tilespmem:s4+$0x2860] =	vst v0  }
0x32: {  	[spmem:s15] =	stream.linear.scatter [tilespmem:s25], [sflag:$0x3], $0x4000, $0x38;
	[tilespmem:$0x1E0C0] =	vst v63  }
0x33: {  	_ =	swait.ge [sflag:s26], $0x4000  }
0x34: {  	[sflag:s26] =	ssyncset.done $0x0  }
0x35: {  	[sflag:s26] =	ssyncadd.s32 $0xFFFFC000  }
0x36: {  	[spmem:s16] =	stream.linear.scatter [tilespmem:s25], [sflag:$0x3], $0x4000, $0x38;
	[tilespmem:$0x1E0C0] =	vst v63  }
0x37: {  	_ =	swait.ge [sflag:s26], $0x4000  }
0x38: {  	[sflag:s26] =	ssyncset.done $0x0  }
0x39: {  	[sflag:s26] =	ssyncadd.s32 $0xFFFFC000  }
0x3a: {  	[spmem:s17] =	stream.linear.scatter [tilespmem:s25], [sflag:$0x3], $0x4000, $0x38;
	[tilespmem:$0x1E0C0] =	vst v63  }
0x3b: {  	_ =	swait.ge [sflag:s26], $0x4000  }
0x3c: {  	[sflag:s26] =	ssyncset.done $0x0  }
0x3d: {  	s4 =	simm.s32 @p0 $0x2800;
	s19 =	simm.s32 @p0 $0x3;
	[sflag:s26] =	ssyncadd.s32 $0xFFFFC000  }
0x3e: {  	[spmem:s18] =	stream.linear.scatter @p0 [tilespmem:s4], [sflag:$0x3], $0x4000, $0x38;
	[tilespmem:$0x1E0C0] =	vst v63  }
0x3f: {  	_ =	swait.ge @p0 [sflag:s19], $0x4000  }
0x40: {  	[sflag:s19] =	ssyncset.done @p0 $0x0  }
0x41: {  	s21 =	rddreg [dreg:$0xc];
	[sflag:s19] =	ssyncadd.s32 @p0 $0xFFFFC000  }
0x42: {  	[spmem:s21] =	stream.linear.scatter @p0 [tilespmem:s4], [sflag:$0x3], $0x4000, $0x38;
	[tilespmem:$0x1E0C0] =	vst v63  }
0x43: {  	_ =	swait.ge @p0 [sflag:s19], $0x4000  }
0x44: {  	[sflag:s19] =	ssyncset.done @p0 $0x0  }
0x45: {  	s4 =	simm.s32 @!p1 $0x2800;
	[sflag:s19] =	ssyncadd.s32 @p0 $0xFFFFC000;
	s19 =	rddreg [dreg:$0x4]  }
0x46: {  	[spmem:s19] =	stream.linear.scatter @!p1 [tilespmem:s4], [sflag:$0x3], $0x400, $0x38;
	[tilespmem:$0x1E0C0] =	vst v63  }
0x47: {  	s4 =	simm.s32 @!p1 $0x3  }
0x48: {  	_ =	swait.ge @!p1 [sflag:s4], $0x400  }
0x49: {  	[sflag:s4] =	ssyncset.done @!p1 $0x0  }
0x4a: {  	[sflag:s4] =	ssyncadd.s32 @!p1 $0xFFFFFC00;
	s4 =	simm.s32 @!p0 $0x2800  }
0x4b: {  	[spmem:s8] =	stream.linear.scatter @!p0 [tilespmem:s4], [sflag:$0x3], $0x800, $0x38;
	[tilespmem:$0x1E0C0] =	vst v63  }
0x4c: {  	s4 =	simm.s32 @!p0 $0x3  }
0x4d: {  	_ =	swait.ge @!p0 [sflag:s4], $0x800  }
0x4e: {  	[sflag:s4] =	ssyncset.done @!p0 $0x0  }
0x4f: {  	[sflag:s4] =	ssyncadd.s32 @!p0 $0xFFFFF800  }
0x50: {  	[bflag:$0x0] =	sbarrier.arrive $0xFFFF  }
0x51: {  	s23 =	simm.s32 $0x0;
	s28 =	rddreg [dreg:$0x5]  }
0x52: {  	[tilespmem:s23], [sflag:$0x3] =	stream.linear.gather [hbm4b:s28+s23], $0x1400, $0x38;
	[tilespmem:$0x1E0C0] =	vst v63  }
0x53: {  	_ =	swait.ge [sflag:s26], $0x1400  }
0x54: {  	[sflag:s26] =	ssyncset.done $0x0  }
0x55: {  	s22 =	simm.s32 $0x1400;
	s21 =	rddreg [dreg:$0x6];
	[sflag:s26] =	ssyncadd.s32 $0xFFFFEC00  }
0x56: {  	[tilespmem:s22], [sflag:$0x3] =	stream.linear.gather [hbm4b:s21+s23], $0x1400, $0x38;
	[tilespmem:$0x1E0C0] =	vst v63  }
0x57: {  	_ =	swait.ge [sflag:s26], $0x1400  }
0x58: {  	[sflag:s26] =	ssyncset.done $0x0  }
0x59: {  	[sflag:s26] =	ssyncadd.s32 $0xFFFFEC00  }
0x5a: {  	[tilespmem:s25], [sflag:$0x1] =	stream.indirect.gather [hbm4b:s1+s29], $0x80, s23, s29, $0xb8;
	[tilespmem:$0x1E0C0] =	vst v63  }
0x5b: {  	_ = 	snop  }
0x5c: {  	[tilespmem:s30], [sflag:$0x1] =	stream.indirect.gather [hbm4b:s1+s29], $0x80, s29, s29, $0xb8;
	[tilespmem:$0x1E0C0] =	vst v63  }
0x5d: {  	s23 =	simm.s32 $0x40  }
0x5e: {  	[tilespmem:s0], [sflag:$0x1] =	stream.indirect.gather [hbm4b:s1+s29], $0x80, s23, s29, $0xb8;
	[tilespmem:$0x1E0C0] =	vst v63  }
0x5f: {  	s28 =	simm.s32 $0x60  }
0x60: {  	[tilespmem:s6], [sflag:$0x1] =	stream.indirect.gather [hbm4b:s1+s29], $0x80, s28, s29, $0xb8;
	[tilespmem:$0x1E0C0] =	vst v63  }
0x61: {  	s19 =	simm.s32 $0x80  }
0x62: {  	[tilespmem:s9], [sflag:$0x2] =	stream.indirect.gather [hbm4b:s1+s29], $0x80, s19, s29, $0xb8;
	[tilespmem:$0x1E0C0] =	vst v63  }
0x63: {  	s21 =	simm.s32 $0xA0  }
0x64: {  	[tilespmem:s10], [sflag:$0x2] =	stream.indirect.gather [hbm4b:s1+s29], $0x80, s21, s29, $0xb8;
	[tilespmem:$0x1E0C0] =	vst v63  }
0x65: {  	s22 =	simm.s32 $0xC0  }
0x66: {  	[tilespmem:s11], [sflag:$0x2] =	stream.indirect.gather [hbm4b:s1+s29], $0x80, s22, s29, $0xb8;
	[tilespmem:$0x1E0C0] =	vst v63  }
0x67: {  	s23 =	simm.s32 $0xE0  }
0x68: {  	[tilespmem:s12], [sflag:$0x2] =	stream.indirect.gather [hbm4b:s1+s29], $0x80, s23, s29, $0xb8;
	[tilespmem:$0x1E0C0] =	vst v63  }
0x69: {  	_ =	swait.ge [sflag:s13], $0x4000  }
0x6a: {  	[sflag:s13] =	ssyncset.done $0x0  }
0x6b: {  	s28 =	simm.s32 $0x1400;
	[sflag:s13] =	ssyncadd.s32 $0xFFFFC000  }
0x6c: {  	[spmem:s2] =	stream.indirect.scatter.add.f32 [tilespmem:s25], [sflag:$0x3], $0x80, s28, s14, $0xb8;
	[tilespmem:$0x1E0C0] =	vst v63  }
0x6d: {  	_ =	swait.ge [sflag:s26], $0x4000  }
0x6e: {  	[sflag:s26] =	ssyncset.done $0x0  }
0x6f: {  	s19 =	simm.s32 $0x100;
	[sflag:s26] =	ssyncadd.s32 $0xFFFFC000  }
0x70: {  	[tilespmem:s25], [sflag:$0x1] =	stream.indirect.gather [hbm4b:s1+s29], $0x80, s19, s29, $0xb8;
	[tilespmem:$0x1E0C0] =	vst v63  }
0x71: {  	s21 =	simm.s32 $0x120  }
0x72: {  	[tilespmem:s30], [sflag:$0x1] =	stream.indirect.gather [hbm4b:s1+s29], $0x80, s21, s29, $0xb8;
	[tilespmem:$0x1E0C0] =	vst v63  }
0x73: {  	s22 =	simm.s32 $0x140  }
0x74: {  	[tilespmem:s0], [sflag:$0x1] =	stream.indirect.gather [hbm4b:s1+s29], $0x80, s22, s29, $0xb8;
	[tilespmem:$0x1E0C0] =	vst v63  }
0x75: {  	s23 =	simm.s32 $0x160  }
0x76: {  	[tilespmem:s6], [sflag:$0x1] =	stream.indirect.gather [hbm4b:s1+s29], $0x80, s23, s29, $0xb8;
	[tilespmem:$0x1E0C0] =	vst v63  }
0x77: {  	_ =	swait.ge [sflag:s20], $0x4000  }
0x78: {  	[sflag:s20] =	ssyncset.done $0x0  }
0x79: {  	s28 =	simm.s32 $0x1480;
	[sflag:s20] =	ssyncadd.s32 $0xFFFFC000  }
0x7a: {  	[spmem:s2] =	stream.indirect.scatter.add.f32 [tilespmem:s9], [sflag:$0x3], $0x80, s28, s14, $0xb8;
	[tilespmem:$0x1E0C0] =	vst v63  }
0x7b: {  	s4 =	simm.s32 $0x100;
	s19 =	rddreg [dreg:$0xb];
	_ =	swait.ge [sflag:s26], $0x4000  }
0x7c: {  	s21 =	simm.s32 $0x800;
	s19 =	simm.s32 @!p0 $0x4F;
	[sflag:s26] =	ssyncset.done $0x0  }
.LBB2_4:
0x7d: {  	s22 =	sadd.s32 $0x80, s4  }
0x7e: {  	[sflag:s26] =	ssyncadd.s32 $0xFFFFC000;
	s28 =	smov.u32 s21;
	s23 =	sadd.s32 $0x400, s21  }
0x7f: {  	[tilespmem:s9], [sflag:$0x2] =	stream.indirect.gather [hbm4b:s1+s29], $0x80, s22, s29, $0xb8;
	[tilespmem:$0x1E0C0] =	vst v63  }
0x80: {  	p3 =	sne.s32 s21, $0x4800;
	s21 =	sadd.s32 $0xA0, s4  }
0x81: {  	[tilespmem:s10], [sflag:$0x2] =	stream.indirect.gather [hbm4b:s1+s29], $0x80, s21, s29, $0xb8;
	[tilespmem:$0x1E0C0] =	vst v63  }
0x82: {  	s21 =	sadd.s32 $0xC0, s4  }
0x83: {  	[tilespmem:s11], [sflag:$0x2] =	stream.indirect.gather [hbm4b:s1+s29], $0x80, s21, s29, $0xb8;
	[tilespmem:$0x1E0C0] =	vst v63  }
0x84: {  	s21 =	sadd.s32 $0xE0, s4  }
0x85: {  	[tilespmem:s12], [sflag:$0x2] =	stream.indirect.gather [hbm4b:s1+s29], $0x80, s21, s29, $0xb8;
	[tilespmem:$0x1E0C0] =	vst v63  }
0x86: {  	_ =	swait.ge [sflag:s13], $0x4000  }
0x87: {  	[sflag:s13] =	ssyncset.done $0x0  }
0x88: {  	s21 =	sadd.s32 $0x1400, s4;
	[sflag:s13] =	ssyncadd.s32 $0xFFFFC000  }
0x89: {  	[spmem:s2] =	stream.indirect.scatter.add.f32 [tilespmem:s25], [sflag:$0x3], $0x80, s21, s14, $0xb8;
	[tilespmem:$0x1E0C0] =	vst v63  }
0x8a: {  	_ =	swait.ge [sflag:s26], $0x4000  }
0x8b: {  	[sflag:s26] =	ssyncset.done $0x0  }
0x8c: {  	s21 =	sadd.s32 $0x100, s4;
	[sflag:s26] =	ssyncadd.s32 $0xFFFFC000  }
0x8d: {  	[tilespmem:s25], [sflag:$0x1] =	stream.indirect.gather [hbm4b:s1+s29], $0x80, s21, s29, $0xb8;
	[tilespmem:$0x1E0C0] =	vst v63  }
0x8e: {  	s21 =	sadd.s32 $0x120, s4  }
0x8f: {  	[tilespmem:s30], [sflag:$0x1] =	stream.indirect.gather [hbm4b:s1+s29], $0x80, s21, s29, $0xb8;
	[tilespmem:$0x1E0C0] =	vst v63  }
0x90: {  	s21 =	sadd.s32 $0x140, s4  }
0x91: {  	[tilespmem:s0], [sflag:$0x1] =	stream.indirect.gather [hbm4b:s1+s29], $0x80, s21, s29, $0xb8;
	[tilespmem:$0x1E0C0] =	vst v63  }
0x92: {  	s21 =	sadd.s32 $0x160, s4  }
0x93: {  	[tilespmem:s6], [sflag:$0x1] =	stream.indirect.gather [hbm4b:s1+s29], $0x80, s21, s29, $0xb8;
	[tilespmem:$0x1E0C0] =	vst v63  }
0x94: {  	_ =	swait.ge [sflag:s20], $0x4000  }
.Ltmp1:
0x95: {  	[sflag:s20] =	ssyncset.done $0x0;
	(pc) =	sbr.rel @p3 .LBB2_4-.Ltmp1, $4  }
0x96: {  	s4 =	sadd.s32 $0x1480, s4;
	[sflag:s20] =	ssyncadd.s32 $0xFFFFC000  }
0x97: {  	[spmem:s2] =	stream.indirect.scatter.add.f32 [tilespmem:s9], [sflag:$0x3], $0x80, s4, s14, $0xb8;
	[tilespmem:$0x1E0C0] =	vst v63  }
0x98: {  	_ =	swait.ge [sflag:s26], $0x4000  }
0x99: {  	s21 =	smov.u32 s23;
	s4 =	sshra.s32 s28, $0x2;
	[sflag:s26] =	ssyncset.done $0x0  }
0x9a: {  	s21 =	sadd.s32 $0x80, s4;
	[sflag:s26] =	ssyncadd.s32 $0xFFFFC000  }
0x9b: {  	[tilespmem:s9], [sflag:$0x2] =	stream.indirect.gather [hbm4b:s1+s29], $0x80, s21, s29, $0xb8;
	[tilespmem:$0x1E0C0] =	vst v63  }
0x9c: {  	s23 =	sadd.s32 $0xA0, s4  }
0x9d: {  	[tilespmem:s10], [sflag:$0x2] =	stream.indirect.gather [hbm4b:s1+s29], $0x80, s23, s29, $0xb8;
	[tilespmem:$0x1E0C0] =	vst v63  }
0x9e: {  	s28 =	sadd.s32 $0xC0, s4  }
0x9f: {  	[tilespmem:s11], [sflag:$0x2] =	stream.indirect.gather [hbm4b:s1+s29], $0x80, s28, s29, $0xb8;
	[tilespmem:$0x1E0C0] =	vst v63  }
0xa0: {  	s22 =	sadd.s32 $0xE0, s4  }
0xa1: {  	[tilespmem:s12], [sflag:$0x2] =	stream.indirect.gather [hbm4b:s1+s29], $0x80, s22, s29, $0xb8;
	[tilespmem:$0x1E0C0] =	vst v63  }
0xa2: {  	_ =	swait.ge [sflag:s13], $0x4000  }
0xa3: {  	[sflag:s13] =	ssyncset.done $0x0  }
0xa4: {  	s23 =	sadd.s32 $0x1400, s4;
	[sflag:s13] =	ssyncadd.s32 $0xFFFFC000  }
0xa5: {  	[spmem:s2] =	stream.indirect.scatter.add.f32 [tilespmem:s25], [sflag:$0x3], $0x80, s23, s14, $0xb8;
	[tilespmem:$0x1E0C0] =	vst v63  }
0xa6: {  	_ =	swait.ge [sflag:s26], $0x4000  }
0xa7: {  	[sflag:s26] =	ssyncset.done $0x0  }
0xa8: {  	s28 =	sadd.s32 $0x100, s4;
	[sflag:s26] =	ssyncadd.s32 $0xFFFFC000  }
0xa9: {  	[tilespmem:s25], [sflag:$0x1] =	stream.indirect.gather [hbm4b:s1+s29], $0x80, s28, s29, $0xb8;
	[tilespmem:$0x1E0C0] =	vst v63  }
0xaa: {  	s22 =	sadd.s32 $0x120, s4  }
0xab: {  	[tilespmem:s30], [sflag:$0x1] =	stream.indirect.gather [hbm4b:s1+s29], $0x80, s22, s29, $0xb8;
	[tilespmem:$0x1E0C0] =	vst v63  }
0xac: {  	s23 =	sadd.s32 $0x140, s4  }
0xad: {  	[tilespmem:s0], [sflag:$0x1] =	stream.indirect.gather [hbm4b:s1+s29], $0x80, s23, s29, $0xb8;
	[tilespmem:$0x1E0C0] =	vst v63  }
0xae: {  	s28 =	sadd.s32 $0x160, s4  }
0xaf: {  	[tilespmem:s6], [sflag:$0x1] =	stream.indirect.gather [hbm4b:s1+s29], $0x80, s28, s29, $0xb8;
	[tilespmem:$0x1E0C0] =	vst v63  }
0xb0: {  	_ =	swait.ge [sflag:s20], $0x4000  }
0xb1: {  	[sflag:s20] =	ssyncset.done $0x0  }
0xb2: {  	s22 =	sadd.s32 $0x1480, s4;
	[sflag:s20] =	ssyncadd.s32 $0xFFFFC000  }
0xb3: {  	[spmem:s2] =	stream.indirect.scatter.add.f32 [tilespmem:s9], [sflag:$0x3], $0x80, s22, s14, $0xb8;
	[tilespmem:$0x1E0C0] =	vst v63  }
0xb4: {  	_ =	swait.ge [sflag:s26], $0x4000  }
0xb5: {  	[sflag:s26] =	ssyncset.done $0x0  }
0xb6: {  	s23 =	simm.s32 $0x1380;
	[sflag:s26] =	ssyncadd.s32 $0xFFFFC000  }
0xb7: {  	[tilespmem:s9], [sflag:$0x2] =	stream.indirect.gather [hbm4b:s1+s29], $0x80, s23, s29, $0xb8;
	[tilespmem:$0x1E0C0] =	vst v63  }
0xb8: {  	s28 =	simm.s32 $0x13A0  }
0xb9: {  	[tilespmem:s10], [sflag:$0x2] =	stream.indirect.gather [hbm4b:s1+s29], $0x80, s28, s29, $0xb8;
	[tilespmem:$0x1E0C0] =	vst v63  }
0xba: {  	s21 =	simm.s32 $0x13C0  }
0xbb: {  	[tilespmem:s11], [sflag:$0x2] =	stream.indirect.gather [hbm4b:s1+s29], $0x80, s21, s29, $0xb8;
	[tilespmem:$0x1E0C0] =	vst v63  }
0xbc: {  	s22 =	simm.s32 $0x13E0  }
0xbd: {  	[tilespmem:s12], [sflag:$0x2] =	stream.indirect.gather [hbm4b:s1+s29], $0x80, s22, s29, $0xb8;
	[tilespmem:$0x1E0C0] =	vst v63  }
0xbe: {  	_ =	swait.ge [sflag:s13], $0x4000  }
0xbf: {  	[sflag:s13] =	ssyncset.done $0x0  }
0xc0: {  	[sflag:s13] =	ssyncadd.s32 $0xFFFFC000  }
0xc1: {  	[spmem:s2] =	stream.indirect.scatter.add.f32 [tilespmem:s25], [sflag:$0x3], $0x80, s24, s14, $0xb8;
	[tilespmem:$0x1E0C0] =	vst v63  }
0xc2: {  	_ =	swait.ge [sflag:s26], $0x4000  }
0xc3: {  	[sflag:s26] =	ssyncset.done $0x0  }
0xc4: {  	[sflag:s26] =	ssyncadd.s32 $0xFFFFC000  }
0xc5: {  	_ =	swait.ge [sflag:s20], $0x4000  }
0xc6: {  	[sflag:s20] =	ssyncset.done $0x0  }
0xc7: {  	[sflag:s20] =	ssyncadd.s32 $0xFFFFC000  }
0xc8: {  	[spmem:s2] =	stream.indirect.scatter.add.f32 [tilespmem:s9], [sflag:$0x3], $0x80, s31, s14, $0xb8;
	[tilespmem:$0x1E0C0] =	vst v63  }
0xc9: {  	_ =	swait.ge [sflag:s26], $0x4000  }
0xca: {  	[sflag:s26] =	ssyncset.done $0x0  }
0xcb: {  	s4 =	simm.s32 $0x0;
	s23 =	rddreg [dreg:$0x7];
	[sflag:s26] =	ssyncadd.s32 $0xFFFFC000  }
0xcc: {  	[tilespmem:s4], [sflag:$0x3] =	stream.linear.gather [hbm4b:s23+s4], $0x1400, $0x38;
	[tilespmem:$0x1E0C0] =	vst v63  }
0xcd: {  	_ =	swait.ge [sflag:s26], $0x1400  }
0xce: {  	[sflag:s26] =	ssyncset.done $0x0  }
0xcf: {  	s22 =	simm.s32 $0x1400;
	s28 =	rddreg [dreg:$0x8];
	[sflag:s26] =	ssyncadd.s32 $0xFFFFEC00  }
0xd0: {  	[tilespmem:s22], [sflag:$0x3] =	stream.linear.gather [hbm4b:s28+s4], $0x1400, $0x38;
	[tilespmem:$0x1E0C0] =	vst v63  }
0xd1: {  	_ =	swait.ge [sflag:s26], $0x1400  }
0xd2: {  	[sflag:s26] =	ssyncset.done $0x0  }
0xd3: {  	[sflag:s26] =	ssyncadd.s32 $0xFFFFEC00  }
0xd4: {  	[tilespmem:s25], [sflag:$0x1] =	stream.indirect.gather [hbm4b:s1+s29], $0x80, s4, s29, $0xb8;
	[tilespmem:$0x1E0C0] =	vst v63  }
0xd5: {  	_ = 	snop  }
0xd6: {  	[tilespmem:s30], [sflag:$0x1] =	stream.indirect.gather [hbm4b:s1+s29], $0x80, s29, s29, $0xb8;
	[tilespmem:$0x1E0C0] =	vst v63  }
0xd7: {  	s21 =	simm.s32 $0x40  }
0xd8: {  	[tilespmem:s0], [sflag:$0x1] =	stream.indirect.gather [hbm4b:s1+s29], $0x80, s21, s29, $0xb8;
	[tilespmem:$0x1E0C0] =	vst v63  }
0xd9: {  	s22 =	simm.s32 $0x60  }
0xda: {  	[tilespmem:s6], [sflag:$0x1] =	stream.indirect.gather [hbm4b:s1+s29], $0x80, s22, s29, $0xb8;
	[tilespmem:$0x1E0C0] =	vst v63  }
0xdb: {  	s23 =	simm.s32 $0x80  }
0xdc: {  	[tilespmem:s9], [sflag:$0x2] =	stream.indirect.gather [hbm4b:s1+s29], $0x80, s23, s29, $0xb8;
	[tilespmem:$0x1E0C0] =	vst v63  }
0xdd: {  	s28 =	simm.s32 $0xA0  }
0xde: {  	[tilespmem:s10], [sflag:$0x2] =	stream.indirect.gather [hbm4b:s1+s29], $0x80, s28, s29, $0xb8;
	[tilespmem:$0x1E0C0] =	vst v63  }
0xdf: {  	s21 =	simm.s32 $0xC0  }
0xe0: {  	[tilespmem:s11], [sflag:$0x2] =	stream.indirect.gather [hbm4b:s1+s29], $0x80, s21, s29, $0xb8;
	[tilespmem:$0x1E0C0] =	vst v63  }
0xe1: {  	s22 =	simm.s32 $0xE0  }
0xe2: {  	[tilespmem:s12], [sflag:$0x2] =	stream.indirect.gather [hbm4b:s1+s29], $0x80, s22, s29, $0xb8;
	[tilespmem:$0x1E0C0] =	vst v63  }
0xe3: {  	_ =	swait.ge [sflag:s13], $0x4000  }
0xe4: {  	[sflag:s13] =	ssyncset.done $0x0  }
0xe5: {  	s23 =	simm.s32 $0x1400;
	[sflag:s13] =	ssyncadd.s32 $0xFFFFC000  }
0xe6: {  	[spmem:s2] =	stream.indirect.scatter.add.f32 [tilespmem:s25], [sflag:$0x3], $0x80, s23, s14, $0xb8;
	[tilespmem:$0x1E0C0] =	vst v63  }
0xe7: {  	_ =	swait.ge [sflag:s26], $0x4000  }
0xe8: {  	[sflag:s26] =	ssyncset.done $0x0  }
0xe9: {  	s28 =	simm.s32 $0x100;
	[sflag:s26] =	ssyncadd.s32 $0xFFFFC000  }
0xea: {  	[tilespmem:s25], [sflag:$0x1] =	stream.indirect.gather [hbm4b:s1+s29], $0x80, s28, s29, $0xb8;
	[tilespmem:$0x1E0C0] =	vst v63  }
0xeb: {  	s21 =	simm.s32 $0x120  }
0xec: {  	[tilespmem:s30], [sflag:$0x1] =	stream.indirect.gather [hbm4b:s1+s29], $0x80, s21, s29, $0xb8;
	[tilespmem:$0x1E0C0] =	vst v63  }
0xed: {  	s22 =	simm.s32 $0x140  }
0xee: {  	[tilespmem:s0], [sflag:$0x1] =	stream.indirect.gather [hbm4b:s1+s29], $0x80, s22, s29, $0xb8;
	[tilespmem:$0x1E0C0] =	vst v63  }
0xef: {  	s23 =	simm.s32 $0x160  }
0xf0: {  	[tilespmem:s6], [sflag:$0x1] =	stream.indirect.gather [hbm4b:s1+s29], $0x80, s23, s29, $0xb8;
	[tilespmem:$0x1E0C0] =	vst v63  }
0xf1: {  	_ =	swait.ge [sflag:s20], $0x4000  }
0xf2: {  	[sflag:s20] =	ssyncset.done $0x0  }
0xf3: {  	s28 =	simm.s32 $0x1480;
	[sflag:s20] =	ssyncadd.s32 $0xFFFFC000  }
0xf4: {  	[spmem:s2] =	stream.indirect.scatter.add.f32 [tilespmem:s9], [sflag:$0x3], $0x80, s28, s14, $0xb8;
	[tilespmem:$0x1E0C0] =	vst v63  }
0xf5: {  	_ =	swait.ge [sflag:s26], $0x4000  }
0xf6: {  	s4 =	simm.s32 $0x100;
	s21 =	simm.s32 $0x800;
	[sflag:s26] =	ssyncset.done $0x0  }
.LBB2_6:
0xf7: {  	s22 =	sadd.s32 $0x80, s4  }
0xf8: {  	[sflag:s26] =	ssyncadd.s32 $0xFFFFC000;
	s23 =	smov.u32 s21;
	s28 =	sadd.s32 $0x400, s21  }
0xf9: {  	[tilespmem:s9], [sflag:$0x2] =	stream.indirect.gather [hbm4b:s1+s29], $0x80, s22, s29, $0xb8;
	[tilespmem:$0x1E0C0] =	vst v63  }
0xfa: {  	p3 =	sne.s32 s21, $0x4800;
	s21 =	sadd.s32 $0xA0, s4  }
0xfb: {  	[tilespmem:s10], [sflag:$0x2] =	stream.indirect.gather [hbm4b:s1+s29], $0x80, s21, s29, $0xb8;
	[tilespmem:$0x1E0C0] =	vst v63  }
0xfc: {  	s21 =	sadd.s32 $0xC0, s4  }
0xfd: {  	[tilespmem:s11], [sflag:$0x2] =	stream.indirect.gather [hbm4b:s1+s29], $0x80, s21, s29, $0xb8;
	[tilespmem:$0x1E0C0] =	vst v63  }
0xfe: {  	s21 =	sadd.s32 $0xE0, s4  }
0xff: {  	[tilespmem:s12], [sflag:$0x2] =	stream.indirect.gather [hbm4b:s1+s29], $0x80, s21, s29, $0xb8;
	[tilespmem:$0x1E0C0] =	vst v63  }
0x100: {  	_ =	swait.ge [sflag:s13], $0x4000  }
0x101: {  	[sflag:s13] =	ssyncset.done $0x0  }
0x102: {  	s21 =	sadd.s32 $0x1400, s4;
	[sflag:s13] =	ssyncadd.s32 $0xFFFFC000  }
0x103: {  	[spmem:s2] =	stream.indirect.scatter.add.f32 [tilespmem:s25], [sflag:$0x3], $0x80, s21, s14, $0xb8;
	[tilespmem:$0x1E0C0] =	vst v63  }
0x104: {  	_ =	swait.ge [sflag:s26], $0x4000  }
0x105: {  	[sflag:s26] =	ssyncset.done $0x0  }
0x106: {  	s21 =	sadd.s32 $0x100, s4;
	[sflag:s26] =	ssyncadd.s32 $0xFFFFC000  }
0x107: {  	[tilespmem:s25], [sflag:$0x1] =	stream.indirect.gather [hbm4b:s1+s29], $0x80, s21, s29, $0xb8;
	[tilespmem:$0x1E0C0] =	vst v63  }
0x108: {  	s21 =	sadd.s32 $0x120, s4  }
0x109: {  	[tilespmem:s30], [sflag:$0x1] =	stream.indirect.gather [hbm4b:s1+s29], $0x80, s21, s29, $0xb8;
	[tilespmem:$0x1E0C0] =	vst v63  }
0x10a: {  	s21 =	sadd.s32 $0x140, s4  }
0x10b: {  	[tilespmem:s0], [sflag:$0x1] =	stream.indirect.gather [hbm4b:s1+s29], $0x80, s21, s29, $0xb8;
	[tilespmem:$0x1E0C0] =	vst v63  }
0x10c: {  	s21 =	sadd.s32 $0x160, s4  }
0x10d: {  	[tilespmem:s6], [sflag:$0x1] =	stream.indirect.gather [hbm4b:s1+s29], $0x80, s21, s29, $0xb8;
	[tilespmem:$0x1E0C0] =	vst v63  }
0x10e: {  	_ =	swait.ge [sflag:s20], $0x4000  }
.Ltmp2:
0x10f: {  	[sflag:s20] =	ssyncset.done $0x0;
	(pc) =	sbr.rel @p3 .LBB2_6-.Ltmp2, $4  }
0x110: {  	s4 =	sadd.s32 $0x1480, s4;
	[sflag:s20] =	ssyncadd.s32 $0xFFFFC000  }
0x111: {  	[spmem:s2] =	stream.indirect.scatter.add.f32 [tilespmem:s9], [sflag:$0x3], $0x80, s4, s14, $0xb8;
	[tilespmem:$0x1E0C0] =	vst v63  }
0x112: {  	_ =	swait.ge [sflag:s26], $0x4000  }
0x113: {  	s21 =	smov.u32 s28;
	s4 =	sshra.s32 s23, $0x2;
	[sflag:s26] =	ssyncset.done $0x0  }
0x114: {  	s21 =	sadd.s32 $0x80, s4;
	[sflag:s26] =	ssyncadd.s32 $0xFFFFC000  }
0x115: {  	[tilespmem:s9], [sflag:$0x2] =	stream.indirect.gather [hbm4b:s1+s29], $0x80, s21, s29, $0xb8;
	[tilespmem:$0x1E0C0] =	vst v63  }
0x116: {  	s23 =	sadd.s32 $0xA0, s4  }
0x117: {  	[tilespmem:s10], [sflag:$0x2] =	stream.indirect.gather [hbm4b:s1+s29], $0x80, s23, s29, $0xb8;
	[tilespmem:$0x1E0C0] =	vst v63  }
0x118: {  	s28 =	sadd.s32 $0xC0, s4  }
0x119: {  	[tilespmem:s11], [sflag:$0x2] =	stream.indirect.gather [hbm4b:s1+s29], $0x80, s28, s29, $0xb8;
	[tilespmem:$0x1E0C0] =	vst v63  }
0x11a: {  	s22 =	sadd.s32 $0xE0, s4  }
0x11b: {  	[tilespmem:s12], [sflag:$0x2] =	stream.indirect.gather [hbm4b:s1+s29], $0x80, s22, s29, $0xb8;
	[tilespmem:$0x1E0C0] =	vst v63  }
0x11c: {  	_ =	swait.ge [sflag:s13], $0x4000  }
0x11d: {  	[sflag:s13] =	ssyncset.done $0x0  }
0x11e: {  	s23 =	sadd.s32 $0x1400, s4;
	[sflag:s13] =	ssyncadd.s32 $0xFFFFC000  }
0x11f: {  	[spmem:s2] =	stream.indirect.scatter.add.f32 [tilespmem:s25], [sflag:$0x3], $0x80, s23, s14, $0xb8;
	[tilespmem:$0x1E0C0] =	vst v63  }
0x120: {  	_ =	swait.ge [sflag:s26], $0x4000  }
0x121: {  	[sflag:s26] =	ssyncset.done $0x0  }
0x122: {  	s28 =	sadd.s32 $0x100, s4;
	[sflag:s26] =	ssyncadd.s32 $0xFFFFC000  }
0x123: {  	[tilespmem:s25], [sflag:$0x1] =	stream.indirect.gather [hbm4b:s1+s29], $0x80, s28, s29, $0xb8;
	[tilespmem:$0x1E0C0] =	vst v63  }
0x124: {  	s22 =	sadd.s32 $0x120, s4  }
0x125: {  	[tilespmem:s30], [sflag:$0x1] =	stream.indirect.gather [hbm4b:s1+s29], $0x80, s22, s29, $0xb8;
	[tilespmem:$0x1E0C0] =	vst v63  }
0x126: {  	s23 =	sadd.s32 $0x140, s4  }
0x127: {  	[tilespmem:s0], [sflag:$0x1] =	stream.indirect.gather [hbm4b:s1+s29], $0x80, s23, s29, $0xb8;
	[tilespmem:$0x1E0C0] =	vst v63  }
0x128: {  	s28 =	sadd.s32 $0x160, s4  }
0x129: {  	[tilespmem:s6], [sflag:$0x1] =	stream.indirect.gather [hbm4b:s1+s29], $0x80, s28, s29, $0xb8;
	[tilespmem:$0x1E0C0] =	vst v63  }
0x12a: {  	_ =	swait.ge [sflag:s20], $0x4000  }
0x12b: {  	[sflag:s20] =	ssyncset.done $0x0  }
0x12c: {  	s22 =	sadd.s32 $0x1480, s4;
	[sflag:s20] =	ssyncadd.s32 $0xFFFFC000  }
0x12d: {  	[spmem:s2] =	stream.indirect.scatter.add.f32 [tilespmem:s9], [sflag:$0x3], $0x80, s22, s14, $0xb8;
	[tilespmem:$0x1E0C0] =	vst v63  }
0x12e: {  	_ =	swait.ge [sflag:s26], $0x4000  }
0x12f: {  	[sflag:s26] =	ssyncset.done $0x0  }
0x130: {  	s23 =	simm.s32 $0x1380;
	[sflag:s26] =	ssyncadd.s32 $0xFFFFC000  }
0x131: {  	[tilespmem:s9], [sflag:$0x2] =	stream.indirect.gather [hbm4b:s1+s29], $0x80, s23, s29, $0xb8;
	[tilespmem:$0x1E0C0] =	vst v63  }
0x132: {  	s28 =	simm.s32 $0x13A0  }
0x133: {  	[tilespmem:s10], [sflag:$0x2] =	stream.indirect.gather [hbm4b:s1+s29], $0x80, s28, s29, $0xb8;
	[tilespmem:$0x1E0C0] =	vst v63  }
0x134: {  	s21 =	simm.s32 $0x13C0  }
0x135: {  	[tilespmem:s11], [sflag:$0x2] =	stream.indirect.gather [hbm4b:s1+s29], $0x80, s21, s29, $0xb8;
	[tilespmem:$0x1E0C0] =	vst v63  }
0x136: {  	s22 =	simm.s32 $0x13E0  }
0x137: {  	[tilespmem:s12], [sflag:$0x2] =	stream.indirect.gather [hbm4b:s1+s29], $0x80, s22, s29, $0xb8;
	[tilespmem:$0x1E0C0] =	vst v63  }
0x138: {  	_ =	swait.ge [sflag:s13], $0x4000  }
0x139: {  	[sflag:s13] =	ssyncset.done $0x0  }
0x13a: {  	[sflag:s13] =	ssyncadd.s32 $0xFFFFC000  }
0x13b: {  	[spmem:s2] =	stream.indirect.scatter.add.f32 [tilespmem:s25], [sflag:$0x3], $0x80, s24, s14, $0xb8;
	[tilespmem:$0x1E0C0] =	vst v63  }
0x13c: {  	_ =	swait.ge [sflag:s26], $0x4000  }
0x13d: {  	[sflag:s26] =	ssyncset.done $0x0  }
0x13e: {  	[sflag:s26] =	ssyncadd.s32 $0xFFFFC000  }
0x13f: {  	_ =	swait.ge [sflag:s20], $0x4000  }
0x140: {  	[sflag:s20] =	ssyncset.done $0x0  }
0x141: {  	[sflag:s20] =	ssyncadd.s32 $0xFFFFC000  }
0x142: {  	[spmem:s2] =	stream.indirect.scatter.add.f32 [tilespmem:s9], [sflag:$0x3], $0x80, s31, s14, $0xb8;
	[tilespmem:$0x1E0C0] =	vst v63  }
0x143: {  	_ =	swait.ge [sflag:s26], $0x4000  }
0x144: {  	[sflag:s26] =	ssyncset.done $0x0  }
0x145: {  	s23 =	stileid.u32;
	[sflag:s26] =	ssyncadd.s32 $0xFFFFC000  }
0x146: {  	s4 =	sshll.u32 s23, $0x6;
	[bflag:$0x0] =	sbarrier.arrive $0xFFFF  }
0x147: {  	s4 =	sor.u32 $0x1C03, s4;
	s28 =	sshrl.u32 s15, $0x3;
	s22 =	rddreg [dreg:$0xd]  }
0x148: {  	[hbm:s22], [sflag:s4] =	dma.local [spmem:s28], $0x800  }
0x149: {  	_ =	swait.ge [sflag:s26], $0x800  }
0x14a: {  	[sflag:s26] =	ssyncset.done $0x0  }
0x14b: {  	s23 =	sshrl.u32 s16, $0x3;
	s28 =	rddreg [dreg:$0xe];
	[sflag:s26] =	ssyncadd.s32 $0xFFFFF800  }
0x14c: {  	[hbm:s28], [sflag:s4] =	dma.local [spmem:s23], $0x800  }
0x14d: {  	_ =	swait.ge [sflag:s26], $0x800  }
0x14e: {  	[sflag:s26] =	ssyncset.done $0x0  }
0x14f: {  	s22 =	sshrl.u32 s17, $0x3;
	s23 =	rddreg [dreg:$0xf];
	[sflag:s26] =	ssyncadd.s32 $0xFFFFF800  }
0x150: {  	[hbm:s23], [sflag:s4] =	dma.local [spmem:s22], $0x800  }
0x151: {  	_ =	swait.ge [sflag:s26], $0x800  }
0x152: {  	s21 =	sshrl.u32 @p2 s8, $0x3;
	[sflag:s26] =	ssyncset.done $0x0  }
0x153: {  	s22 =	simm.s32 @p2 $0x1FC3;
	s23 =	rddreg [dreg:$0x9];
	[sflag:s26] =	ssyncadd.s32 $0xFFFFF800  }
0x154: {  	[hbm:s23], [sflag:s22] =	dma.local @p2 [spmem:s21], $0x100  }
0x155: {  	s21 =	simm.s32 @p2 $0x3  }
0x156: {  	_ =	swait.ge @p2 [sflag:s21], $0x100  }
0x157: {  	[sflag:s21] =	ssyncset.done @p2 $0x0  }
0x158: {  	s22 =	rddreg [dreg:$0x10];
	[sflag:s21] =	ssyncadd.s32 @p2 $0xFFFFFF00;
	s21 =	sshrl.u32 @!p2 s18, $0x3  }
0x159: {  	[hbm:s22], [sflag:s4] =	dma.local @!p2 [spmem:s21], $0x800  }
0x15a: {  	s19 =	sshll.u32 @!p2 s19, $0xE;
	s21 =	simm.s32 @!p2 $0x3  }
0x15b: {  	s22 =	sadd.s32 @!p2 s7, s19;
	_ =	swait.ge @!p2 [sflag:s21], $0x800  }
0x15c: {  	s19 =	sadd.s32 @!p2 s19, s2;
	s22 =	sshrl.u32 @!p2 s22, $0x3;
	[sflag:s21] =	ssyncset.done @!p2 $0x0  }
0x15d: {  	s19 =	sshrl.u32 @!p2 s19, $0x3;
	s22 =	sadd.s32 @!p2 s5, s22;
	[sflag:s21] =	ssyncadd.s32 @!p2 $0xFFFFF800  }
0x15e: {  	[hbm:s22], [sflag:s4] =	dma.local @!p2 [spmem:s19], $0x800  }
0x15f: {  	_ =	swait.ge @!p2 [sflag:s21], $0x800  }
0x160: {  	s3 =	sadd.s32 $0x1, s3;
	s28 =	rddreg [dreg:$0xa]  }
0x161: {  	p3 =	sne.s32 s3, s28  }
.Ltmp3:
0x162: {  	_ = 	snop;
	(pc) =	sbr.rel @p3 .LBB2_1-.Ltmp3, $3  }
0x163: {  	_ =	sdelay $0x1  }
0x164: {  	[sflag:s21] =	ssyncset.done @!p2 $0x0  }
0x165: {  	[sflag:s21] =	ssyncadd.s32 @!p2 $0xFFFFF800  }
0x166: {  	_ =	sfence.sel $0x180000  }
0x167: {  	[bflag:$0x0] =	sbarrier.arrive $0xFFFF  }
0x168: {  	_ =	strace $0x9000004D  }
0x169: {  	s0 =	stileid.u32;
	[bflag:$0x2] =	sbarrier.arrive $0xFFFF  }
0x16a: {  	p0 =	sne.s32 s0, $0x0;
	s0 =	rddreg [dreg:$0x3]  }
0x16b: {  	s0 =	sadd.s32 @!p0 $0x100000, s0  }
0x16c: {  	[sflag:s0] =	ssyncadd.tile.s32 @!p0 $0x1;
	_ =	shalt  }
.Lfunc_end2:
_tile_overlayer_lowered:
.L_overlay_start_2:
0x16d: {  	(tag) =	ssettag $0x2  }
0x16e: {  	s0 =	rddreg [dreg:$0x0];
	s2 =	stileid.u32  }
0x16f: {  	s1 =	rddreg [dreg:$0x1];
	p0 =	sne.s32 s2, $0x0  }
0x170: {  	s3 =	rddreg [dreg:$0x2];
	[bflag:$0x3] =	sbarrier.arrive $0xFFFF;
	s2 =	simm.s32 @!p0 $0x1C03  }
0x171: {  	[timem:s3], [sflag:s2] =	dma.local @!p0 [hbm:s0], s1  }
0x172: {  	s0 =	simm.s32 @!p0 $0x3  }
0x173: {  	_ =	swait.ge @!p0 [sflag:s0], s1  }
0x174: {  	s1 =	ssub.s32 @!p0 $0x0, s1;
	[sflag:s0] =	ssyncset.done @!p0 $0x0  }
0x175: {  	[sflag:s0] =	ssyncadd.s32 @!p0 s1  }
0x176: {  	[bflag:$0x3] =	sbarrier.arrive $0xFFFF  }
0x177: {  	_ =	shalt  }

// kernel: kernel.8.cloned.1.call-start
scs
__scs_entry_jumppad:
0x0: {  	(pc) =	sbr.rel $0x88, $3  }
0x1: {  	(tag) =	ssettag $0x0;
	lr =	simm.s32 $0x1  }
0x2: {  	[smem:$0x3F9B] =	sst lr;
	_ =	strace $0xD0000000  }
0x3: {  	_ = 	snop  }
0x4: {  	_ = 	snop  }
0x5: {  	_ = 	snop  }
0x6: {  	_ = 	snop  }
0x7: {  	_ = 	snop  }
__scs_overlays_trampoline_lowered:
0x8: {  	[smem:$0x3FAA] =	sst s0  }
0x9: {  	[smem:$0x3FAB] =	sst s1  }
0xa: {  	[smem:$0x3FAC] =	sst s2  }
0xb: {  	[smem:$0x3FAD] =	sst s3  }
0xc: {  	[smem:$0x3FAE] =	sst s4  }
0xd: {  	[smem:$0x3FAF] =	sst s5  }
0xe: {  	[smem:$0x3FB0] =	sst s6  }
0xf: {  	[smem:$0x3FB1] =	sst s7  }
0x10: {  	[smem:$0x3FB2] =	sst s8  }
0x11: {  	[smem:$0x3FB3] =	sst s9;
	s0 =	simm.s32 @!p0 $0x0  }
0x12: {  	s1 =	sld [smem:$0x3F99];
	s0 =	simm.s32 @p0 $0x1  }
0x13: {  	[smem:$0x3FB4] =	sst s0;
	s0 =	simm.s32 @!p1 $0x0  }
0x14: {  	s2 =	sld [smem:$0x3F98];
	s0 =	simm.s32 @p1 $0x1  }
0x15: {  	[smem:$0x3FB5] =	sst s0;
	s0 =	simm.s32 @!p2 $0x0  }
0x16: {  	s3 =	sld [smem:$0x3FDB];
	s0 =	simm.s32 @p2 $0x1  }
0x17: {  	s4 =	simm.s32 $0x1BF5;
	[smem:$0x3FB7] =	sst s0  }
0x18: {  	s0 =	sld [smem:$0x3F9A];
	_ =	swait.ge [sflag:s4], $0x0  }
0x19: {  	s7 =	sld [smem:$0x3F9B]  }
0x1a: {  	s8 =	sadd.s32 $0xFFFFE003, lr  }
0x1b: {  	s9 =	sadd.s32 $0xFFFFFEF7, lr;
	s5 =	simm.s32 $0xFFFFFFFF;
	p2 =	slt.u32 s8, $0xFFFFF086  }
0x1c: {  	p1 =	slt.u32 s9, $0xF7A;
	s5 =	simm.s32 @!p2 $0x0  }
0x1d: {  	s5 =	simm.s32 @p1 $0x1;
	p0 =	seq.s32 s7, s2  }
0x1e: {  	s7 =	smul.u32 @!p0 $0xF7A, s2;
	p2 =	seq.s32 @!p0 s5, $0x0  }
0x1f: {  	s9 =	smul.u32 $0xF7A, s1;
	s8 =	simm.s32 @!p0 $0x1BF5;
	p2 =	por !p2, p0  }
0x20: {  	[sflag:s8] =	ssyncset.s32 @!p0 $0xFFFFF086;
	s6 =	sadd.s32 @!p0 s3, s7;
	s7 =	simm.s32 @!p0 $0x108  }
0x21: {  	s3 =	sadd.s32 s3, s9;
	s6 =	sadd.s32 @!p0 $0x88, s6;
	s7 =	simm.s32 @p2 $0x1082  }
0x22: {  	[simem:s7], [sflag:s8] =	dma.local @!p0 [hbm:s6], $0xF7A  }
0x23: {  	s9 =	sor.u32 $0xD0000000, s2;
	s6 =	simm.s32 $0x108;
	_ =	swait.ge @!p0 [sflag:s8], $0x0  }
0x24: {  	s3 =	sadd.s32 $0x88, s3;
	s6 =	simm.s32 @!p1 $0x1082;
	[sflag:s4] =	ssyncset.s32 $0xFFFFF086  }
0x25: {  	[simem:s6], [sflag:s4] =	dma.local [hbm:s3], $0xF7A  }
0x26: {  	[smem:$0x3F9B] =	sst s1;
	(tag) =	ssettag s2;
	_ =	strace s9  }
0x27: {  	s1 =	sld [smem:$0x3FAB]  }
0x28: {  	s2 =	sld [smem:$0x3FAC]  }
0x29: {  	s4 =	sld [smem:$0x3FAE]  }
0x2a: {  	p0 =	seq.s32 s5, $0x0;
	s5 =	sld [smem:$0x3FAF]  }
0x2b: {  	s6 =	sld [smem:$0x3FB0]  }
0x2c: {  	s7 =	sld [smem:$0x3FB1]  }
0x2d: {  	s3 =	simm.s32 $0x108;
	s8 =	sld [smem:$0x3FB2]  }
0x2e: {  	s3 =	simm.s32 @!p0 $0x1082;
	s9 =	sld [smem:$0x3FB3]  }
0x2f: {  	lr =	sadd.s32 s0, s3;
	s0 =	sld [smem:$0x3FAA]  }
0x30: {  	s3 =	sld [smem:$0x3FAD]  }
0x31: {  	[smem:$0x3FB6] =	sst s10  }
0x32: {  	s10 =	sld [smem:$0x3FB4];
	_ =	sdelay $0x3  }
0x33: {  	p0 =	seq.s32 s10, $0x1;
	s10 =	sld [smem:$0x3FB6];
	_ =	sdelay $0x3  }
0x34: {  	[smem:$0x3FB6] =	sst s10  }
0x35: {  	s10 =	sld [smem:$0x3FB5];
	_ =	sdelay $0x3  }
0x36: {  	p1 =	seq.s32 s10, $0x1;
	s10 =	sld [smem:$0x3FB6];
	_ =	sdelay $0x3  }
0x37: {  	[smem:$0x3FB6] =	sst s10  }
0x38: {  	s10 =	sld [smem:$0x3FB7]  }
0x39: {  	_ = 	snop;
	(pc) =	sbr.ind lr, $3  }
0x3a: {  	_ = 	snop  }
0x3b: {  	_ = 	snop  }
0x3c: {  	p2 =	seq.s32 s10, $0x1;
	s10 =	sld [smem:$0x3FB6]  }
0x3d: {  	_ =	shalt  }
0x3e: {  	_ =	shalt  }
0x3f: {  	_ =	shalt  }
0x40: {  	_ =	shalt  }
0x41: {  	_ =	shalt  }
0x42: {  	_ =	shalt  }
0x43: {  	_ =	shalt  }
0x44: {  	_ =	shalt  }
0x45: {  	_ =	shalt  }
0x46: {  	_ =	shalt  }
0x47: {  	_ =	shalt  }
0x48: {  	_ =	shalt  }
0x49: {  	_ =	shalt  }
0x4a: {  	_ =	shalt  }
0x4b: {  	_ =	shalt  }
0x4c: {  	_ =	shalt  }
0x4d: {  	_ =	shalt  }
0x4e: {  	_ =	shalt  }
0x4f: {  	_ =	shalt  }
0x50: {  	_ =	shalt  }
0x51: {  	_ =	shalt  }
0x52: {  	_ =	shalt  }
0x53: {  	_ =	shalt  }
0x54: {  	_ =	shalt  }
0x55: {  	_ =	shalt  }
0x56: {  	_ =	shalt  }
0x57: {  	_ =	shalt  }
0x58: {  	_ =	shalt  }
0x59: {  	_ =	shalt  }
0x5a: {  	_ =	shalt  }
0x5b: {  	_ =	shalt  }
0x5c: {  	_ =	shalt  }
0x5d: {  	_ =	shalt  }
0x5e: {  	_ =	shalt  }
0x5f: {  	_ =	shalt  }
0x60: {  	_ =	shalt  }
0x61: {  	_ =	shalt  }
0x62: {  	_ =	shalt  }
0x63: {  	_ =	shalt  }
0x64: {  	_ =	shalt  }
0x65: {  	_ =	shalt  }
0x66: {  	_ =	shalt  }
0x67: {  	_ =	shalt  }
0x68: {  	_ =	shalt  }
0x69: {  	_ =	shalt  }
0x6a: {  	_ =	shalt  }
0x6b: {  	_ =	shalt  }
0x6c: {  	_ =	shalt  }
0x6d: {  	_ =	shalt  }
0x6e: {  	_ =	shalt  }
0x6f: {  	_ =	shalt  }
0x70: {  	_ =	shalt  }
0x71: {  	_ =	shalt  }
0x72: {  	_ =	shalt  }
0x73: {  	_ =	shalt  }
0x74: {  	_ =	shalt  }
0x75: {  	_ =	shalt  }
0x76: {  	_ =	shalt  }
0x77: {  	_ =	shalt  }
0x78: {  	_ =	shalt  }
0x79: {  	_ =	shalt  }
0x7a: {  	_ =	shalt  }
0x7b: {  	_ =	shalt  }
0x7c: {  	_ =	shalt  }
0x7d: {  	_ =	shalt  }
0x7e: {  	_ =	shalt  }
0x7f: {  	_ =	shalt  }
0x80: {  	_ =	shalt  }
0x81: {  	_ =	shalt  }
0x82: {  	_ =	shalt  }
0x83: {  	_ =	shalt  }
0x84: {  	_ =	shalt  }
0x85: {  	_ =	shalt  }
0x86: {  	_ =	shalt  }
0x87: {  	_ =	shalt  }
.Lfunc_end0:
.L_simem_size_0:
called_computation_lowered:
.L_overlay_start_0:
0x88: {  	s2 =	sld [smem:$0x3FD9]  }
0x89: {  	s3 =	sld [smem:$0x3FFE];
	_ =	sdelay $0x1  }
0x8a: {  	s1 =	srdreg.scid  }
0x8b: {  	s0 =	sand.u32 $0x1, s1  }
0x8c: {  	s16 =	sshll.u32 s0, $0xA;
	s2 =	sadd.s32 s3, s2  }
0x8d: {  	s2 =	sadd.s32 s2, s16  }
0x8e: {  	[smem:$0x3FC2] =	sst s2  }
0x8f: {  	_ = 	snop  }
0x90: {  	(tm) =	ssettm $0x1  }
0x91: {  	s17 =	sld [smem:$0x3FFB];
	_ =	sdelay $0x3  }
0x92: {  	_ =	strace s17  }
0x93: {  	s2 =	sld [smem:$0x3FFC];
	_ =	sdelay $0x3  }
0x94: {  	_ =	strace s2  }
0x95: {  	s2 =	sld [smem:$0x3FFD];
	_ =	sdelay $0x3  }
0x96: {  	_ =	strace s2  }
0x97: {  	_ =	strace $0x8FFFFFFF  }
0x98: {  	s18 =	sld [smem:$0x3FDB];
	_ =	sdelay $0x1  }
0x99: {  	s19 =	simm.s32 $_scs_section_size  }
0x9a: {  	s4 =	simm.s32 $_size__tile_overlayer_lowered;
	s5 =	simm.s32 $_tile_overlayer_lowered  }
0x9b: {  	s22 =	simm.s32 $0x1BFF;
	s21 =	sshll.u32 s5, $0x1;
	s2 =	sadd.s32 s19, s18  }
0x9c: {  	s6 =	simm.s32 $0x0;
	s20 =	sshll.u32 s4, $0x1;
	s4 =	sadd.s32 s21, s2  }
0x9d: {  	[timem:s6], [sflag:s22] =	dma.local [hbm:s4], s20  }
0x9e: {  	_ =	swait.ge [sflag:s22], s20  }
0x9f: {  	s3 =	ssub.s32 $0x0, s20;
	[sflag:s22] =	ssyncset.done $0x0  }
0xa0: {  	[sflag:s22] =	ssyncadd.s32 s3;
	_ =	sdelay $0x1  }
0xa1: {  	s23 =	simm.s32 $0x1B8B  }
0xa2: {  	_ =	swait.ge [sflag:s23], $0x1  }
0xa3: {  	[sflag:s23] =	ssyncset.done $0x0  }
0xa4: {  	s25 =	simm.s32 $0x1B8E;
	s24 =	sld [smem:$0x3FFE];
	[sflag:s23] =	ssyncadd.s32 $0xFFFFFFFF  }
0xa5: {  	s26 =	simm.s32 $execute0_lowered;
	[smem:$0x3FD2] =	sst s25  }
0xa6: {  	s4 =	sshll.u32 s26, $0x1;
	_ =	strace $0x80000046;
	[dreg:$0x1] =	wrdreg $0xFFFFFFFF  }
0xa7: {  	s28 =	simm.s32 $_size_execute0_lowered;
	s2 =	sadd.s32 s2, s4;
	[dreg:$0x0] =	wrdreg $0x0  }
0xa8: {  	s4 =	sshll.u32 s28, $0x1;
	[dreg:$0x2] =	wrdreg s2  }
0xa9: {  	[dreg:$0x3] =	wrdreg s4  }
0xaa: {  	[dreg:$0x4] =	wrdreg $0xC0  }
0xab: {  	_ =	task [dreg:s6], $0x5FFFF  }
0xac: {  	[dreg:$0x1] =	wrdreg $0xFFFFFFFF  }
0xad: {  	[dreg:$0x0] =	wrdreg $0x60  }
0xae: {  	[dreg:$0x2] =	wrdreg s24  }
0xaf: {  	[dreg:$0x3] =	wrdreg $0xA8000  }
0xb0: {  	[dreg:$0x4] =	wrdreg $0x9  }
0xb1: {  	_ =	task.clear_ibuf [dreg:s6], $0x5FFFF;
	_ =	strace $0x90000046  }
0xb2: {  	s29 =	simm.s32 $0x9;
	_ =	strace $0x80000048  }
0xb3: {  	_ =	swait.ge [sflag:s29], $0x1  }
0xb4: {  	[sflag:s29] =	ssyncadd.s32 $0xFFFFFFFF  }
0xb5: {  	_ =	strace $0x90000048  }
0xb6: {  	_ =	sfence  }
0xb7: {  	s30 =	sld [smem:$0x0];
	_ =	sdelay $0x2  }
0xb8: {  	s31 =	sshll.u32 s1, $0xD;
	s1 =	sshrl.u32 s1, $0x2  }
0xb9: {  	s3 =	sand.u32 $0x4000, s31;
	s1 =	sadd.s32 s1, s30  }
0xba: {  	s0 =	sor.u32 s3, s0;
	s1 =	sshll.u32 s1, $0x11  }
0xbb: {  	s0 =	sor.u32 s1, s0  }
0xbc: {  	s0 =	sadd.s32 $0x8F2B, s0  }
0xbd: {  	[sflag:s0] =	ssyncadd.remote.s32 $0x1  }
0xbe: {  	_ =	sfence.sel $0xFFFF  }
0xbf: {  	[dreg:$0x0] =	wrdreg $0xFFFFFFFF;
	(pc) =	sbr.abs _section_cstart, $3  }
0xc0: {  	[dreg:$0x1] =	wrdreg $0xFFFFFFFF  }
0xc1: {  	_ =	task.clear_ibuf [dreg:s6], $0x2FFFF;
	_ =	strace $0x9FFFFFFF  }
0xc2: {  	(tm) =	ssettm $0x7FFFFFFF  }
0xc3: {  	_ =	shalt  }
tec
execute0_lowered:
.L_overlay_start_1:
0x0: {  	(tag) =	ssettag $0x1  }
0x1: {  	s0 =	srdreg.scid;
	s5 =	rddreg [dreg:$0x0]  }
0x2: {  	s2 =	rddreg [dreg:$0x1];
	s1 =	stileid.u32  }
0x3: {  	s3 =	simm.s32 $0x0;
	s22 =	simm.s32 $0x6800;
	s14 =	smul.u32 $0x5, s1  }
0x4: {  	s4 =	sand.u32 $0x1, s0;
	s0 =	rddreg [dreg:$0x2];
	s11 =	smul.u32 $0x50000, s1  }
0x5: {  	s23 =	simm.s32 $0x80;
	[smem:$0x7FF] =	sst s3;
	s16 =	smul.u32 $0x14000, s1  }
0x6: {  	p0 =	sne.s32 s1, $0xF;
	p2 =	seq.s32 s1, $0xF;
	s6 =	sshll.u32 s4, $0x4  }
0x7: {  	_ =	strace $0x80000047;
	s7 =	ssub.s32 $0x2, s4;
	s4 =	smul.u32 $0x138800, s4  }
0x8: {  	p1 =	sne.s32 @p0 s1, $0x0;
	s6 =	sor.u32 s1, s6;
	s8 =	sshrl.u32 s7, $0x1  }
0x9: {  	s11 =	sshrl.u32 s11, $0x2;
	s15 =	sshll.u32 s14, $0xE;
	s14 =	sadd.s32 $0x4, s14  }
0xa: {  	p1 =	por p1, !p0;
	s6 =	smul.u32 $0x500, s6;
	s10 =	ssub.s32 s7, s8  }
0xb: {  	s9 =	sshrl.u32 s4, $0x3;
	s7 =	sadd.s32 $0x138800, s2;
	s8 =	sadd.s32 $0x138000, s2  }
0xc: {  	s11 =	sadd.s32 s11, s2;
	s17 =	sadd.s32 $0x4000, s15;
	s18 =	sadd.s32 $0x8000, s15  }
0xd: {  	s19 =	sadd.s32 $0xC000, s15;
	s20 =	sshll.u32 s14, $0xE;
	s21 =	sadd.s32 s4, s16  }
0xe: {  	s10 =	smax.u32 s10, $0x1;
	s12 =	sadd.s32 s17, s2;
	s13 =	sadd.s32 s18, s2  }
0xf: {  	s15 =	sadd.s32 s19, s2;
	s16 =	sadd.s32 s20, s2;
	s24 =	sshrl.u32 s21, $0x3  }
0x10: {  	s25 =	sadd.s32 s4, s17;
	s28 =	sadd.s32 s4, s18;
	s30 =	sadd.s32 s4, s19  }
0x11: {  	s21 =	simm.s32 $0x1;
	s6 =	sadd.s32 s6, s5;
	s5 =	sadd.s32 $0x16A00, s5  }
0x12: {  	s26 =	sshrl.u32 s25, $0x3;
	s29 =	sshrl.u32 s28, $0x3;
	s31 =	sshrl.u32 s30, $0x3  }
0x13: {  	s25 =	simm.s32 $0x0;
	s6 =	sadd.s32 $0xCA00, s6;
	s9 =	sadd.s32 s5, s9  }
0x14: {  	s17 =	sadd.s32 s5, s24;
	s18 =	sadd.s32 s5, s26;
	s19 =	sadd.s32 s5, s29  }
0x15: {  	v0 =	vimm.f32 $0.0e+00;
	v1 =	vimm.f32 $1.000000000e+00;
	s20 =	sadd.s32 s5, s31;
	s24 =	simm.s32 $0x2800;
	s9 =	sadd.s32 $0x27000, s9  }
.LBB2_1:
0x16: {  	[tilespmem:s3], [sflag:$0x1] =	stream.linear.gather [hbm4b:s6+s3], $0x2800, $0x38;
	[tilespmem:$0x1E0C0] =	vst v63  }
0x17: {  	_ =	swait.ge [sflag:s21], $0x2800  }
0x18: {  	[sflag:s21] =	ssyncset.done $0x0  }
0x19: {  	s26 =	simm.s32 $0x0;
	s28 =	simm.s32 $0x200;
	[sflag:s21] =	ssyncadd.s32 $0xFFFFD800  }
.LBB2_2:
0x1a: {  	p3 =	sne.s32 s28, $0xFE00;
	[tilespmem:s26+$0x6870] =	vst v0  }
0x1b: {  	[tilespmem:s26+$0x6800] =	vst v0  }
0x1c: {  	[tilespmem:s26+$0x6810] =	vst v0  }
.Ltmp0:
0x1d: {  	[tilespmem:s26+$0x6820] =	vst v0;
	(pc) =	sbr.rel @p3 .LBB2_2-.Ltmp0, $4  }
0x1e: {  	[tilespmem:s26+$0x6830] =	vst v0  }
0x1f: {  	[tilespmem:s26+$0x6840] =	vst v0  }
0x20: {  	[tilespmem:s26+$0x6850] =	vst v0  }
0x21: {  	[tilespmem:s26+$0x6860] =	vst v0;
	s26 =	sshra.s32 s28, $0x2;
	s28 =	sadd.s32 $0x200, s28  }
0x22: {  	[tilespmem:s26+$0x6870] =	vst v0  }
0x23: {  	[tilespmem:s26+$0x6800] =	vst v0  }
0x24: {  	[tilespmem:s26+$0x6810] =	vst v0  }
0x25: {  	[tilespmem:s26+$0x6820] =	vst v0  }
0x26: {  	[tilespmem:s26+$0x6830] =	vst v0  }
0x27: {  	[tilespmem:s26+$0x6840] =	vst v0  }
0x28: {  	[tilespmem:s26+$0x6850] =	vst v0  }
0x29: {  	[tilespmem:s26+$0x6860] =	vst v0  }
0x2a: {  	[spmem:s11] =	stream.linear.scatter [tilespmem:s22], [sflag:$0x1], $0x4000, $0x38;
	[tilespmem:$0x1E0C0] =	vst v63  }
0x2b: {  	_ =	swait.ge [sflag:s21], $0x4000  }
0x2c: {  	[sflag:s21] =	ssyncset.done $0x0  }
0x2d: {  	[sflag:s21] =	ssyncadd.s32 $0xFFFFC000  }
0x2e: {  	[spmem:s12] =	stream.linear.scatter [tilespmem:s22], [sflag:$0x1], $0x4000, $0x38;
	[tilespmem:$0x1E0C0] =	vst v63  }
0x2f: {  	_ =	swait.ge [sflag:s21], $0x4000  }
0x30: {  	[sflag:s21] =	ssyncset.done $0x0  }
0x31: {  	[sflag:s21] =	ssyncadd.s32 $0xFFFFC000  }
0x32: {  	[spmem:s13] =	stream.linear.scatter [tilespmem:s22], [sflag:$0x1], $0x4000, $0x38;
	[tilespmem:$0x1E0C0] =	vst v63  }
0x33: {  	_ =	swait.ge [sflag:s21], $0x4000  }
0x34: {  	[sflag:s21] =	ssyncset.done $0x0  }
0x35: {  	s26 =	simm.s32 @p0 $0x6800;
	s28 =	simm.s32 @p0 $0x1;
	[sflag:s21] =	ssyncadd.s32 $0xFFFFC000  }
0x36: {  	[spmem:s15] =	stream.linear.scatter @p0 [tilespmem:s26], [sflag:$0x1], $0x4000, $0x38;
	[tilespmem:$0x1E0C0] =	vst v63  }
0x37: {  	_ =	swait.ge @p0 [sflag:s28], $0x4000  }
0x38: {  	[sflag:s28] =	ssyncset.done @p0 $0x0  }
0x39: {  	[sflag:s28] =	ssyncadd.s32 @p0 $0xFFFFC000  }
0x3a: {  	[spmem:s16] =	stream.linear.scatter @p0 [tilespmem:s26], [sflag:$0x1], $0x4000, $0x38;
	[tilespmem:$0x1E0C0] =	vst v63  }
0x3b: {  	_ =	swait.ge @p0 [sflag:s28], $0x4000  }
0x3c: {  	[sflag:s28] =	ssyncset.done @p0 $0x0  }
0x3d: {  	s26 =	simm.s32 @!p1 $0x6800;
	[sflag:s28] =	ssyncadd.s32 @p0 $0xFFFFC000  }
0x3e: {  	[spmem:s7] =	stream.linear.scatter @!p1 [tilespmem:s26], [sflag:$0x1], $0x400, $0x38;
	[tilespmem:$0x1E0C0] =	vst v63  }
0x3f: {  	s26 =	simm.s32 @!p1 $0x1  }
0x40: {  	_ =	swait.ge @!p1 [sflag:s26], $0x400  }
0x41: {  	[sflag:s26] =	ssyncset.done @!p1 $0x0  }
0x42: {  	[sflag:s26] =	ssyncadd.s32 @!p1 $0xFFFFFC00;
	s26 =	simm.s32 @!p0 $0x6800  }
0x43: {  	[spmem:s8] =	stream.linear.scatter @!p0 [tilespmem:s26], [sflag:$0x1], $0x800, $0x38;
	[tilespmem:$0x1E0C0] =	vst v63  }
0x44: {  	s26 =	simm.s32 @!p0 $0x1  }
0x45: {  	_ =	swait.ge @!p0 [sflag:s26], $0x800  }
0x46: {  	[sflag:s26] =	ssyncset.done @!p0 $0x0  }
0x47: {  	[sflag:s26] =	ssyncadd.s32 @!p0 $0xFFFFF800;
	s26 =	smov.u32 s14  }
0x48: {  	s29 =	simm.s32 $0x200;
	s28 =	simm.s32 $0x0;
	s26 =	simm.s32 @!p0 $0x4F  }
.LBB2_4:
0x49: {  	p3 =	sne.s32 s29, $0xFE00;
	[tilespmem:s28+$0x2870] =	vst v1  }
0x4a: {  	[tilespmem:s28+$0x2800] =	vst v1  }
0x4b: {  	[tilespmem:s28+$0x2810] =	vst v1  }
.Ltmp1:
0x4c: {  	[tilespmem:s28+$0x2820] =	vst v1;
	(pc) =	sbr.rel @p3 .LBB2_4-.Ltmp1, $4  }
0x4d: {  	[tilespmem:s28+$0x2830] =	vst v1  }
0x4e: {  	[tilespmem:s28+$0x2840] =	vst v1  }
0x4f: {  	[tilespmem:s28+$0x2850] =	vst v1  }
0x50: {  	[tilespmem:s28+$0x2860] =	vst v1;
	s28 =	sshra.s32 s29, $0x2;
	s29 =	sadd.s32 $0x200, s29  }
0x51: {  	[tilespmem:s28+$0x2870] =	vst v1  }
0x52: {  	[tilespmem:s28+$0x2800] =	vst v1  }
0x53: {  	[tilespmem:s28+$0x2810] =	vst v1  }
0x54: {  	[tilespmem:s28+$0x2820] =	vst v1  }
0x55: {  	[tilespmem:s28+$0x2830] =	vst v1  }
0x56: {  	[tilespmem:s28+$0x2840] =	vst v1  }
0x57: {  	[tilespmem:s28+$0x2850] =	vst v1  }
0x58: {  	[tilespmem:s28+$0x2860] =	vst v1  }
0x59: {  	s28 =	simm.s32 $0x0;
	[bflag:$0x0] =	sbarrier.arrive $0xFFFF  }
0x5a: {  	[spmem:s2] =	stream.indirect.scatter.add.f32 [tilespmem:s24], [sflag:$0x1], $0x80, s28, s23, $0xb8;
	[tilespmem:$0x1E0C0] =	vst v63  }
0x5b: {  	_ =	swait.ge [sflag:s21], $0x4000  }
0x5c: {  	s28 =	simm.s32 $0x200;
	[sflag:s21] =	ssyncset.done $0x0  }
.LBB2_6:
0x5d: {  	s29 =	sshra.s32 s28, $0x2;
	[sflag:s21] =	ssyncadd.s32 $0xFFFFC000;
	p3 =	sne.s32 s28, $0x9E00  }
0x5e: {  	[spmem:s2] =	stream.indirect.scatter.add.f32 [tilespmem:s24], [sflag:$0x1], $0x80, s29, s23, $0xb8;
	[tilespmem:$0x1E0C0] =	vst v63  }
.Ltmp2:
0x5f: {  	_ = 	snop;
	(pc) =	sbr.rel @p3 .LBB2_6-.Ltmp2, $4  }
0x60: {  	_ = 	snop  }
0x61: {  	s28 =	sadd.s32 $0x200, s28  }
0x62: {  	_ =	swait.ge [sflag:s21], $0x4000  }
0x63: {  	[sflag:s21] =	ssyncset.done $0x0  }
0x64: {  	[sflag:s21] =	ssyncadd.s32 $0xFFFFC000;
	s28 =	sshll.u32 s1, $0x6  }
0x65: {  	s29 =	sshrl.u32 s11, $0x3;
	[bflag:$0x0] =	sbarrier.arrive $0xFFFF;
	s28 =	sor.u32 $0x1C01, s28  }
0x66: {  	[hbm:s17], [sflag:s28] =	dma.local [spmem:s29], $0x800  }
0x67: {  	_ =	swait.ge [sflag:s21], $0x800  }
0x68: {  	[sflag:s21] =	ssyncset.done $0x0  }
0x69: {  	s30 =	sshrl.u32 s12, $0x3;
	[sflag:s21] =	ssyncadd.s32 $0xFFFFF800  }
0x6a: {  	[hbm:s18], [sflag:s28] =	dma.local [spmem:s30], $0x800  }
0x6b: {  	_ =	swait.ge [sflag:s21], $0x800  }
0x6c: {  	[sflag:s21] =	ssyncset.done $0x0  }
0x6d: {  	s31 =	sshrl.u32 s13, $0x3;
	[sflag:s21] =	ssyncadd.s32 $0xFFFFF800  }
0x6e: {  	[hbm:s19], [sflag:s28] =	dma.local [spmem:s31], $0x800  }
0x6f: {  	_ =	swait.ge [sflag:s21], $0x800  }
0x70: {  	[sflag:s21] =	ssyncset.done $0x0  }
0x71: {  	s29 =	sshrl.u32 @p2 s8, $0x3;
	s30 =	simm.s32 @p2 $0x1FC1;
	[sflag:s21] =	ssyncadd.s32 $0xFFFFF800  }
0x72: {  	[hbm:s9], [sflag:s30] =	dma.local @p2 [spmem:s29], $0x100  }
0x73: {  	s29 =	simm.s32 @p2 $0x1  }
0x74: {  	_ =	swait.ge @p2 [sflag:s29], $0x100  }
0x75: {  	[sflag:s29] =	ssyncset.done @p2 $0x0  }
0x76: {  	s25 =	sadd.s32 $0x1, s25;
	[sflag:s29] =	ssyncadd.s32 @p2 $0xFFFFFF00;
	s29 =	sshrl.u32 @!p2 s15, $0x3  }
0x77: {  	[hbm:s20], [sflag:s28] =	dma.local @!p2 [spmem:s29], $0x800  }
0x78: {  	s26 =	sshll.u32 @!p2 s26, $0xE;
	p3 =	sne.s32 s25, s10;
	s29 =	simm.s32 @!p2 $0x1  }
0x79: {  	s30 =	sadd.s32 @!p2 s4, s26;
	s26 =	sadd.s32 @!p2 s26, s2;
	_ =	swait.ge @!p2 [sflag:s29], $0x800  }
0x7a: {  	s30 =	sshrl.u32 @!p2 s30, $0x3;
	s26 =	sshrl.u32 @!p2 s26, $0x3;
	[sflag:s29] =	ssyncset.done @!p2 $0x0  }
.Ltmp3:
0x7b: {  	s30 =	sadd.s32 @!p2 s5, s30;
	[sflag:s29] =	ssyncadd.s32 @!p2 $0xFFFFF800;
	(pc) =	sbr.rel @p3 .LBB2_1-.Ltmp3, $4  }
0x7c: {  	[hbm:s30], [sflag:s28] =	dma.local @!p2 [spmem:s26], $0x800  }
0x7d: {  	_ =	swait.ge @!p2 [sflag:s29], $0x800  }
0x7e: {  	[sflag:s29] =	ssyncset.done @!p2 $0x0  }
0x7f: {  	[sflag:s29] =	ssyncadd.s32 @!p2 $0xFFFFF800  }
0x80: {  	_ =	sfence.sel $0x180000  }
0x81: {  	[bflag:$0x0] =	sbarrier.arrive $0xFFFF  }
0x82: {  	p0 =	sne.s32 s1, $0x0;
	_ =	strace $0x90000047  }
0x83: {  	s0 =	sadd.s32 @!p0 $0x100000, s0;
	[bflag:$0x2] =	sbarrier.arrive $0xFFFF  }
0x84: {  	[sflag:s0] =	ssyncadd.tile.s32 @!p0 $0x1;
	_ =	shalt  }
.Lfunc_end2:
_tile_overlayer_lowered:
.L_overlay_start_2:
0x85: {  	(tag) =	ssettag $0x2  }
0x86: {  	s0 =	rddreg [dreg:$0x0];
	s2 =	stileid.u32  }
0x87: {  	s1 =	rddreg [dreg:$0x1];
	p0 =	sne.s32 s2, $0x0  }
0x88: {  	s3 =	rddreg [dreg:$0x2];
	[bflag:$0x3] =	sbarrier.arrive $0xFFFF;
	s2 =	simm.s32 @!p0 $0x1C01  }
0x89: {  	[timem:s3], [sflag:s2] =	dma.local @!p0 [hbm:s0], s1  }
0x8a: {  	s0 =	simm.s32 @!p0 $0x1  }
0x8b: {  	_ =	swait.ge @!p0 [sflag:s0], s1  }
0x8c: {  	s1 =	ssub.s32 @!p0 $0x0, s1;
	[sflag:s0] =	ssyncset.done @!p0 $0x0  }
0x8d: {  	[sflag:s0] =	ssyncadd.s32 @!p0 s1  }
0x8e: {  	[bflag:$0x3] =	sbarrier.arrive $0xFFFF  }
0x8f: {  	_ =	shalt  }

</sc_bundles>
